<compile_context>
chip_gen: v7x
topology: tpu7x:2x2x1
jax: 0.10.2.dev20260603
libtpu: 0.0.44.dev20260713+nightly
codegen_flags: <defaults>
</compile_context>

<pallas_src>
import functools
import math

import jax
import jax.numpy as jnp
from jax.experimental import pallas as pl
from jax.experimental.pallas import tpu as pltpu
from jax.experimental.pallas import tpu_sc as plsc

THETA = 10000.0
EPS = 1e-5

BM = 256
NB = 4096 // BM + 8
APAD = 4096 + 8 * BM
TRASH_BLK = APAD // BM
ALLOC = APAD + BM


def _rmsnorm(x, w, eps=EPS):
    var = jnp.mean(x * x, axis=-1, keepdims=True)
    return w * (x * jax.lax.rsqrt(var + eps))


def _pre_attn_body(hs_ref, win_ref, wq_ref, wk_ref, wv_ref, wqln_ref, wkln_ref,
                   q_ref, k_ref, v_ref, *, bt, dh):
    i = pl.program_id(0)
    h = _rmsnorm(hs_ref[...], win_ref[...]).astype(jnp.bfloat16)
    q = jnp.dot(h, wq_ref[...], preferred_element_type=jnp.float32)
    k = jnp.dot(h, wk_ref[...], preferred_element_type=jnp.float32)
    v = jnp.dot(h, wv_ref[...], preferred_element_type=jnp.float32)
    q = _rmsnorm(q, wqln_ref[...])
    k = _rmsnorm(k, wkln_ref[...])

    hd = q.shape[-1]
    half = dh // 2
    lane = jax.lax.broadcasted_iota(jnp.int32, (bt, dh), 1)
    lmod = (lane % half).astype(jnp.float32)
    freq = jnp.exp(lmod * (-math.log(THETA) / half))
    t = (i * bt + jax.lax.broadcasted_iota(jnp.int32, (bt, dh), 0)).astype(jnp.float32)
    ang = t * freq
    reps = hd // dh
    cos = jnp.concatenate([jnp.cos(ang)] * reps, axis=1)
    sin = jnp.concatenate([jnp.sin(ang)] * reps, axis=1)
    in_first_half = (jax.lax.broadcasted_iota(jnp.int32, (bt, hd), 1) % dh) < half

    def rot(x):
        plus = jnp.concatenate([x[:, -half:], x[:, :-half]], axis=1)
        minus = jnp.concatenate([x[:, half:], x[:, :half]], axis=1)
        return jnp.where(in_first_half, -minus, plus)

    q_ref[...] = (q * cos + rot(q) * sin).astype(jnp.bfloat16)
    k_ref[...] = (k * cos + rot(k) * sin).astype(jnp.bfloat16)
    v_ref[...] = v.astype(jnp.bfloat16)


def _pre_attn(hs, w_in, wq, wk, wv, w_qln, w_kln, *, bt, dh):
    s, d = hs.shape
    hd = wq.shape[1]
    kvhd = wk.shape[1]
    grid = (s // bt,)
    body = functools.partial(_pre_attn_body, bt=bt, dh=dh)
    return pl.pallas_call(
        body,
        grid=grid,
        in_specs=[
            pl.BlockSpec((bt, d), lambda i: (i, 0)),
            pl.BlockSpec((1, d), lambda i: (0, 0)),
            pl.BlockSpec((d, hd), lambda i: (0, 0)),
            pl.BlockSpec((d, kvhd), lambda i: (0, 0)),
            pl.BlockSpec((d, kvhd), lambda i: (0, 0)),
            pl.BlockSpec((1, hd), lambda i: (0, 0)),
            pl.BlockSpec((1, kvhd), lambda i: (0, 0)),
        ],
        out_specs=[
            pl.BlockSpec((bt, hd), lambda i: (i, 0)),
            pl.BlockSpec((bt, kvhd), lambda i: (i, 0)),
            pl.BlockSpec((bt, kvhd), lambda i: (i, 0)),
        ],
        out_shape=[
            jax.ShapeDtypeStruct((s, hd), jnp.bfloat16),
            jax.ShapeDtypeStruct((s, kvhd), jnp.bfloat16),
            jax.ShapeDtypeStruct((s, kvhd), jnp.bfloat16),
        ],
    )(hs, w_in, wq, wk, wv, w_qln, w_kln)


def _flash_body(q_ref, k_ref, v_ref, o_ref, *, bq, bk, dh, scale):
    qi = pl.program_id(1)
    q = q_ref[0] * jnp.bfloat16(scale)
    hb = bq // 2

    def step(j, carry, masked):
        k = k_ref[0, pl.ds(j * bk, bk), :]
        v = v_ref[0, pl.ds(j * bk, bk), :]
        vaug = jnp.concatenate([v, jnp.ones((bk, 1), jnp.bfloat16)], axis=1)
        ss = []
        for half in range(2):
            qh = q[half * hb:(half + 1) * hb, :]
            s = jax.lax.dot_general(qh, k, (((1,), (1,)), ((), ())),
                                    preferred_element_type=jnp.float32)
            if masked:
                rpos = half * hb + jax.lax.broadcasted_iota(jnp.int32, (hb, bk), 0)
                cpos = jax.lax.broadcasted_iota(jnp.int32, (hb, bk), 1)
                s = jnp.where(rpos >= cpos, s, -1e9)
            ss.append(s)
        out = []
        for half in range(2):
            m, l, acc = carry[3 * half:3 * half + 3]
            s = ss[half]
            m_new = jnp.maximum(m, jnp.max(s, axis=-1, keepdims=True))
            alpha = jnp.exp(m - m_new)
            p = jnp.exp(s - m_new).astype(jnp.bfloat16)
            pv = jnp.dot(p, vaug, preferred_element_type=jnp.float32)
            l_new = l * alpha + pv[:, dh:dh + 1]
            acc_new = acc * alpha + pv[:, :dh]
            out += [m_new, l_new, acc_new]
        return tuple(out)

    init = []
    for _ in range(2):
        init += [jnp.full((hb, 1), -1e30, jnp.float32),
                 jnp.zeros((hb, 1), jnp.float32),
                 jnp.zeros((hb, dh), jnp.float32)]
    carry = jax.lax.fori_loop(0, qi * (bq // bk),
                              lambda j, c: step(j, c, masked=False),
                              tuple(init))
    res = step(qi * (bq // bk), carry, masked=True)
    o_ref[0, :hb, :] = (res[2] / res[1]).astype(jnp.bfloat16)
    o_ref[0, hb:, :] = (res[5] / res[4]).astype(jnp.bfloat16)


def _flash_attn(q, k, v, *, bq, bk):
    h, s, dh = q.shape
    scale = 1.0 / math.sqrt(dh)
    body = functools.partial(_flash_body, bq=bq, bk=bk, dh=dh, scale=scale)
    return pl.pallas_call(
        body,
        grid=(h, s // bq),
        in_specs=[
            pl.BlockSpec((1, bq, dh), lambda hh, i: (hh, i, 0)),
            pl.BlockSpec((1, s, dh), lambda hh, i: (hh, 0, 0)),
            pl.BlockSpec((1, s, dh), lambda hh, i: (hh, 0, 0)),
        ],
        out_specs=pl.BlockSpec((1, bq, dh), lambda hh, i: (hh, i, 0)),
        out_shape=jax.ShapeDtypeStruct((h, s, dh), jnp.bfloat16),
    )(q, k, v)


def _post_attn_body(ao_ref, res_ref, wo_ref, wpost_ref, wr_ref,
                    h_ref, h2_ref, i1_ref, i2_ref, w1_ref, w2_ref, *, e):
    attn = jnp.dot(ao_ref[...], wo_ref[...], preferred_element_type=jnp.float32)
    h = res_ref[...] + attn
    h_ref[...] = h
    h2 = _rmsnorm(h, wpost_ref[...])
    for j in range(8):
        h2_ref[:, j, :] = h2[:, j * 128:(j + 1) * 128]
    logits = jnp.dot(h2, wr_ref[...], preferred_element_type=jnp.float32)
    mx = jnp.max(logits, axis=-1, keepdims=True)
    ex = jnp.exp(logits - mx)
    probs = ex / jnp.sum(ex, axis=-1, keepdims=True)
    lane = jax.lax.broadcasted_iota(jnp.int32, probs.shape, 1)
    m1 = jnp.max(probs, axis=-1, keepdims=True)
    idx1 = jnp.min(jnp.where(probs == m1, lane, e), axis=-1, keepdims=True)
    excl = jnp.where(lane == idx1, -jnp.inf, probs)
    m2 = jnp.max(excl, axis=-1, keepdims=True)
    idx2 = jnp.min(jnp.where(excl == m2, lane, e), axis=-1, keepdims=True)
    i1_ref[...] = idx1
    i2_ref[...] = idx2
    w1_ref[...] = m1
    w2_ref[...] = m2


def _post_attn(attn_out, residual, wo, w_post, w_router, *, bt):
    s, hd = attn_out.shape
    d = wo.shape[1]
    e = w_router.shape[1]
    body = functools.partial(_post_attn_body, e=e)
    return pl.pallas_call(
        body,
        grid=(s // bt,),
        in_specs=[
            pl.BlockSpec((bt, hd), lambda i: (i, 0)),
            pl.BlockSpec((bt, d), lambda i: (i, 0)),
            pl.BlockSpec((hd, d), lambda i: (0, 0)),
            pl.BlockSpec((1, d), lambda i: (0, 0)),
            pl.BlockSpec((d, e), lambda i: (0, 0)),
        ],
        out_specs=[
            pl.BlockSpec((bt, d), lambda i: (i, 0)),
            pl.BlockSpec((bt, 8, 128), lambda i: (i, 0, 0)),
            pl.BlockSpec((bt, 1), lambda i: (i, 0)),
            pl.BlockSpec((bt, 1), lambda i: (i, 0)),
            pl.BlockSpec((bt, 1), lambda i: (i, 0)),
            pl.BlockSpec((bt, 1), lambda i: (i, 0)),
        ],
        out_shape=[
            jax.ShapeDtypeStruct((s, d), jnp.float32),
            jax.ShapeDtypeStruct((s, 8, 128), jnp.float32),
            jax.ShapeDtypeStruct((s, 1), jnp.int32),
            jax.ShapeDtypeStruct((s, 1), jnp.int32),
            jax.ShapeDtypeStruct((s, 1), jnp.float32),
            jax.ShapeDtypeStruct((s, 1), jnp.float32),
        ],
    )(attn_out, residual, wo, w_post, w_router)


def _excl_cumsum_rows(x):
    s, k = x, 1
    while k < x.shape[0]:
        s = s + jnp.concatenate([jnp.zeros((k, x.shape[1]), x.dtype), s[:-k]], 0)
        k *= 2
    return s - x


def _excl_cumsum_lanes(x):
    s, k = x, 1
    while k < x.shape[1]:
        s = s + jnp.concatenate([jnp.zeros((x.shape[0], k), x.dtype), s[:, :-k]], 1)
        k *= 2
    return s - x


def _incl_cumsum_lanes(x):
    s, k = x, 1
    while k < x.shape[1]:
        s = s + jnp.concatenate([jnp.zeros((x.shape[0], k), x.dtype), s[:, :-k]], 1)
        k *= 2
    return s


def _route_meta_body(i1_ref, i2_ref, d1_ref, d2_ref, se_ref, sb_ref, *, ne):
    i1 = i1_ref[...]
    i2 = i2_ref[...]
    cnt = jnp.concatenate(
        [jnp.sum(((i1 == e).astype(jnp.float32) + (i2 == e).astype(jnp.float32)),
                 axis=1, keepdims=True) for e in range(ne)], axis=1)
    totals = jnp.sum(cnt, axis=0, keepdims=True)
    nblk = jnp.floor((totals + (BM - 1)) / BM)
    pcnt = nblk * BM
    offpad = _excl_cumsum_lanes(pcnt)

    d1 = jnp.zeros(i1.shape, jnp.float32)
    d2 = jnp.zeros(i1.shape, jnp.float32)
    for e in range(ne):
        off_e = jax.lax.slice(offpad, (0, e), (1, e + 1))
        m1 = (i1 == e).astype(jnp.float32)
        c1 = _incl_cumsum_lanes(m1)
        rt1 = c1[:, -1:]
        rank1 = (c1 - m1) + _excl_cumsum_rows(rt1)
        t1 = jnp.sum(rt1, axis=0, keepdims=True)
        d1 = d1 + m1 * (off_e + rank1)
        m2 = (i2 == e).astype(jnp.float32)
        c2 = _incl_cumsum_lanes(m2)
        rank2 = (c2 - m2) + _excl_cumsum_rows(c2[:, -1:])
        d2 = d2 + m2 * (off_e + t1 + rank2)
    d1_ref[...] = d1.astype(jnp.int32)
    d2_ref[...] = d2.astype(jnp.int32)

    cbi = _excl_cumsum_lanes(nblk) + nblk
    cbe = cbi - nblk
    slot = jax.lax.broadcasted_iota(jnp.int32, (1, NB), 1).astype(jnp.float32)
    se = jnp.zeros((1, NB), jnp.float32)
    sb = jnp.zeros((1, NB), jnp.float32)
    for e in range(ne):
        ci = jax.lax.slice(cbi, (0, e), (1, e + 1))
        se = se + (slot >= ci).astype(jnp.float32)
        sel = (slot >= jax.lax.slice(cbe, (0, e), (1, e + 1))) & (slot < ci)
        base_blk = jax.lax.slice(offpad, (0, e), (1, e + 1)) / BM
        sb = sb + jnp.where(sel, base_blk + slot - jax.lax.slice(cbe, (0, e), (1, e + 1)), 0.0)
    used = jax.lax.slice(cbi, (0, ne - 1), (1, ne))
    isdummy = slot >= used
    se_ref[...] = jnp.where(isdummy, 0.0, se).astype(jnp.int32)
    sb_ref[...] = jnp.where(isdummy, float(TRASH_BLK), sb).astype(jnp.int32)


def _route_meta(i1r, i2r):
    rows = i1r.shape[0]
    body = functools.partial(_route_meta_body, ne=8)
    return pl.pallas_call(
        body,
        grid=(1,),
        in_specs=[
            pl.BlockSpec(i1r.shape, lambda i: (0, 0)),
            pl.BlockSpec(i2r.shape, lambda i: (0, 0)),
        ],
        out_specs=[
            pl.BlockSpec(i1r.shape, lambda i: (0, 0)),
            pl.BlockSpec(i1r.shape, lambda i: (0, 0)),
            pl.BlockSpec((1, NB), lambda i: (0, 0)),
            pl.BlockSpec((1, NB), lambda i: (0, 0)),
        ],
        out_shape=[
            jax.ShapeDtypeStruct(i1r.shape, jnp.int32),
            jax.ShapeDtypeStruct(i1r.shape, jnp.int32),
            jax.ShapeDtypeStruct((1, NB), jnp.int32),
            jax.ShapeDtypeStruct((1, NB), jnp.int32),
        ],
    )(i1r, i2r)


def _sc_dispatch(h2t, d1, d2):
    t = h2t.shape[0]
    nc, ns = 2, 16
    mesh = plsc.VectorSubcoreMesh(core_axis_name="c", subcore_axis_name="s",
                                  num_cores=nc, num_subcores=ns)
    per = t // (nc * ns)

    @functools.partial(
        pl.kernel,
        mesh=mesh,
        out_type=jax.ShapeDtypeStruct((ALLOC, 8, 128), jnp.float32),
        scratch_types=[
            pltpu.VMEM((per,), jnp.int32),
            pltpu.VMEM((per,), jnp.int32),
            pltpu.VMEM((per, 8, 128), jnp.float32),
            pltpu.SemaphoreType.DMA,
        ],
        compiler_params=pltpu.CompilerParams(use_tc_tiling_on_sc=True),
    )
    def run(h2i_hbm, d1_hbm, d2_hbm, h2s_hbm, d1_v, d2_v, rows_v, sem):
        wid = jax.lax.axis_index("s") * nc + jax.lax.axis_index("c")
        base = wid * per
        pltpu.sync_copy(d1_hbm.at[pl.ds(base, per)], d1_v)
        pltpu.sync_copy(d2_hbm.at[pl.ds(base, per)], d2_v)
        pltpu.sync_copy(h2i_hbm.at[pl.ds(base, per)], rows_v)
        pltpu.async_copy(rows_v, h2s_hbm.at[d1_v], sem).wait()
        pltpu.async_copy(rows_v, h2s_hbm.at[d2_v], sem).wait()

    return run(h2t, d1, d2)


def _gemm_body(se_ref, sb_ref, x_ref, wg_ref, wu_ref, wd_ref, y_ref):
    x3 = x_ref[...]
    x = jnp.concatenate([x3[:, j, :] for j in range(8)], axis=1
                        ).astype(jnp.bfloat16)
    g = jnp.dot(x, wg_ref[0], preferred_element_type=jnp.float32)
    u = jnp.dot(x, wu_ref[0], preferred_element_type=jnp.float32)
    a = ((g * jax.lax.logistic(g)) * u).astype(jnp.bfloat16)
    dn = jnp.dot(a, wd_ref[0], preferred_element_type=jnp.float32)
    for j in range(8):
        y_ref[:, j, :] = dn[:, j * 128:(j + 1) * 128]


def _moe_gemm(se, sb, h2s3, wg, wu, wd):
    d = h2s3.shape[1] * h2s3.shape[2]
    e, _, f = wg.shape
    grid_spec = pltpu.PrefetchScalarGridSpec(
        num_scalar_prefetch=2,
        grid=(NB,),
        in_specs=[
            pl.BlockSpec((BM, 8, 128), lambda i, se, sb: (sb[i], 0, 0)),
            pl.BlockSpec((1, d, f), lambda i, se, sb: (se[i], 0, 0)),
            pl.BlockSpec((1, d, f), lambda i, se, sb: (se[i], 0, 0)),
            pl.BlockSpec((1, f, d), lambda i, se, sb: (se[i], 0, 0)),
        ],
        out_specs=pl.BlockSpec((BM, 8, 128), lambda i, se, sb: (sb[i], 0, 0)),
    )
    return pl.pallas_call(
        _gemm_body,
        grid_spec=grid_spec,
        out_shape=jax.ShapeDtypeStruct((ALLOC, 8, 128), jnp.float32),
    )(se, sb, h2s3, wg, wu, wd)


def _sc_gather(yt, d1, d2):
    t = d1.shape[0]
    nc, ns = 2, 16
    mesh = plsc.VectorSubcoreMesh(core_axis_name="c", subcore_axis_name="s",
                                  num_cores=nc, num_subcores=ns)
    per = t // (nc * ns)

    @functools.partial(
        pl.kernel,
        mesh=mesh,
        out_type=[
            jax.ShapeDtypeStruct((t, 8, 128), jnp.float32),
            jax.ShapeDtypeStruct((t, 8, 128), jnp.float32),
        ],
        scratch_types=[
            pltpu.VMEM((per,), jnp.int32),
            pltpu.VMEM((per, 8, 128), jnp.float32),
            pltpu.SemaphoreType.DMA,
        ],
        compiler_params=pltpu.CompilerParams(use_tc_tiling_on_sc=True),
    )
    def run(yi_hbm, d1_hbm, d2_hbm, y1_hbm, y2_hbm, idx_v, buf_v, sem):
        wid = jax.lax.axis_index("s") * nc + jax.lax.axis_index("c")
        base = wid * per
        pltpu.sync_copy(d1_hbm.at[pl.ds(base, per)], idx_v)
        pltpu.async_copy(yi_hbm.at[idx_v], buf_v, sem).wait()
        pltpu.sync_copy(buf_v, y1_hbm.at[pl.ds(base, per)])
        pltpu.sync_copy(d2_hbm.at[pl.ds(base, per)], idx_v)
        pltpu.async_copy(yi_hbm.at[idx_v], buf_v, sem).wait()
        pltpu.sync_copy(buf_v, y2_hbm.at[pl.ds(base, per)])

    return run(yt, d1, d2)


def _combine_body(h_ref, y1_ref, y2_ref, w1_ref, w2_ref, out_ref):
    y13 = y1_ref[...]
    y23 = y2_ref[...]
    y1 = jnp.concatenate([y13[:, j, :] for j in range(8)], axis=1)
    y2 = jnp.concatenate([y23[:, j, :] for j in range(8)], axis=1)
    out_ref[...] = h_ref[...] + w1_ref[...] * y1 + w2_ref[...] * y2


def _combine(h, y1, y2, w1, w2, *, bt):
    s, d = h.shape
    return pl.pallas_call(
        _combine_body,
        grid=(s // bt,),
        in_specs=[
            pl.BlockSpec((bt, d), lambda i: (i, 0)),
            pl.BlockSpec((bt, 8, 128), lambda i: (i, 0, 0)),
            pl.BlockSpec((bt, 8, 128), lambda i: (i, 0, 0)),
            pl.BlockSpec((bt, 1), lambda i: (i, 0)),
            pl.BlockSpec((bt, 1), lambda i: (i, 0)),
        ],
        out_specs=pl.BlockSpec((bt, d), lambda i: (i, 0)),
        out_shape=jax.ShapeDtypeStruct((s, d), jnp.float32),
    )(h, y1, y2, w1, w2)


def kernel(hidden_states, position_ids, w_in, wq, wk, wv, wo, w_qln, w_kln,
           w_post, w_router, wg, wu, wd):
    b, s, d = hidden_states.shape
    hd = wq.shape[1]
    kvhd = wk.shape[1]
    dh = 64
    h = hd // dh
    kvh = kvhd // dh

    hs = hidden_states.reshape(s, d)
    q, k, v = _pre_attn(hs, w_in.reshape(1, d),
                        wq.astype(jnp.bfloat16), wk.astype(jnp.bfloat16),
                        wv.astype(jnp.bfloat16),
                        w_qln.reshape(1, hd), w_kln.reshape(1, kvhd),
                        bt=512, dh=dh)
    q3 = q.reshape(s, h, dh).transpose(1, 0, 2)
    k3 = k.reshape(s, kvh, dh).transpose(1, 0, 2)
    v3 = v.reshape(s, kvh, dh).transpose(1, 0, 2)
    o = _flash_attn(q3, k3, v3, bq=512, bk=512)
    attn_out = o.transpose(1, 0, 2).reshape(s, hd)
    hh, h2, i1, i2, w1, w2 = _post_attn(attn_out, hs, wo.astype(jnp.bfloat16),
                                        w_post.reshape(1, d), w_router, bt=512)
    d1r, d2r, se, sb = _route_meta(i1.reshape(32, s // 32), i2.reshape(32, s // 32))
    d1 = d1r.reshape(s)
    d2 = d2r.reshape(s)
    h2s = _sc_dispatch(h2, d1, d2)
    y = _moe_gemm(se.reshape(NB), sb.reshape(NB), h2s,
                  wg.astype(jnp.bfloat16), wu.astype(jnp.bfloat16),
                  wd.astype(jnp.bfloat16))
    y1t, y2t = _sc_gather(y, d1, d2)
    out = _combine(hh, y1t, y2t, w1, w2, bt=512)
    return out.reshape(b, s, d)

# --- scband reference (transcript-rebuilt; emitter-appended) ---
"""Pipeline reference for scband-neuron-olmoe-decoder-layer-72997264163483 (READ-ONLY COPY).

The authoritative reference and input builder live on the scoring server;
editing this copy changes nothing except your own understanding.
"""

import jax, jax.numpy as jnp
import numpy as np

B, S, D = 1, 2048, 1024
H, KVH, DH = 16, 16, 64
E, K, F = 8, 2, 512
EPS = 1e-5
THETA = 10000.0


def rmsnorm(x, w, eps=EPS):
    xf = x.astype(jnp.float32)
    var = jnp.mean(xf * xf, axis=-1, keepdims=True)
    return (w * (xf * jax.lax.rsqrt(var + eps))).astype(x.dtype)


def rotate_half(x):
    x1, x2 = jnp.split(x, 2, axis=-1)
    return jnp.concatenate([-x2, x1], axis=-1)


def apply_rope(q, k, position_ids):
    inv_freq = 1.0 / (THETA ** (jnp.arange(0, DH, 2).astype(jnp.float32) / DH))
    ang = position_ids.astype(jnp.float32)[:, :, None] * inv_freq[None, None, :]
    emb = jnp.concatenate([ang, ang], axis=-1)
    cos = jnp.cos(emb)[:, None, :, :]
    sin = jnp.sin(emb)[:, None, :, :]
    return q * cos + rotate_half(q) * sin, k * cos + rotate_half(k) * sin


def setup_inputs(seed: int = 0) -> dict:
    key = jax.random.key(seed)
    ks = jax.random.split(key, 16)
    s = 0.02
    return {
        "hidden_states": jax.random.normal(ks[0], (B, S, D), jnp.float32),
        "position_ids": jnp.arange(S).reshape(1, S),
        "w_in": jnp.ones((D,), jnp.float32) + 0.01 * jax.random.normal(ks[1], (D,), jnp.float32),
        "wq": s * jax.random.normal(ks[2], (D, H * DH), jnp.float32),
        "wk": s * jax.random.normal(ks[3], (D, KVH * DH), jnp.float32),
        "wv": s * jax.random.normal(ks[4], (D, KVH * DH), jnp.float32),
        "wo": s * jax.random.normal(ks[5], (H * DH, D), jnp.float32),
        "w_qln": jnp.ones((H * DH,), jnp.float32) + 0.01 * jax.random.normal(ks[6], (H * DH,), jnp.float32),
        "w_kln": jnp.ones((KVH * DH,), jnp.float32) + 0.01 * jax.random.normal(ks[7], (KVH * DH,), jnp.float32),
        "w_post": jnp.ones((D,), jnp.float32) + 0.01 * jax.random.normal(ks[8], (D,), jnp.float32),
        "w_router": s * jax.random.normal(ks[9], (D, E), jnp.float32),
        "wg": s * jax.random.normal(ks[10], (E, D, F), jnp.float32),
        "wu": s * jax.random.normal(ks[11], (E, D, F), jnp.float32),
        "wd": s * jax.random.normal(ks[12], (E, F, D), jnp.float32),
    }


def reference(hidden_states, position_ids, w_in, wq, wk, wv, wo, w_qln, w_kln, w_post, w_router, wg, wu, wd):
    residual = hidden_states
    h = rmsnorm(hidden_states, w_in)
    # fused-QKV projections, then Q/K layernorm BEFORE head reshape (OLMoE convention)
    q = h @ wq
    k = h @ wk
    v = h @ wv
    q = rmsnorm(q, w_qln)
    k = rmsnorm(k, w_kln)
    q = q.reshape(B, S, H, DH).transpose(0, 2, 1, 3)
    k = k.reshape(B, S, KVH, DH).transpose(0, 2, 1, 3)
    v = v.reshape(B, S, KVH, DH).transpose(0, 2, 1, 3)
    q, k = apply_rope(q, k, position_ids)
    scores = jnp.einsum('bhqd,bhkd->bhqk', q, k) / jnp.sqrt(jnp.float32(DH))
    causal = jnp.tril(jnp.ones((S, S), dtype=bool))
    scores = jnp.where(causal[None, None, :, :], scores, jnp.float32(-1e9))
    attn = jax.nn.softmax(scores, axis=-1)
    attn_out = jnp.einsum('bhqk,bhkd->bhqd', attn, v)
    attn_out = attn_out.transpose(0, 2, 1, 3).reshape(B, S, H * DH)
    h = residual + attn_out @ wo
    # MoE block
    residual2 = h
    h2 = rmsnorm(h, w_post)
    hf = h2.reshape(-1, D)
    logits = hf.astype(jnp.float32) @ w_router.astype(jnp.float32)  # router in fp32
    probs = jax.nn.softmax(logits, axis=-1)
    topv, topi = jax.lax.top_k(probs, K)
    # norm_topk_prob = False -> affinities NOT renormalized
    w_full = jnp.sum(jax.nn.one_hot(topi, E, dtype=jnp.float32) * topv[..., None], axis=1)  # [T, E]
    gate = jnp.einsum('td,edf->etf', hf, wg)
    up = jnp.einsum('td,edf->etf', hf, wu)
    act = jax.nn.silu(gate) * up
    down = jnp.einsum('etf,efd->etd', act, wd)
    moe_out = jnp.einsum('te,etd->td', w_full.astype(hf.dtype), down)
    out = residual2 + moe_out.reshape(B, S, D)
    return out

if __name__ == "__main__":
    import jax
    _d = setup_inputs()
    print(jax.jit(kernel)(*tuple(_d.values())))

</pallas_src>

<mosaic_0001>
#map = affine_map<(d0, d1) -> (0, 0, 0)>
#map1 = affine_map<(d0, d1) -> (0)>
module attributes {stable_mosaic.version = 14 : i64} {
  func.func @run(%arg0: i32, %arg1: i32, %arg2: memref<2048x8x128xf32, #tpu.memory_space<hbm>>, %arg3: memref<2048xi32, #tpu.memory_space<hbm>>, %arg4: memref<2048xi32, #tpu.memory_space<hbm>>, %arg5: memref<6400x8x128xf32, #tpu.memory_space<hbm>>, %arg6: memref<64xi32, #tpu.memory_space<vmem>>, %arg7: memref<64xi32, #tpu.memory_space<vmem>>, %arg8: memref<64x8x128xf32, #tpu.memory_space<vmem>>, %arg9: memref<!tpu.dma_semaphore, #tpu.memory_space<semaphore_mem>>) attributes {dimension_semantics = [#tpu.dimension_semantics<core_parallel>, #tpu.dimension_semantics<subcore_parallel>], iteration_bounds = array<i64: 2, 16>, scalar_prefetch = 0 : i64, scratch_operands = 4 : i64, tpu.core_type = #tpu.core_type<sc_vector_subcore>, window_params = [{transform_indices = #map}, {transform_indices = #map1}, {transform_indices = #map1}, {transform_indices = #map}]} {
    %mul3A = arith.constant 2 : i32
    %mul3A_0 = arith.muli %arg1, %mul3A : i32
    %add3A = arith.addi %mul3A_0, %arg0 : i32
    %mul3A_1 = arith.constant 64 : i32
    %mul3A_2 = arith.muli %add3A, %mul3A_1 : i32
    "tpu.region"() ({
      %run_scoped3A = tpu.sem_alloc : memref<!tpu.dma_semaphore, #tpu.memory_space<semaphore_mem>>
      %dma_start3A_17 = tpu.memref_slice %arg3[%mul3A_2] : memref<2048xi32, #tpu.memory_space<hbm>> -> memref<64xi32, #tpu.memory_space<hbm>>
      %dma_start3A_18 = tpu.memref_slice %arg3[%mul3A_2] : memref<2048xi32, #tpu.memory_space<hbm>> -> memref<64xi32, #tpu.memory_space<hbm>>
      tpu.enqueue_dma source(%dma_start3A_18 : memref<64xi32, #tpu.memory_space<hbm>>) target(%arg6 : memref<64xi32, #tpu.memory_space<vmem>>) target_semaphore(%run_scoped3A : memref<!tpu.dma_semaphore, #tpu.memory_space<semaphore_mem>>)
      %dma_wait3A_19 = tpu.memref_slice %arg3[%mul3A_2] : memref<2048xi32, #tpu.memory_space<hbm>> -> memref<64xi32, #tpu.memory_space<hbm>>
      %dma_wait3A_20 = tpu.memref_slice %arg3[%mul3A_2] : memref<2048xi32, #tpu.memory_space<hbm>> -> memref<64xi32, #tpu.memory_space<hbm>>
      tpu.wait_dma2 semaphore(%run_scoped3A : memref<!tpu.dma_semaphore, #tpu.memory_space<semaphore_mem>>) src(%dma_wait3A_20 : memref<64xi32, #tpu.memory_space<hbm>>) dst(%arg6 : memref<64xi32, #tpu.memory_space<vmem>>)
      tpu.yield
    }) : () -> ()
    "tpu.region"() ({
      %run_scoped3A = tpu.sem_alloc : memref<!tpu.dma_semaphore, #tpu.memory_space<semaphore_mem>>
      %dma_start3A_17 = tpu.memref_slice %arg4[%mul3A_2] : memref<2048xi32, #tpu.memory_space<hbm>> -> memref<64xi32, #tpu.memory_space<hbm>>
      %dma_start3A_18 = tpu.memref_slice %arg4[%mul3A_2] : memref<2048xi32, #tpu.memory_space<hbm>> -> memref<64xi32, #tpu.memory_space<hbm>>
      tpu.enqueue_dma source(%dma_start3A_18 : memref<64xi32, #tpu.memory_space<hbm>>) target(%arg7 : memref<64xi32, #tpu.memory_space<vmem>>) target_semaphore(%run_scoped3A : memref<!tpu.dma_semaphore, #tpu.memory_space<semaphore_mem>>)
      %dma_wait3A_19 = tpu.memref_slice %arg4[%mul3A_2] : memref<2048xi32, #tpu.memory_space<hbm>> -> memref<64xi32, #tpu.memory_space<hbm>>
      %dma_wait3A_20 = tpu.memref_slice %arg4[%mul3A_2] : memref<2048xi32, #tpu.memory_space<hbm>> -> memref<64xi32, #tpu.memory_space<hbm>>
      tpu.wait_dma2 semaphore(%run_scoped3A : memref<!tpu.dma_semaphore, #tpu.memory_space<semaphore_mem>>) src(%dma_wait3A_20 : memref<64xi32, #tpu.memory_space<hbm>>) dst(%arg7 : memref<64xi32, #tpu.memory_space<vmem>>)
      tpu.yield
    }) : () -> ()
    "tpu.region"() ({
      %run_scoped3A = tpu.sem_alloc : memref<!tpu.dma_semaphore, #tpu.memory_space<semaphore_mem>>
      %dma_start3A_17 = arith.constant 0 : i32
      %dma_start3A_18 = arith.constant 0 : i32
      %dma_start3A_19 = tpu.memref_slice %arg2[%mul3A_2, %dma_start3A_17, %dma_start3A_18] : memref<2048x8x128xf32, #tpu.memory_space<hbm>> -> memref<64x8x128xf32, #tpu.memory_space<hbm>>
      %dma_start3A_20 = arith.constant 0 : i32
      %dma_start3A_21 = arith.constant 0 : i32
      %dma_start3A_22 = tpu.memref_slice %arg2[%mul3A_2, %dma_start3A_20, %dma_start3A_21] : memref<2048x8x128xf32, #tpu.memory_space<hbm>> -> memref<64x8x128xf32, #tpu.memory_space<hbm>>
      tpu.enqueue_dma source(%dma_start3A_22 : memref<64x8x128xf32, #tpu.memory_space<hbm>>) target(%arg8 : memref<64x8x128xf32, #tpu.memory_space<vmem>>) target_semaphore(%run_scoped3A : memref<!tpu.dma_semaphore, #tpu.memory_space<semaphore_mem>>)
      %dma_wait3A_23 = arith.constant 0 : i32
      %dma_wait3A_24 = arith.constant 0 : i32
      %dma_wait3A_25 = tpu.memref_slice %arg2[%mul3A_2, %dma_wait3A_23, %dma_wait3A_24] : memref<2048x8x128xf32, #tpu.memory_space<hbm>> -> memref<64x8x128xf32, #tpu.memory_space<hbm>>
      %dma_wait3A_26 = arith.constant 0 : i32
      %dma_wait3A_27 = arith.constant 0 : i32
      %dma_wait3A_28 = tpu.memref_slice %arg2[%mul3A_2, %dma_wait3A_26, %dma_wait3A_27] : memref<2048x8x128xf32, #tpu.memory_space<hbm>> -> memref<64x8x128xf32, #tpu.memory_space<hbm>>
      tpu.wait_dma2 semaphore(%run_scoped3A : memref<!tpu.dma_semaphore, #tpu.memory_space<semaphore_mem>>) src(%dma_wait3A_28 : memref<64x8x128xf32, #tpu.memory_space<hbm>>) dst(%arg8 : memref<64x8x128xf32, #tpu.memory_space<vmem>>)
      tpu.yield
    }) : () -> ()
    %dma_start3A = arith.constant 0 : i32
    %dma_start3A_3 = arith.constant 0 : i32
    %dma_start3A_4 = arith.constant 0 : i32
    %dma_start3A_5 = tpu.memref_slice %arg5[%dma_start3A, %dma_start3A_3, %dma_start3A_4] : memref<6400x8x128xf32, #tpu.memory_space<hbm>> -> memref<6400x8x128xf32, #tpu.memory_space<hbm>>
    tpu.enqueue_indirect_dma source(%arg8 : memref<64x8x128xf32, #tpu.memory_space<vmem>>) target(%dma_start3A_5 : memref<6400x8x128xf32, #tpu.memory_space<hbm>>) offsets(%arg6 : memref<64xi32, #tpu.memory_space<vmem>>) semaphore(%arg9 : memref<!tpu.dma_semaphore, #tpu.memory_space<semaphore_mem>>)
    %dma_wait3A = arith.constant 0 : i32
    %dma_wait3A_6 = arith.constant 0 : i32
    %dma_wait3A_7 = arith.constant 0 : i32
    %dma_wait3A_8 = tpu.memref_slice %arg5[%dma_wait3A, %dma_wait3A_6, %dma_wait3A_7] : memref<6400x8x128xf32, #tpu.memory_space<hbm>> -> memref<6400x8x128xf32, #tpu.memory_space<hbm>>
    tpu.wait_indirect_dma semaphore(%arg9 : memref<!tpu.dma_semaphore, #tpu.memory_space<semaphore_mem>>) src(%arg8 : memref<64x8x128xf32, #tpu.memory_space<vmem>>) dst(%dma_wait3A_8 : memref<6400x8x128xf32, #tpu.memory_space<hbm>>)
    %dma_start3A_9 = arith.constant 0 : i32
    %dma_start3A_10 = arith.constant 0 : i32
    %dma_start3A_11 = arith.constant 0 : i32
    %dma_start3A_12 = tpu.memref_slice %arg5[%dma_start3A_9, %dma_start3A_10, %dma_start3A_11] : memref<6400x8x128xf32, #tpu.memory_space<hbm>> -> memref<6400x8x128xf32, #tpu.memory_space<hbm>>
    tpu.enqueue_indirect_dma source(%arg8 : memref<64x8x128xf32, #tpu.memory_space<vmem>>) target(%dma_start3A_12 : memref<6400x8x128xf32, #tpu.memory_space<hbm>>) offsets(%arg7 : memref<64xi32, #tpu.memory_space<vmem>>) semaphore(%arg9 : memref<!tpu.dma_semaphore, #tpu.memory_space<semaphore_mem>>)
    %dma_wait3A_13 = arith.constant 0 : i32
    %dma_wait3A_14 = arith.constant 0 : i32
    %dma_wait3A_15 = arith.constant 0 : i32
    %dma_wait3A_16 = tpu.memref_slice %arg5[%dma_wait3A_13, %dma_wait3A_14, %dma_wait3A_15] : memref<6400x8x128xf32, #tpu.memory_space<hbm>> -> memref<6400x8x128xf32, #tpu.memory_space<hbm>>
    tpu.wait_indirect_dma semaphore(%arg9 : memref<!tpu.dma_semaphore, #tpu.memory_space<semaphore_mem>>) src(%arg8 : memref<64x8x128xf32, #tpu.memory_space<vmem>>) dst(%dma_wait3A_16 : memref<6400x8x128xf32, #tpu.memory_space<hbm>>)
    return
  }
}

#map = affine_map<(d0, d1) -> (0, 0, 0)>
#map1 = affine_map<(d0, d1) -> (0)>
module attributes {stable_mosaic.version = 14 : i64} {
  func.func @run(%arg0: i32, %arg1: i32, %arg2: memref<6400x8x128xf32, #tpu.memory_space<hbm>>, %arg3: memref<2048xi32, #tpu.memory_space<hbm>>, %arg4: memref<2048xi32, #tpu.memory_space<hbm>>, %arg5: memref<2048x8x128xf32, #tpu.memory_space<hbm>>, %arg6: memref<2048x8x128xf32, #tpu.memory_space<hbm>>, %arg7: memref<64xi32, #tpu.memory_space<vmem>>, %arg8: memref<64x8x128xf32, #tpu.memory_space<vmem>>, %arg9: memref<!tpu.dma_semaphore, #tpu.memory_space<semaphore_mem>>) attributes {dimension_semantics = [#tpu.dimension_semantics<core_parallel>, #tpu.dimension_semantics<subcore_parallel>], iteration_bounds = array<i64: 2, 16>, scalar_prefetch = 0 : i64, scratch_operands = 3 : i64, tpu.core_type = #tpu.core_type<sc_vector_subcore>, window_params = [{transform_indices = #map}, {transform_indices = #map1}, {transform_indices = #map1}, {transform_indices = #map}, {transform_indices = #map}]} {
    %mul3A = arith.constant 2 : i32
    %mul3A_0 = arith.muli %arg1, %mul3A : i32
    %add3A = arith.addi %mul3A_0, %arg0 : i32
    %mul3A_1 = arith.constant 64 : i32
    %mul3A_2 = arith.muli %add3A, %mul3A_1 : i32
    "tpu.region"() ({
      %run_scoped3A = tpu.sem_alloc : memref<!tpu.dma_semaphore, #tpu.memory_space<semaphore_mem>>
      %dma_start3A_17 = tpu.memref_slice %arg3[%mul3A_2] : memref<2048xi32, #tpu.memory_space<hbm>> -> memref<64xi32, #tpu.memory_space<hbm>>
      %dma_start3A_18 = tpu.memref_slice %arg3[%mul3A_2] : memref<2048xi32, #tpu.memory_space<hbm>> -> memref<64xi32, #tpu.memory_space<hbm>>
      tpu.enqueue_dma source(%dma_start3A_18 : memref<64xi32, #tpu.memory_space<hbm>>) target(%arg7 : memref<64xi32, #tpu.memory_space<vmem>>) target_semaphore(%run_scoped3A : memref<!tpu.dma_semaphore, #tpu.memory_space<semaphore_mem>>)
      %dma_wait3A_19 = tpu.memref_slice %arg3[%mul3A_2] : memref<2048xi32, #tpu.memory_space<hbm>> -> memref<64xi32, #tpu.memory_space<hbm>>
      %dma_wait3A_20 = tpu.memref_slice %arg3[%mul3A_2] : memref<2048xi32, #tpu.memory_space<hbm>> -> memref<64xi32, #tpu.memory_space<hbm>>
      tpu.wait_dma2 semaphore(%run_scoped3A : memref<!tpu.dma_semaphore, #tpu.memory_space<semaphore_mem>>) src(%dma_wait3A_20 : memref<64xi32, #tpu.memory_space<hbm>>) dst(%arg7 : memref<64xi32, #tpu.memory_space<vmem>>)
      tpu.yield
    }) : () -> ()
    %dma_start3A = arith.constant 0 : i32
    %dma_start3A_3 = arith.constant 0 : i32
    %dma_start3A_4 = arith.constant 0 : i32
    %dma_start3A_5 = tpu.memref_slice %arg2[%dma_start3A, %dma_start3A_3, %dma_start3A_4] : memref<6400x8x128xf32, #tpu.memory_space<hbm>> -> memref<6400x8x128xf32, #tpu.memory_space<hbm>>
    tpu.enqueue_indirect_dma source(%dma_start3A_5 : memref<6400x8x128xf32, #tpu.memory_space<hbm>>) target(%arg8 : memref<64x8x128xf32, #tpu.memory_space<vmem>>) offsets(%arg7 : memref<64xi32, #tpu.memory_space<vmem>>) semaphore(%arg9 : memref<!tpu.dma_semaphore, #tpu.memory_space<semaphore_mem>>)
    %dma_wait3A = arith.constant 0 : i32
    %dma_wait3A_6 = arith.constant 0 : i32
    %dma_wait3A_7 = arith.constant 0 : i32
    %dma_wait3A_8 = tpu.memref_slice %arg2[%dma_wait3A, %dma_wait3A_6, %dma_wait3A_7] : memref<6400x8x128xf32, #tpu.memory_space<hbm>> -> memref<6400x8x128xf32, #tpu.memory_space<hbm>>
    tpu.wait_indirect_dma semaphore(%arg9 : memref<!tpu.dma_semaphore, #tpu.memory_space<semaphore_mem>>) src(%dma_wait3A_8 : memref<6400x8x128xf32, #tpu.memory_space<hbm>>) dst(%arg8 : memref<64x8x128xf32, #tpu.memory_space<vmem>>)
    "tpu.region"() ({
      %run_scoped3A = tpu.sem_alloc : memref<!tpu.dma_semaphore, #tpu.memory_space<semaphore_mem>>
      %dma_start3A_17 = arith.constant 0 : i32
      %dma_start3A_18 = arith.constant 0 : i32
      %dma_start3A_19 = tpu.memref_slice %arg5[%mul3A_2, %dma_start3A_17, %dma_start3A_18] : memref<2048x8x128xf32, #tpu.memory_space<hbm>> -> memref<64x8x128xf32, #tpu.memory_space<hbm>>
      %dma_start3A_20 = arith.constant 0 : i32
      %dma_start3A_21 = arith.constant 0 : i32
      %dma_start3A_22 = tpu.memref_slice %arg5[%mul3A_2, %dma_start3A_20, %dma_start3A_21] : memref<2048x8x128xf32, #tpu.memory_space<hbm>> -> memref<64x8x128xf32, #tpu.memory_space<hbm>>
      tpu.enqueue_dma source(%arg8 : memref<64x8x128xf32, #tpu.memory_space<vmem>>) target(%dma_start3A_22 : memref<64x8x128xf32, #tpu.memory_space<hbm>>) target_semaphore(%run_scoped3A : memref<!tpu.dma_semaphore, #tpu.memory_space<semaphore_mem>>)
      %dma_wait3A_23 = arith.constant 0 : i32
      %dma_wait3A_24 = arith.constant 0 : i32
      %dma_wait3A_25 = tpu.memref_slice %arg5[%mul3A_2, %dma_wait3A_23, %dma_wait3A_24] : memref<2048x8x128xf32, #tpu.memory_space<hbm>> -> memref<64x8x128xf32, #tpu.memory_space<hbm>>
      %dma_wait3A_26 = arith.constant 0 : i32
      %dma_wait3A_27 = arith.constant 0 : i32
      %dma_wait3A_28 = tpu.memref_slice %arg5[%mul3A_2, %dma_wait3A_26, %dma_wait3A_27] : memref<2048x8x128xf32, #tpu.memory_space<hbm>> -> memref<64x8x128xf32, #tpu.memory_space<hbm>>
      tpu.wait_dma2 semaphore(%run_scoped3A : memref<!tpu.dma_semaphore, #tpu.memory_space<semaphore_mem>>) src(%arg8 : memref<64x8x128xf32, #tpu.memory_space<vmem>>) dst(%dma_wait3A_28 : memref<64x8x128xf32, #tpu.memory_space<hbm>>)
      tpu.yield
    }) : () -> ()
    "tpu.region"() ({
      %run_scoped3A = tpu.sem_alloc : memref<!tpu.dma_semaphore, #tpu.memory_space<semaphore_mem>>
      %dma_start3A_17 = tpu.memref_slice %arg4[%mul3A_2] : memref<2048xi32, #tpu.memory_space<hbm>> -> memref<64xi32, #tpu.memory_space<hbm>>
      %dma_start3A_18 = tpu.memref_slice %arg4[%mul3A_2] : memref<2048xi32, #tpu.memory_space<hbm>> -> memref<64xi32, #tpu.memory_space<hbm>>
      tpu.enqueue_dma source(%dma_start3A_18 : memref<64xi32, #tpu.memory_space<hbm>>) target(%arg7 : memref<64xi32, #tpu.memory_space<vmem>>) target_semaphore(%run_scoped3A : memref<!tpu.dma_semaphore, #tpu.memory_space<semaphore_mem>>)
      %dma_wait3A_19 = tpu.memref_slice %arg4[%mul3A_2] : memref<2048xi32, #tpu.memory_space<hbm>> -> memref<64xi32, #tpu.memory_space<hbm>>
      %dma_wait3A_20 = tpu.memref_slice %arg4[%mul3A_2] : memref<2048xi32, #tpu.memory_space<hbm>> -> memref<64xi32, #tpu.memory_space<hbm>>
      tpu.wait_dma2 semaphore(%run_scoped3A : memref<!tpu.dma_semaphore, #tpu.memory_space<semaphore_mem>>) src(%dma_wait3A_20 : memref<64xi32, #tpu.memory_space<hbm>>) dst(%arg7 : memref<64xi32, #tpu.memory_space<vmem>>)
      tpu.yield
    }) : () -> ()
    %dma_start3A_9 = arith.constant 0 : i32
    %dma_start3A_10 = arith.constant 0 : i32
    %dma_start3A_11 = arith.constant 0 : i32
    %dma_start3A_12 = tpu.memref_slice %arg2[%dma_start3A_9, %dma_start3A_10, %dma_start3A_11] : memref<6400x8x128xf32, #tpu.memory_space<hbm>> -> memref<6400x8x128xf32, #tpu.memory_space<hbm>>
    tpu.enqueue_indirect_dma source(%dma_start3A_12 : memref<6400x8x128xf32, #tpu.memory_space<hbm>>) target(%arg8 : memref<64x8x128xf32, #tpu.memory_space<vmem>>) offsets(%arg7 : memref<64xi32, #tpu.memory_space<vmem>>) semaphore(%arg9 : memref<!tpu.dma_semaphore, #tpu.memory_space<semaphore_mem>>)
    %dma_wait3A_13 = arith.constant 0 : i32
    %dma_wait3A_14 = arith.constant 0 : i32
    %dma_wait3A_15 = arith.constant 0 : i32
    %dma_wait3A_16 = tpu.memref_slice %arg2[%dma_wait3A_13, %dma_wait3A_14, %dma_wait3A_15] : memref<6400x8x128xf32, #tpu.memory_space<hbm>> -> memref<6400x8x128xf32, #tpu.memory_space<hbm>>
    tpu.wait_indirect_dma semaphore(%arg9 : memref<!tpu.dma_semaphore, #tpu.memory_space<semaphore_mem>>) src(%dma_wait3A_16 : memref<6400x8x128xf32, #tpu.memory_space<hbm>>) dst(%arg8 : memref<64x8x128xf32, #tpu.memory_space<vmem>>)
    "tpu.region"() ({
      %run_scoped3A = tpu.sem_alloc : memref<!tpu.dma_semaphore, #tpu.memory_space<semaphore_mem>>
      %dma_start3A_17 = arith.constant 0 : i32
      %dma_start3A_18 = arith.constant 0 : i32
      %dma_start3A_19 = tpu.memref_slice %arg6[%mul3A_2, %dma_start3A_17, %dma_start3A_18] : memref<2048x8x128xf32, #tpu.memory_space<hbm>> -> memref<64x8x128xf32, #tpu.memory_space<hbm>>
      %dma_start3A_20 = arith.constant 0 : i32
      %dma_start3A_21 = arith.constant 0 : i32
      %dma_start3A_22 = tpu.memref_slice %arg6[%mul3A_2, %dma_start3A_20, %dma_start3A_21] : memref<2048x8x128xf32, #tpu.memory_space<hbm>> -> memref<64x8x128xf32, #tpu.memory_space<hbm>>
      tpu.enqueue_dma source(%arg8 : memref<64x8x128xf32, #tpu.memory_space<vmem>>) target(%dma_start3A_22 : memref<64x8x128xf32, #tpu.memory_space<hbm>>) target_semaphore(%run_scoped3A : memref<!tpu.dma_semaphore, #tpu.memory_space<semaphore_mem>>)
      %dma_wait3A_23 = arith.constant 0 : i32
      %dma_wait3A_24 = arith.constant 0 : i32
      %dma_wait3A_25 = tpu.memref_slice %arg6[%mul3A_2, %dma_wait3A_23, %dma_wait3A_24] : memref<2048x8x128xf32, #tpu.memory_space<hbm>> -> memref<64x8x128xf32, #tpu.memory_space<hbm>>
      %dma_wait3A_26 = arith.constant 0 : i32
      %dma_wait3A_27 = arith.constant 0 : i32
      %dma_wait3A_28 = tpu.memref_slice %arg6[%mul3A_2, %dma_wait3A_26, %dma_wait3A_27] : memref<2048x8x128xf32, #tpu.memory_space<hbm>> -> memref<64x8x128xf32, #tpu.memory_space<hbm>>
      tpu.wait_dma2 semaphore(%run_scoped3A : memref<!tpu.dma_semaphore, #tpu.memory_space<semaphore_mem>>) src(%arg8 : memref<64x8x128xf32, #tpu.memory_space<vmem>>) dst(%dma_wait3A_28 : memref<64x8x128xf32, #tpu.memory_space<hbm>>)
      tpu.yield
    }) : () -> ()
    return
  }
}

module attributes {stable_mosaic.version = 14 : i64} {
  func.func @_pre_attn_body(%arg0: i32, %arg1: memref<512x1024xf32, #tpu.memory_space<vmem>>, %arg2: memref<1x1024xf32, #tpu.memory_space<vmem>>, %arg3: memref<1024x1024xbf16, #tpu.memory_space<vmem>>, %arg4: memref<1024x1024xbf16, #tpu.memory_space<vmem>>, %arg5: memref<1024x1024xbf16, #tpu.memory_space<vmem>>, %arg6: memref<1x1024xf32, #tpu.memory_space<vmem>>, %arg7: memref<1x1024xf32, #tpu.memory_space<vmem>>, %arg8: memref<512x1024xbf16, #tpu.memory_space<vmem>>, %arg9: memref<512x1024xbf16, #tpu.memory_space<vmem>>, %arg10: memref<512x1024xbf16, #tpu.memory_space<vmem>>) attributes {dimension_semantics = [#tpu.dimension_semantics<arbitrary>], iteration_bounds = array<i64: 4>, scalar_prefetch = 0 : i64, scratch_operands = 0 : i64, tpu.core_type = #tpu.core_type<tc>, window_params = [{transform_indices = @transform_0, window_bounds = array<i64: 512, 1024>}, {pipeline_mode = #tpu.pipeline_mode<synchronous>, transform_indices = @transform_1, window_bounds = array<i64: 1, 1024>}, {pipeline_mode = #tpu.pipeline_mode<synchronous>, transform_indices = @transform_2, window_bounds = array<i64: 1024, 1024>}, {pipeline_mode = #tpu.pipeline_mode<synchronous>, transform_indices = @transform_3, window_bounds = array<i64: 1024, 1024>}, {pipeline_mode = #tpu.pipeline_mode<synchronous>, transform_indices = @transform_4, window_bounds = array<i64: 1024, 1024>}, {pipeline_mode = #tpu.pipeline_mode<synchronous>, transform_indices = @transform_5, window_bounds = array<i64: 1, 1024>}, {pipeline_mode = #tpu.pipeline_mode<synchronous>, transform_indices = @transform_6, window_bounds = array<i64: 1, 1024>}, {transform_indices = @transform_7, window_bounds = array<i64: 512, 1024>}, {transform_indices = @transform_8, window_bounds = array<i64: 512, 1024>}, {transform_indices = @transform_9, window_bounds = array<i64: 512, 1024>}]} {
    %get3A = arith.constant 0 : index
    %get3A_0 = arith.constant 0 : index
    %get3A_1 = vector.load %arg1[%get3A, %get3A_0] : memref<512x1024xf32, #tpu.memory_space<vmem>>, vector<512x1024xf32>
    %get3A_2 = arith.constant 0 : index
    %get3A_3 = arith.constant 0 : index
    %get3A_4 = vector.load %arg2[%get3A_2, %get3A_3] : memref<1x1024xf32, #tpu.memory_space<vmem>>, vector<1x1024xf32>
    %mul3A = arith.mulf %get3A_1, %get3A_1 : vector<512x1024xf32>
    %reduce_sum3A = arith.constant dense<0.000000e+00> : vector<512xf32>
    %reduce_sum3A_5 = vector.multi_reduction <add>, %mul3A, %reduce_sum3A [1] : vector<512x1024xf32> to vector<512xf32>
    %broadcast_in_dim3A = vector.shape_cast %reduce_sum3A_5 : vector<512xf32> to vector<512x1xf32>
    %div3A = arith.constant 1.024000e+03 : f32
    %div3A_6 = vector.broadcast %div3A : f32 to vector<512x1xf32>
    %div3A_7 = arith.divf %broadcast_in_dim3A, %div3A_6 : vector<512x1xf32>
    %add3A = arith.constant 9.99999974E-6 : f32
    %add3A_8 = vector.broadcast %add3A : f32 to vector<512x1xf32>
    %add3A_9 = arith.addf %div3A_7, %add3A_8 : vector<512x1xf32>
    %rsqrt3A = math.rsqrt %add3A_9 : vector<512x1xf32>
    %mul3A_10 = vector.broadcast %rsqrt3A : vector<512x1xf32> to vector<512x1024xf32>
    %mul3A_11 = arith.mulf %get3A_1, %mul3A_10 : vector<512x1024xf32>
    %mul3A_12 = vector.broadcast %get3A_4 : vector<1x1024xf32> to vector<512x1024xf32>
    %mul3A_13 = arith.mulf %mul3A_12, %mul3A_11 : vector<512x1024xf32>
    %convert_element_type3A = arith.truncf %mul3A_13 : vector<512x1024xf32> to vector<512x1024xbf16>
    %get3A_14 = arith.constant 0 : index
    %get3A_15 = arith.constant 0 : index
    %get3A_16 = vector.load %arg3[%get3A_14, %get3A_15] : memref<1024x1024xbf16, #tpu.memory_space<vmem>>, vector<1024x1024xbf16>
    %dot_general3A = arith.constant dense<0.000000e+00> : vector<512x1024xf32>
    %dot_general3A_17 = tpu.matmul %convert_element_type3A, %get3A_16, %dot_general3A {dimension_numbers = #tpu.dot_dimension_numbers<[1], [0], [0], [1], [0, 0, 1, 1], [], []>, transpose_lhs_hint = false} : vector<512x1024xbf16>, vector<1024x1024xbf16>, vector<512x1024xf32> -> vector<512x1024xf32>
    %get3A_18 = arith.constant 0 : index
    %get3A_19 = arith.constant 0 : index
    %get3A_20 = vector.load %arg4[%get3A_18, %get3A_19] : memref<1024x1024xbf16, #tpu.memory_space<vmem>>, vector<1024x1024xbf16>
    %dot_general3A_21 = arith.constant dense<0.000000e+00> : vector<512x1024xf32>
    %dot_general3A_22 = tpu.matmul %convert_element_type3A, %get3A_20, %dot_general3A_21 {dimension_numbers = #tpu.dot_dimension_numbers<[1], [0], [0], [1], [0, 0, 1, 1], [], []>, transpose_lhs_hint = false} : vector<512x1024xbf16>, vector<1024x1024xbf16>, vector<512x1024xf32> -> vector<512x1024xf32>
    %get3A_23 = arith.constant 0 : index
    %get3A_24 = arith.constant 0 : index
    %get3A_25 = vector.load %arg5[%get3A_23, %get3A_24] : memref<1024x1024xbf16, #tpu.memory_space<vmem>>, vector<1024x1024xbf16>
    %dot_general3A_26 = arith.constant dense<0.000000e+00> : vector<512x1024xf32>
    %dot_general3A_27 = tpu.matmul %convert_element_type3A, %get3A_25, %dot_general3A_26 {dimension_numbers = #tpu.dot_dimension_numbers<[1], [0], [0], [1], [0, 0, 1, 1], [], []>, transpose_lhs_hint = false} : vector<512x1024xbf16>, vector<1024x1024xbf16>, vector<512x1024xf32> -> vector<512x1024xf32>
    %get3A_28 = arith.constant 0 : index
    %get3A_29 = arith.constant 0 : index
    %get3A_30 = vector.load %arg6[%get3A_28, %get3A_29] : memref<1x1024xf32, #tpu.memory_space<vmem>>, vector<1x1024xf32>
    %mul3A_31 = arith.mulf %dot_general3A_17, %dot_general3A_17 : vector<512x1024xf32>
    %reduce_sum3A_32 = arith.constant dense<0.000000e+00> : vector<512xf32>
    %reduce_sum3A_33 = vector.multi_reduction <add>, %mul3A_31, %reduce_sum3A_32 [1] : vector<512x1024xf32> to vector<512xf32>
    %broadcast_in_dim3A_34 = vector.shape_cast %reduce_sum3A_33 : vector<512xf32> to vector<512x1xf32>
    %div3A_35 = arith.constant 1.024000e+03 : f32
    %div3A_36 = vector.broadcast %div3A_35 : f32 to vector<512x1xf32>
    %div3A_37 = arith.divf %broadcast_in_dim3A_34, %div3A_36 : vector<512x1xf32>
    %add3A_38 = arith.constant 9.99999974E-6 : f32
    %add3A_39 = vector.broadcast %add3A_38 : f32 to vector<512x1xf32>
    %add3A_40 = arith.addf %div3A_37, %add3A_39 : vector<512x1xf32>
    %rsqrt3A_41 = math.rsqrt %add3A_40 : vector<512x1xf32>
    %mul3A_42 = vector.broadcast %rsqrt3A_41 : vector<512x1xf32> to vector<512x1024xf32>
    %mul3A_43 = arith.mulf %dot_general3A_17, %mul3A_42 : vector<512x1024xf32>
    %mul3A_44 = vector.broadcast %get3A_30 : vector<1x1024xf32> to vector<512x1024xf32>
    %mul3A_45 = arith.mulf %mul3A_44, %mul3A_43 : vector<512x1024xf32>
    %get3A_46 = arith.constant 0 : index
    %get3A_47 = arith.constant 0 : index
    %get3A_48 = vector.load %arg7[%get3A_46, %get3A_47] : memref<1x1024xf32, #tpu.memory_space<vmem>>, vector<1x1024xf32>
    %mul3A_49 = arith.mulf %dot_general3A_22, %dot_general3A_22 : vector<512x1024xf32>
    %reduce_sum3A_50 = arith.constant dense<0.000000e+00> : vector<512xf32>
    %reduce_sum3A_51 = vector.multi_reduction <add>, %mul3A_49, %reduce_sum3A_50 [1] : vector<512x1024xf32> to vector<512xf32>
    %broadcast_in_dim3A_52 = vector.shape_cast %reduce_sum3A_51 : vector<512xf32> to vector<512x1xf32>
    %div3A_53 = arith.constant 1.024000e+03 : f32
    %div3A_54 = vector.broadcast %div3A_53 : f32 to vector<512x1xf32>
    %div3A_55 = arith.divf %broadcast_in_dim3A_52, %div3A_54 : vector<512x1xf32>
    %add3A_56 = arith.constant 9.99999974E-6 : f32
    %add3A_57 = vector.broadcast %add3A_56 : f32 to vector<512x1xf32>
    %add3A_58 = arith.addf %div3A_55, %add3A_57 : vector<512x1xf32>
    %rsqrt3A_59 = math.rsqrt %add3A_58 : vector<512x1xf32>
    %mul3A_60 = vector.broadcast %rsqrt3A_59 : vector<512x1xf32> to vector<512x1024xf32>
    %mul3A_61 = arith.mulf %dot_general3A_22, %mul3A_60 : vector<512x1024xf32>
    %mul3A_62 = vector.broadcast %get3A_48 : vector<1x1024xf32> to vector<512x1024xf32>
    %mul3A_63 = arith.mulf %mul3A_62, %mul3A_61 : vector<512x1024xf32>
    %iota3A = tpu.iota {dimensions = array<i32: 1>} : vector<512x64xi32>
    %jit3A = arith.constant 32 : i32
    %eq3A = arith.constant 0 : i32
    %eq3A_64 = arith.cmpi eq, %jit3A, %eq3A : i32
    %jit3A_65 = arith.constant 1 : i32
    %select_n3A = arith.select %eq3A_64, %jit3A_65, %jit3A : i32
    %rem3A = vector.broadcast %select_n3A : i32 to vector<512x64xi32>
    %rem3A_66 = arith.remsi %iota3A, %rem3A : vector<512x64xi32>
    %ne3A = arith.constant 0 : i32
    %ne3A_67 = vector.broadcast %ne3A : i32 to vector<512x64xi32>
    %ne3A_68 = arith.cmpi ne, %rem3A_66, %ne3A_67 : vector<512x64xi32>
    %lt3A = arith.constant 0 : i32
    %lt3A_69 = vector.broadcast %lt3A : i32 to vector<512x64xi32>
    %lt3A_70 = arith.cmpi slt, %rem3A_66, %lt3A_69 : vector<512x64xi32>
    %lt3A_71 = arith.constant 0 : i32
    %lt3A_72 = arith.cmpi slt, %select_n3A, %lt3A_71 : i32
    %ne3A_73 = vector.broadcast %lt3A_72 : i1 to vector<512x64xi1>
    %ne3A_74 = vector.broadcast %ne3A_73 : vector<512x64xi1> to vector<512x64xi1>
    %ne3A_75 = arith.xori %lt3A_70, %ne3A_74 : vector<512x64xi1>
    %and3A = arith.andi %ne3A_75, %ne3A_68 : vector<512x64xi1>
    %add3A_76 = vector.broadcast %select_n3A : i32 to vector<512x64xi32>
    %add3A_77 = arith.addi %rem3A_66, %add3A_76 : vector<512x64xi32>
    %select_n3A_78 = arith.select %and3A, %add3A_77, %rem3A_66 : vector<512x64xi1>, vector<512x64xi32>
    %convert_element_type3A_79 = arith.sitofp %select_n3A_78 : vector<512x64xi32> to vector<512x64xf32>
    %mul3A_80 = arith.constant -0.287823141 : f32
    %mul3A_81 = vector.broadcast %mul3A_80 : f32 to vector<512x64xf32>
    %mul3A_82 = arith.mulf %convert_element_type3A_79, %mul3A_81 : vector<512x64xf32>
    %exp3A = math.exp %mul3A_82 : vector<512x64xf32>
    %mul3A_83 = arith.constant 512 : i32
    %mul3A_84 = arith.muli %arg0, %mul3A_83 : i32
    %iota3A_85 = tpu.iota {dimensions = array<i32: 0>} : vector<512x64xi32>
    %add3A_86 = vector.broadcast %mul3A_84 : i32 to vector<512x64xi32>
    %add3A_87 = arith.addi %add3A_86, %iota3A_85 : vector<512x64xi32>
    %convert_element_type3A_88 = arith.sitofp %add3A_87 : vector<512x64xi32> to vector<512x64xf32>
    %mul3A_89 = arith.mulf %convert_element_type3A_88, %exp3A : vector<512x64xf32>
    %cos3A = math.cos %mul3A_89 : vector<512x64xf32>
    %concatenate3A = tpu.concatenate %cos3A, %cos3A, %cos3A, %cos3A, %cos3A, %cos3A, %cos3A, %cos3A, %cos3A, %cos3A, %cos3A, %cos3A, %cos3A, %cos3A, %cos3A, %cos3A in 1 : vector<512x64xf32>, vector<512x64xf32>, vector<512x64xf32>, vector<512x64xf32>, vector<512x64xf32>, vector<512x64xf32>, vector<512x64xf32>, vector<512x64xf32>, vector<512x64xf32>, vector<512x64xf32>, vector<512x64xf32>, vector<512x64xf32>, vector<512x64xf32>, vector<512x64xf32>, vector<512x64xf32>, vector<512x64xf32> -> vector<512x1024xf32>
    %sin3A = math.sin %mul3A_89 : vector<512x64xf32>
    %concatenate3A_90 = tpu.concatenate %sin3A, %sin3A, %sin3A, %sin3A, %sin3A, %sin3A, %sin3A, %sin3A, %sin3A, %sin3A, %sin3A, %sin3A, %sin3A, %sin3A, %sin3A, %sin3A in 1 : vector<512x64xf32>, vector<512x64xf32>, vector<512x64xf32>, vector<512x64xf32>, vector<512x64xf32>, vector<512x64xf32>, vector<512x64xf32>, vector<512x64xf32>, vector<512x64xf32>, vector<512x64xf32>, vector<512x64xf32>, vector<512x64xf32>, vector<512x64xf32>, vector<512x64xf32>, vector<512x64xf32>, vector<512x64xf32> -> vector<512x1024xf32>
    %iota3A_91 = tpu.iota {dimensions = array<i32: 1>} : vector<512x1024xi32>
    %jit3A_92 = arith.constant 64 : i32
    %eq3A_93 = arith.constant 0 : i32
    %eq3A_94 = arith.cmpi eq, %jit3A_92, %eq3A_93 : i32
    %jit3A_95 = arith.constant 1 : i32
    %select_n3A_96 = arith.select %eq3A_94, %jit3A_95, %jit3A_92 : i32
    %rem3A_97 = vector.broadcast %select_n3A_96 : i32 to vector<512x1024xi32>
    %rem3A_98 = arith.remsi %iota3A_91, %rem3A_97 : vector<512x1024xi32>
    %ne3A_99 = arith.constant 0 : i32
    %ne3A_100 = vector.broadcast %ne3A_99 : i32 to vector<512x1024xi32>
    %ne3A_101 = arith.cmpi ne, %rem3A_98, %ne3A_100 : vector<512x1024xi32>
    %lt3A_102 = arith.constant 0 : i32
    %lt3A_103 = vector.broadcast %lt3A_102 : i32 to vector<512x1024xi32>
    %lt3A_104 = arith.cmpi slt, %rem3A_98, %lt3A_103 : vector<512x1024xi32>
    %lt3A_105 = arith.constant 0 : i32
    %lt3A_106 = arith.cmpi slt, %select_n3A_96, %lt3A_105 : i32
    %ne3A_107 = vector.broadcast %lt3A_106 : i1 to vector<512x1024xi1>
    %ne3A_108 = vector.broadcast %ne3A_107 : vector<512x1024xi1> to vector<512x1024xi1>
    %ne3A_109 = arith.xori %lt3A_104, %ne3A_108 : vector<512x1024xi1>
    %and3A_110 = arith.andi %ne3A_109, %ne3A_101 : vector<512x1024xi1>
    %add3A_111 = vector.broadcast %select_n3A_96 : i32 to vector<512x1024xi32>
    %add3A_112 = arith.addi %rem3A_98, %add3A_111 : vector<512x1024xi32>
    %select_n3A_113 = arith.select %and3A_110, %add3A_112, %rem3A_98 : vector<512x1024xi1>, vector<512x1024xi32>
    %lt3A_114 = arith.constant 32 : i32
    %lt3A_115 = vector.broadcast %lt3A_114 : i32 to vector<512x1024xi32>
    %lt3A_116 = arith.cmpi slt, %select_n3A_113, %lt3A_115 : vector<512x1024xi32>
    %mul3A_117 = arith.mulf %mul3A_45, %concatenate3A : vector<512x1024xf32>
    %slice3A = vector.extract_strided_slice %mul3A_45 {offsets = [0, 992], sizes = [512, 32], strides = [1, 1]} : vector<512x1024xf32> to vector<512x32xf32>
    %slice3A_118 = vector.extract_strided_slice %mul3A_45 {offsets = [0, 0], sizes = [512, 992], strides = [1, 1]} : vector<512x1024xf32> to vector<512x992xf32>
    %concatenate3A_119 = tpu.concatenate %slice3A, %slice3A_118 in 1 : vector<512x32xf32>, vector<512x992xf32> -> vector<512x1024xf32>
    %slice3A_120 = vector.extract_strided_slice %mul3A_45 {offsets = [0, 32], sizes = [512, 992], strides = [1, 1]} : vector<512x1024xf32> to vector<512x992xf32>
    %slice3A_121 = vector.extract_strided_slice %mul3A_45 {offsets = [0, 0], sizes = [512, 32], strides = [1, 1]} : vector<512x1024xf32> to vector<512x32xf32>
    %concatenate3A_122 = tpu.concatenate %slice3A_120, %slice3A_121 in 1 : vector<512x992xf32>, vector<512x32xf32> -> vector<512x1024xf32>
    %neg3A = arith.constant 0.000000e+00 : f32
    %neg3A_123 = vector.broadcast %neg3A : f32 to vector<512x1024xf32>
    %neg3A_124 = arith.subf %neg3A_123, %concatenate3A_122 : vector<512x1024xf32>
    %select_n3A_125 = arith.select %lt3A_116, %neg3A_124, %concatenate3A_119 : vector<512x1024xi1>, vector<512x1024xf32>
    %mul3A_126 = arith.mulf %select_n3A_125, %concatenate3A_90 : vector<512x1024xf32>
    %add3A_127 = arith.addf %mul3A_117, %mul3A_126 : vector<512x1024xf32>
    %convert_element_type3A_128 = arith.truncf %add3A_127 : vector<512x1024xf32> to vector<512x1024xbf16>
    %swap3A = arith.constant 0 : index
    %swap3A_129 = arith.constant 0 : index
    %swap3A_130 = vector.load %arg8[%swap3A, %swap3A_129] : memref<512x1024xbf16, #tpu.memory_space<vmem>>, vector<512x1024xbf16>
    tpu.vector_store %arg8[%swap3A, %swap3A_129], %convert_element_type3A_128 {strides = array<i32>} : memref<512x1024xbf16, #tpu.memory_space<vmem>>, vector<512x1024xbf16>,
    %mul3A_131 = arith.mulf %mul3A_63, %concatenate3A : vector<512x1024xf32>
    %slice3A_132 = vector.extract_strided_slice %mul3A_63 {offsets = [0, 992], sizes = [512, 32], strides = [1, 1]} : vector<512x1024xf32> to vector<512x32xf32>
    %slice3A_133 = vector.extract_strided_slice %mul3A_63 {offsets = [0, 0], sizes = [512, 992], strides = [1, 1]} : vector<512x1024xf32> to vector<512x992xf32>
    %concatenate3A_134 = tpu.concatenate %slice3A_132, %slice3A_133 in 1 : vector<512x32xf32>, vector<512x992xf32> -> vector<512x1024xf32>
    %slice3A_135 = vector.extract_strided_slice %mul3A_63 {offsets = [0, 32], sizes = [512, 992], strides = [1, 1]} : vector<512x1024xf32> to vector<512x992xf32>
    %slice3A_136 = vector.extract_strided_slice %mul3A_63 {offsets = [0, 0], sizes = [512, 32], strides = [1, 1]} : vector<512x1024xf32> to vector<512x32xf32>
    %concatenate3A_137 = tpu.concatenate %slice3A_135, %slice3A_136 in 1 : vector<512x992xf32>, vector<512x32xf32> -> vector<512x1024xf32>
    %neg3A_138 = arith.constant 0.000000e+00 : f32
    %neg3A_139 = vector.broadcast %neg3A_138 : f32 to vector<512x1024xf32>
    %neg3A_140 = arith.subf %neg3A_139, %concatenate3A_137 : vector<512x1024xf32>
    %select_n3A_141 = arith.select %lt3A_116, %neg3A_140, %concatenate3A_134 : vector<512x1024xi1>, vector<512x1024xf32>
    %mul3A_142 = arith.mulf %select_n3A_141, %concatenate3A_90 : vector<512x1024xf32>
    %add3A_143 = arith.addf %mul3A_131, %mul3A_142 : vector<512x1024xf32>
    %convert_element_type3A_144 = arith.truncf %add3A_143 : vector<512x1024xf32> to vector<512x1024xbf16>
    %swap3A_145 = arith.constant 0 : index
    %swap3A_146 = arith.constant 0 : index
    %swap3A_147 = vector.load %arg9[%swap3A_145, %swap3A_146] : memref<512x1024xbf16, #tpu.memory_space<vmem>>, vector<512x1024xbf16>
    tpu.vector_store %arg9[%swap3A_145, %swap3A_146], %convert_element_type3A_144 {strides = array<i32>} : memref<512x1024xbf16, #tpu.memory_space<vmem>>, vector<512x1024xbf16>,
    %convert_element_type3A_148 = arith.truncf %dot_general3A_27 : vector<512x1024xf32> to vector<512x1024xbf16>
    %swap3A_149 = arith.constant 0 : index
    %swap3A_150 = arith.constant 0 : index
    %swap3A_151 = vector.load %arg10[%swap3A_149, %swap3A_150] : memref<512x1024xbf16, #tpu.memory_space<vmem>>, vector<512x1024xbf16>
    tpu.vector_store %arg10[%swap3A_149, %swap3A_150], %convert_element_type3A_148 {strides = array<i32>} : memref<512x1024xbf16, #tpu.memory_space<vmem>>, vector<512x1024xbf16>,
    return
  }
  func.func @transform_0(%arg0: i32) -> (i32, i32) {
    %c0_i32 = arith.constant 0 : i32
    %c0_i32_0 = arith.constant 0 : i32
    return %arg0, %c0_i32 : i32, i32
  }
  func.func @transform_1(%arg0: i32) -> (i32, i32) {
    %c0_i32 = arith.constant 0 : i32
    %c0_i32_0 = arith.constant 0 : i32
    %c0_i32_1 = arith.constant 0 : i32
    return %c0_i32, %c0_i32_0 : i32, i32
  }
  func.func @transform_2(%arg0: i32) -> (i32, i32) {
    %c0_i32 = arith.constant 0 : i32
    %c0_i32_0 = arith.constant 0 : i32
    %c0_i32_1 = arith.constant 0 : i32
    return %c0_i32, %c0_i32_0 : i32, i32
  }
  func.func @transform_3(%arg0: i32) -> (i32, i32) {
    %c0_i32 = arith.constant 0 : i32
    %c0_i32_0 = arith.constant 0 : i32
    %c0_i32_1 = arith.constant 0 : i32
    return %c0_i32, %c0_i32_0 : i32, i32
  }
  func.func @transform_4(%arg0: i32) -> (i32, i32) {
    %c0_i32 = arith.constant 0 : i32
    %c0_i32_0 = arith.constant 0 : i32
    %c0_i32_1 = arith.constant 0 : i32
    return %c0_i32, %c0_i32_0 : i32, i32
  }
  func.func @transform_5(%arg0: i32) -> (i32, i32) {
    %c0_i32 = arith.constant 0 : i32
    %c0_i32_0 = arith.constant 0 : i32
    %c0_i32_1 = arith.constant 0 : i32
    return %c0_i32, %c0_i32_0 : i32, i32
  }
  func.func @transform_6(%arg0: i32) -> (i32, i32) {
    %c0_i32 = arith.constant 0 : i32
    %c0_i32_0 = arith.constant 0 : i32
    %c0_i32_1 = arith.constant 0 : i32
    return %c0_i32, %c0_i32_0 : i32, i32
  }
  func.func @transform_7(%arg0: i32) -> (i32, i32) {
    %c0_i32 = arith.constant 0 : i32
    %c0_i32_0 = arith.constant 0 : i32
    return %arg0, %c0_i32 : i32, i32
  }
  func.func @transform_8(%arg0: i32) -> (i32, i32) {
    %c0_i32 = arith.constant 0 : i32
    %c0_i32_0 = arith.constant 0 : i32
    return %arg0, %c0_i32 : i32, i32
  }
  func.func @transform_9(%arg0: i32) -> (i32, i32) {
    %c0_i32 = arith.constant 0 : i32
    %c0_i32_0 = arith.constant 0 : i32
    return %arg0, %c0_i32 : i32, i32
  }
}

module attributes {stable_mosaic.version = 14 : i64} {
  func.func @_flash_body(%arg0: i32, %arg1: i32, %arg2: memref<1x512x64xbf16, #tpu.memory_space<vmem>>, %arg3: memref<1x2048x64xbf16, #tpu.memory_space<vmem>>, %arg4: memref<1x2048x64xbf16, #tpu.memory_space<vmem>>, %arg5: memref<1x512x64xbf16, #tpu.memory_space<vmem>>) attributes {dimension_semantics = [#tpu.dimension_semantics<arbitrary>, #tpu.dimension_semantics<arbitrary>], iteration_bounds = array<i64: 16, 4>, scalar_prefetch = 0 : i64, scratch_operands = 0 : i64, tpu.core_type = #tpu.core_type<tc>, window_params = [{transform_indices = @transform_0, window_bounds = array<i64: 1, 512, 64>}, {transform_indices = @transform_1, window_bounds = array<i64: 1, 2048, 64>}, {transform_indices = @transform_2, window_bounds = array<i64: 1, 2048, 64>}, {transform_indices = @transform_3, window_bounds = array<i64: 1, 512, 64>}]} {
    %get3A = arith.constant 0 : index
    %get3A_0 = arith.constant 0 : index
    %get3A_1 = arith.constant 0 : index
    %get3A_2 = vector.load %arg2[%get3A, %get3A_0, %get3A_1] : memref<1x512x64xbf16, #tpu.memory_space<vmem>>, vector<1x512x64xbf16>
    %get3A_3 = vector.shape_cast %get3A_2 : vector<1x512x64xbf16> to vector<512x64xbf16>
    %mul3A = arith.constant 1.250000e-01 : bf16
    %mul3A_4 = vector.broadcast %mul3A : bf16 to vector<512x64xbf16>
    %mul3A_5 = arith.mulf %get3A_3, %mul3A_4 : vector<512x64xbf16>
    %broadcast_in_dim3A = arith.constant -1.000000e+30 : f32
    %broadcast_in_dim3A_6 = vector.broadcast %broadcast_in_dim3A : f32 to vector<256x1xf32>
    %broadcast_in_dim3A_7 = arith.constant 0.000000e+00 : f32
    %broadcast_in_dim3A_8 = vector.broadcast %broadcast_in_dim3A_7 : f32 to vector<256x1xf32>
    %broadcast_in_dim3A_9 = arith.constant 0.000000e+00 : f32
    %broadcast_in_dim3A_10 = vector.broadcast %broadcast_in_dim3A_9 : f32 to vector<256x64xf32>
    %broadcast_in_dim3A_11 = arith.constant -1.000000e+30 : f32
    %broadcast_in_dim3A_12 = vector.broadcast %broadcast_in_dim3A_11 : f32 to vector<256x1xf32>
    %broadcast_in_dim3A_13 = arith.constant 0.000000e+00 : f32
    %broadcast_in_dim3A_14 = vector.broadcast %broadcast_in_dim3A_13 : f32 to vector<256x1xf32>
    %broadcast_in_dim3A_15 = arith.constant 0.000000e+00 : f32
    %broadcast_in_dim3A_16 = vector.broadcast %broadcast_in_dim3A_15 : f32 to vector<256x64xf32>
    %mul3A_17 = arith.constant 1 : i32
    %mul3A_18 = arith.muli %arg1, %mul3A_17 : i32
    %while3A = arith.constant 0 : i32
    %while3A_19 = arith.subi %mul3A_18, %while3A : i32
    %while3A_20 = arith.addi %while3A, %while3A_19 : i32
    %while3A_21 = arith.constant 1 : i32
    %while3A_22 = arith.divsi %while3A_19, %while3A_21 : i32
    %while3A_23 = arith.muli %while3A_22, %while3A_21 : i32
    %while3A_24 = arith.addi %while3A, %while3A_23 : i32
    %while3A_25 = arith.constant 1 : i32
    %while3A_26:6 = scf.for %while3A_113 = %while3A to %while3A_24 step %while3A_25 iter_args(%while3A_114 = %broadcast_in_dim3A_6, %while3A_115 = %broadcast_in_dim3A_8, %while3A_116 = %broadcast_in_dim3A_10, %while3A_117 = %broadcast_in_dim3A_12, %while3A_118 = %broadcast_in_dim3A_14, %while3A_119 = %broadcast_in_dim3A_16) -> (vector<256x1xf32>, vector<256x1xf32>, vector<256x64xf32>, vector<256x1xf32>, vector<256x1xf32>, vector<256x64xf32>)  : i32 {
      %mul3A_120 = arith.constant 512 : i32
      %mul3A_121 = arith.muli %while3A_113, %mul3A_120 : i32
      %get3A_122 = arith.constant 0 : index
      %get3A_123 = arith.index_cast %mul3A_121 : i32 to index
      %get3A_124 = arith.constant 0 : index
      %get3A_125 = vector.load %arg3[%get3A_122, %get3A_123, %get3A_124] : memref<1x2048x64xbf16, #tpu.memory_space<vmem>>, vector<1x512x64xbf16>
      %get3A_126 = vector.shape_cast %get3A_125 : vector<1x512x64xbf16> to vector<512x64xbf16>
      %mul3A_127 = arith.constant 512 : i32
      %mul3A_128 = arith.muli %while3A_113, %mul3A_127 : i32
      %get3A_129 = arith.constant 0 : index
      %get3A_130 = arith.index_cast %mul3A_128 : i32 to index
      %get3A_131 = arith.constant 0 : index
      %get3A_132 = vector.load %arg4[%get3A_129, %get3A_130, %get3A_131] : memref<1x2048x64xbf16, #tpu.memory_space<vmem>>, vector<1x512x64xbf16>
      %get3A_133 = vector.shape_cast %get3A_132 : vector<1x512x64xbf16> to vector<512x64xbf16>
      %broadcast_in_dim3A_134 = arith.constant 1.000000e+00 : bf16
      %broadcast_in_dim3A_135 = vector.broadcast %broadcast_in_dim3A_134 : bf16 to vector<512x1xbf16>
      %concatenate3A_136 = tpu.concatenate %get3A_133, %broadcast_in_dim3A_135 in 1 : vector<512x64xbf16>, vector<512x1xbf16> -> vector<512x65xbf16>
      %slice3A_137 = vector.extract_strided_slice %mul3A_5 {offsets = [0, 0], sizes = [256, 64], strides = [1, 1]} : vector<512x64xbf16> to vector<256x64xbf16>
      %dot_general3A_138 = arith.constant dense<0.000000e+00> : vector<256x512xf32>
      %dot_general3A_139 = tpu.matmul %slice3A_137, %get3A_126, %dot_general3A_138 {dimension_numbers = #tpu.dot_dimension_numbers<[1], [1], [0], [0], [0, 0, 1, 0], [], []>, transpose_lhs_hint = false} : vector<256x64xbf16>, vector<512x64xbf16>, vector<256x512xf32> -> vector<256x512xf32>
      %slice3A_140 = vector.extract_strided_slice %mul3A_5 {offsets = [256, 0], sizes = [256, 64], strides = [1, 1]} : vector<512x64xbf16> to vector<256x64xbf16>
      %dot_general3A_141 = arith.constant dense<0.000000e+00> : vector<256x512xf32>
      %dot_general3A_142 = tpu.matmul %slice3A_140, %get3A_126, %dot_general3A_141 {dimension_numbers = #tpu.dot_dimension_numbers<[1], [1], [0], [0], [0, 0, 1, 0], [], []>, transpose_lhs_hint = false} : vector<256x64xbf16>, vector<512x64xbf16>, vector<256x512xf32> -> vector<256x512xf32>
      %reduce_max3A_143 = arith.constant dense<0xFF800000> : vector<256xf32>
      %reduce_max3A_144 = vector.multi_reduction <maximumf>, %dot_general3A_139, %reduce_max3A_143 [1] : vector<256x512xf32> to vector<256xf32>
      %broadcast_in_dim3A_145 = vector.shape_cast %reduce_max3A_144 : vector<256xf32> to vector<256x1xf32>
      %max3A_146 = arith.maximumf %while3A_114, %broadcast_in_dim3A_145 : vector<256x1xf32>
      %sub3A_147 = arith.subf %while3A_114, %max3A_146 : vector<256x1xf32>
      %exp3A_148 = math.exp %sub3A_147 : vector<256x1xf32>
      %sub3A_149 = vector.broadcast %max3A_146 : vector<256x1xf32> to vector<256x512xf32>
      %sub3A_150 = arith.subf %dot_general3A_139, %sub3A_149 : vector<256x512xf32>
      %exp3A_151 = math.exp %sub3A_150 : vector<256x512xf32>
      %convert_element_type3A_152 = arith.truncf %exp3A_151 : vector<256x512xf32> to vector<256x512xbf16>
      %dot_general3A_153 = arith.constant dense<0.000000e+00> : vector<256x65xf32>
      %dot_general3A_154 = tpu.matmul %convert_element_type3A_152, %concatenate3A_136, %dot_general3A_153 {dimension_numbers = #tpu.dot_dimension_numbers<[1], [0], [0], [1], [0, 0, 1, 1], [], []>, transpose_lhs_hint = false} : vector<256x512xbf16>, vector<512x65xbf16>, vector<256x65xf32> -> vector<256x65xf32>
      %mul3A_155 = arith.mulf %while3A_115, %exp3A_148 : vector<256x1xf32>
      %slice3A_156 = vector.extract_strided_slice %dot_general3A_154 {offsets = [0, 64], sizes = [256, 1], strides = [1, 1]} : vector<256x65xf32> to vector<256x1xf32>
      %add3A_157 = arith.addf %mul3A_155, %slice3A_156 : vector<256x1xf32>
      %mul3A_158 = vector.broadcast %exp3A_148 : vector<256x1xf32> to vector<256x64xf32>
      %mul3A_159 = arith.mulf %while3A_116, %mul3A_158 : vector<256x64xf32>
      %slice3A_160 = vector.extract_strided_slice %dot_general3A_154 {offsets = [0, 0], sizes = [256, 64], strides = [1, 1]} : vector<256x65xf32> to vector<256x64xf32>
      %add3A_161 = arith.addf %mul3A_159, %slice3A_160 : vector<256x64xf32>
      %reduce_max3A_162 = arith.constant dense<0xFF800000> : vector<256xf32>
      %reduce_max3A_163 = vector.multi_reduction <maximumf>, %dot_general3A_142, %reduce_max3A_162 [1] : vector<256x512xf32> to vector<256xf32>
      %broadcast_in_dim3A_164 = vector.shape_cast %reduce_max3A_163 : vector<256xf32> to vector<256x1xf32>
      %max3A_165 = arith.maximumf %while3A_117, %broadcast_in_dim3A_164 : vector<256x1xf32>
      %sub3A_166 = arith.subf %while3A_117, %max3A_165 : vector<256x1xf32>
      %exp3A_167 = math.exp %sub3A_166 : vector<256x1xf32>
      %sub3A_168 = vector.broadcast %max3A_165 : vector<256x1xf32> to vector<256x512xf32>
      %sub3A_169 = arith.subf %dot_general3A_142, %sub3A_168 : vector<256x512xf32>
      %exp3A_170 = math.exp %sub3A_169 : vector<256x512xf32>
      %convert_element_type3A_171 = arith.truncf %exp3A_170 : vector<256x512xf32> to vector<256x512xbf16>
      %dot_general3A_172 = arith.constant dense<0.000000e+00> : vector<256x65xf32>
      %dot_general3A_173 = tpu.matmul %convert_element_type3A_171, %concatenate3A_136, %dot_general3A_172 {dimension_numbers = #tpu.dot_dimension_numbers<[1], [0], [0], [1], [0, 0, 1, 1], [], []>, transpose_lhs_hint = false} : vector<256x512xbf16>, vector<512x65xbf16>, vector<256x65xf32> -> vector<256x65xf32>
      %mul3A_174 = arith.mulf %while3A_118, %exp3A_167 : vector<256x1xf32>
      %slice3A_175 = vector.extract_strided_slice %dot_general3A_173 {offsets = [0, 64], sizes = [256, 1], strides = [1, 1]} : vector<256x65xf32> to vector<256x1xf32>
      %add3A_176 = arith.addf %mul3A_174, %slice3A_175 : vector<256x1xf32>
      %mul3A_177 = vector.broadcast %exp3A_167 : vector<256x1xf32> to vector<256x64xf32>
      %mul3A_178 = arith.mulf %while3A_119, %mul3A_177 : vector<256x64xf32>
      %slice3A_179 = vector.extract_strided_slice %dot_general3A_173 {offsets = [0, 0], sizes = [256, 64], strides = [1, 1]} : vector<256x65xf32> to vector<256x64xf32>
      %add3A_180 = arith.addf %mul3A_178, %slice3A_179 : vector<256x64xf32>
      scf.yield %max3A_146, %add3A_157, %add3A_161, %max3A_165, %add3A_176, %add3A_180 : vector<256x1xf32>, vector<256x1xf32>, vector<256x64xf32>, vector<256x1xf32>, vector<256x1xf32>, vector<256x64xf32>
    }
    %while3A_27 = arith.constant 1 : i32
    %while3A_28:6 = scf.for %while3A_113 = %while3A_24 to %while3A_20 step %while3A_27 iter_args(%while3A_114 = %while3A_26#0, %while3A_115 = %while3A_26#1, %while3A_116 = %while3A_26#2, %while3A_117 = %while3A_26#3, %while3A_118 = %while3A_26#4, %while3A_119 = %while3A_26#5) -> (vector<256x1xf32>, vector<256x1xf32>, vector<256x64xf32>, vector<256x1xf32>, vector<256x1xf32>, vector<256x64xf32>)  : i32 {
      %mul3A_120 = arith.constant 512 : i32
      %mul3A_121 = arith.muli %while3A_113, %mul3A_120 : i32
      %get3A_122 = arith.constant 0 : index
      %get3A_123 = arith.index_cast %mul3A_121 : i32 to index
      %get3A_124 = arith.constant 0 : index
      %get3A_125 = vector.load %arg3[%get3A_122, %get3A_123, %get3A_124] : memref<1x2048x64xbf16, #tpu.memory_space<vmem>>, vector<1x512x64xbf16>
      %get3A_126 = vector.shape_cast %get3A_125 : vector<1x512x64xbf16> to vector<512x64xbf16>
      %mul3A_127 = arith.constant 512 : i32
      %mul3A_128 = arith.muli %while3A_113, %mul3A_127 : i32
      %get3A_129 = arith.constant 0 : index
      %get3A_130 = arith.index_cast %mul3A_128 : i32 to index
      %get3A_131 = arith.constant 0 : index
      %get3A_132 = vector.load %arg4[%get3A_129, %get3A_130, %get3A_131] : memref<1x2048x64xbf16, #tpu.memory_space<vmem>>, vector<1x512x64xbf16>
      %get3A_133 = vector.shape_cast %get3A_132 : vector<1x512x64xbf16> to vector<512x64xbf16>
      %broadcast_in_dim3A_134 = arith.constant 1.000000e+00 : bf16
      %broadcast_in_dim3A_135 = vector.broadcast %broadcast_in_dim3A_134 : bf16 to vector<512x1xbf16>
      %concatenate3A_136 = tpu.concatenate %get3A_133, %broadcast_in_dim3A_135 in 1 : vector<512x64xbf16>, vector<512x1xbf16> -> vector<512x65xbf16>
      %slice3A_137 = vector.extract_strided_slice %mul3A_5 {offsets = [0, 0], sizes = [256, 64], strides = [1, 1]} : vector<512x64xbf16> to vector<256x64xbf16>
      %dot_general3A_138 = arith.constant dense<0.000000e+00> : vector<256x512xf32>
      %dot_general3A_139 = tpu.matmul %slice3A_137, %get3A_126, %dot_general3A_138 {dimension_numbers = #tpu.dot_dimension_numbers<[1], [1], [0], [0], [0, 0, 1, 0], [], []>, transpose_lhs_hint = false} : vector<256x64xbf16>, vector<512x64xbf16>, vector<256x512xf32> -> vector<256x512xf32>
      %slice3A_140 = vector.extract_strided_slice %mul3A_5 {offsets = [256, 0], sizes = [256, 64], strides = [1, 1]} : vector<512x64xbf16> to vector<256x64xbf16>
      %dot_general3A_141 = arith.constant dense<0.000000e+00> : vector<256x512xf32>
      %dot_general3A_142 = tpu.matmul %slice3A_140, %get3A_126, %dot_general3A_141 {dimension_numbers = #tpu.dot_dimension_numbers<[1], [1], [0], [0], [0, 0, 1, 0], [], []>, transpose_lhs_hint = false} : vector<256x64xbf16>, vector<512x64xbf16>, vector<256x512xf32> -> vector<256x512xf32>
      %reduce_max3A_143 = arith.constant dense<0xFF800000> : vector<256xf32>
      %reduce_max3A_144 = vector.multi_reduction <maximumf>, %dot_general3A_139, %reduce_max3A_143 [1] : vector<256x512xf32> to vector<256xf32>
      %broadcast_in_dim3A_145 = vector.shape_cast %reduce_max3A_144 : vector<256xf32> to vector<256x1xf32>
      %max3A_146 = arith.maximumf %while3A_114, %broadcast_in_dim3A_145 : vector<256x1xf32>
      %sub3A_147 = arith.subf %while3A_114, %max3A_146 : vector<256x1xf32>
      %exp3A_148 = math.exp %sub3A_147 : vector<256x1xf32>
      %sub3A_149 = vector.broadcast %max3A_146 : vector<256x1xf32> to vector<256x512xf32>
      %sub3A_150 = arith.subf %dot_general3A_139, %sub3A_149 : vector<256x512xf32>
      %exp3A_151 = math.exp %sub3A_150 : vector<256x512xf32>
      %convert_element_type3A_152 = arith.truncf %exp3A_151 : vector<256x512xf32> to vector<256x512xbf16>
      %dot_general3A_153 = arith.constant dense<0.000000e+00> : vector<256x65xf32>
      %dot_general3A_154 = tpu.matmul %convert_element_type3A_152, %concatenate3A_136, %dot_general3A_153 {dimension_numbers = #tpu.dot_dimension_numbers<[1], [0], [0], [1], [0, 0, 1, 1], [], []>, transpose_lhs_hint = false} : vector<256x512xbf16>, vector<512x65xbf16>, vector<256x65xf32> -> vector<256x65xf32>
      %mul3A_155 = arith.mulf %while3A_115, %exp3A_148 : vector<256x1xf32>
      %slice3A_156 = vector.extract_strided_slice %dot_general3A_154 {offsets = [0, 64], sizes = [256, 1], strides = [1, 1]} : vector<256x65xf32> to vector<256x1xf32>
      %add3A_157 = arith.addf %mul3A_155, %slice3A_156 : vector<256x1xf32>
      %mul3A_158 = vector.broadcast %exp3A_148 : vector<256x1xf32> to vector<256x64xf32>
      %mul3A_159 = arith.mulf %while3A_116, %mul3A_158 : vector<256x64xf32>
      %slice3A_160 = vector.extract_strided_slice %dot_general3A_154 {offsets = [0, 0], sizes = [256, 64], strides = [1, 1]} : vector<256x65xf32> to vector<256x64xf32>
      %add3A_161 = arith.addf %mul3A_159, %slice3A_160 : vector<256x64xf32>
      %reduce_max3A_162 = arith.constant dense<0xFF800000> : vector<256xf32>
      %reduce_max3A_163 = vector.multi_reduction <maximumf>, %dot_general3A_142, %reduce_max3A_162 [1] : vector<256x512xf32> to vector<256xf32>
      %broadcast_in_dim3A_164 = vector.shape_cast %reduce_max3A_163 : vector<256xf32> to vector<256x1xf32>
      %max3A_165 = arith.maximumf %while3A_117, %broadcast_in_dim3A_164 : vector<256x1xf32>
      %sub3A_166 = arith.subf %while3A_117, %max3A_165 : vector<256x1xf32>
      %exp3A_167 = math.exp %sub3A_166 : vector<256x1xf32>
      %sub3A_168 = vector.broadcast %max3A_165 : vector<256x1xf32> to vector<256x512xf32>
      %sub3A_169 = arith.subf %dot_general3A_142, %sub3A_168 : vector<256x512xf32>
      %exp3A_170 = math.exp %sub3A_169 : vector<256x512xf32>
      %convert_element_type3A_171 = arith.truncf %exp3A_170 : vector<256x512xf32> to vector<256x512xbf16>
      %dot_general3A_172 = arith.constant dense<0.000000e+00> : vector<256x65xf32>
      %dot_general3A_173 = tpu.matmul %convert_element_type3A_171, %concatenate3A_136, %dot_general3A_172 {dimension_numbers = #tpu.dot_dimension_numbers<[1], [0], [0], [1], [0, 0, 1, 1], [], []>, transpose_lhs_hint = false} : vector<256x512xbf16>, vector<512x65xbf16>, vector<256x65xf32> -> vector<256x65xf32>
      %mul3A_174 = arith.mulf %while3A_118, %exp3A_167 : vector<256x1xf32>
      %slice3A_175 = vector.extract_strided_slice %dot_general3A_173 {offsets = [0, 64], sizes = [256, 1], strides = [1, 1]} : vector<256x65xf32> to vector<256x1xf32>
      %add3A_176 = arith.addf %mul3A_174, %slice3A_175 : vector<256x1xf32>
      %mul3A_177 = vector.broadcast %exp3A_167 : vector<256x1xf32> to vector<256x64xf32>
      %mul3A_178 = arith.mulf %while3A_119, %mul3A_177 : vector<256x64xf32>
      %slice3A_179 = vector.extract_strided_slice %dot_general3A_173 {offsets = [0, 0], sizes = [256, 64], strides = [1, 1]} : vector<256x65xf32> to vector<256x64xf32>
      %add3A_180 = arith.addf %mul3A_178, %slice3A_179 : vector<256x64xf32>
      scf.yield %max3A_146, %add3A_157, %add3A_161, %max3A_165, %add3A_176, %add3A_180 : vector<256x1xf32>, vector<256x1xf32>, vector<256x64xf32>, vector<256x1xf32>, vector<256x1xf32>, vector<256x64xf32>
    }
    %mul3A_29 = arith.constant 1 : i32
    %mul3A_30 = arith.muli %arg1, %mul3A_29 : i32
    %mul3A_31 = arith.constant 512 : i32
    %mul3A_32 = arith.muli %mul3A_30, %mul3A_31 : i32
    %get3A_33 = arith.constant 0 : index
    %get3A_34 = arith.index_cast %mul3A_32 : i32 to index
    %get3A_35 = arith.constant 0 : index
    %get3A_36 = vector.load %arg3[%get3A_33, %get3A_34, %get3A_35] : memref<1x2048x64xbf16, #tpu.memory_space<vmem>>, vector<1x512x64xbf16>
    %get3A_37 = vector.shape_cast %get3A_36 : vector<1x512x64xbf16> to vector<512x64xbf16>
    %mul3A_38 = arith.constant 512 : i32
    %mul3A_39 = arith.muli %mul3A_30, %mul3A_38 : i32
    %get3A_40 = arith.constant 0 : index
    %get3A_41 = arith.index_cast %mul3A_39 : i32 to index
    %get3A_42 = arith.constant 0 : index
    %get3A_43 = vector.load %arg4[%get3A_40, %get3A_41, %get3A_42] : memref<1x2048x64xbf16, #tpu.memory_space<vmem>>, vector<1x512x64xbf16>
    %get3A_44 = vector.shape_cast %get3A_43 : vector<1x512x64xbf16> to vector<512x64xbf16>
    %broadcast_in_dim3A_45 = arith.constant 1.000000e+00 : bf16
    %broadcast_in_dim3A_46 = vector.broadcast %broadcast_in_dim3A_45 : bf16 to vector<512x1xbf16>
    %concatenate3A = tpu.concatenate %get3A_44, %broadcast_in_dim3A_46 in 1 : vector<512x64xbf16>, vector<512x1xbf16> -> vector<512x65xbf16>
    %slice3A = vector.extract_strided_slice %mul3A_5 {offsets = [0, 0], sizes = [256, 64], strides = [1, 1]} : vector<512x64xbf16> to vector<256x64xbf16>
    %dot_general3A = arith.constant dense<0.000000e+00> : vector<256x512xf32>
    %dot_general3A_47 = tpu.matmul %slice3A, %get3A_37, %dot_general3A {dimension_numbers = #tpu.dot_dimension_numbers<[1], [1], [0], [0], [0, 0, 1, 0], [], []>, transpose_lhs_hint = false} : vector<256x64xbf16>, vector<512x64xbf16>, vector<256x512xf32> -> vector<256x512xf32>
    %iota3A = tpu.iota {dimensions = array<i32: 0>} : vector<256x512xi32>
    %add3A = arith.constant 0 : i32
    %add3A_48 = vector.broadcast %add3A : i32 to vector<256x512xi32>
    %add3A_49 = arith.addi %add3A_48, %iota3A : vector<256x512xi32>
    %iota3A_50 = tpu.iota {dimensions = array<i32: 1>} : vector<256x512xi32>
    %ge3A = arith.cmpi sge, %add3A_49, %iota3A_50 : vector<256x512xi32>
    %jit3A = arith.constant -1.000000e+09 : f32
    %broadcast_in_dim3A_51 = vector.broadcast %jit3A : f32 to vector<256x512xf32>
    %select_n3A = arith.select %ge3A, %dot_general3A_47, %broadcast_in_dim3A_51 : vector<256x512xi1>, vector<256x512xf32>
    %slice3A_52 = vector.extract_strided_slice %mul3A_5 {offsets = [256, 0], sizes = [256, 64], strides = [1, 1]} : vector<512x64xbf16> to vector<256x64xbf16>
    %dot_general3A_53 = arith.constant dense<0.000000e+00> : vector<256x512xf32>
    %dot_general3A_54 = tpu.matmul %slice3A_52, %get3A_37, %dot_general3A_53 {dimension_numbers = #tpu.dot_dimension_numbers<[1], [1], [0], [0], [0, 0, 1, 0], [], []>, transpose_lhs_hint = false} : vector<256x64xbf16>, vector<512x64xbf16>, vector<256x512xf32> -> vector<256x512xf32>
    %iota3A_55 = tpu.iota {dimensions = array<i32: 0>} : vector<256x512xi32>
    %add3A_56 = arith.constant 256 : i32
    %add3A_57 = vector.broadcast %add3A_56 : i32 to vector<256x512xi32>
    %add3A_58 = arith.addi %add3A_57, %iota3A_55 : vector<256x512xi32>
    %iota3A_59 = tpu.iota {dimensions = array<i32: 1>} : vector<256x512xi32>
    %ge3A_60 = arith.cmpi sge, %add3A_58, %iota3A_59 : vector<256x512xi32>
    %jit3A_61 = arith.constant -1.000000e+09 : f32
    %broadcast_in_dim3A_62 = vector.broadcast %jit3A_61 : f32 to vector<256x512xf32>
    %select_n3A_63 = arith.select %ge3A_60, %dot_general3A_54, %broadcast_in_dim3A_62 : vector<256x512xi1>, vector<256x512xf32>
    %reduce_max3A = arith.constant dense<0xFF800000> : vector<256xf32>
    %reduce_max3A_64 = vector.multi_reduction <maximumf>, %select_n3A, %reduce_max3A [1] : vector<256x512xf32> to vector<256xf32>
    %broadcast_in_dim3A_65 = vector.shape_cast %reduce_max3A_64 : vector<256xf32> to vector<256x1xf32>
    %max3A = arith.maximumf %while3A_28#0, %broadcast_in_dim3A_65 : vector<256x1xf32>
    %sub3A = arith.subf %while3A_28#0, %max3A : vector<256x1xf32>
    %exp3A = math.exp %sub3A : vector<256x1xf32>
    %sub3A_66 = vector.broadcast %max3A : vector<256x1xf32> to vector<256x512xf32>
    %sub3A_67 = arith.subf %select_n3A, %sub3A_66 : vector<256x512xf32>
    %exp3A_68 = math.exp %sub3A_67 : vector<256x512xf32>
    %convert_element_type3A = arith.truncf %exp3A_68 : vector<256x512xf32> to vector<256x512xbf16>
    %dot_general3A_69 = arith.constant dense<0.000000e+00> : vector<256x65xf32>
    %dot_general3A_70 = tpu.matmul %convert_element_type3A, %concatenate3A, %dot_general3A_69 {dimension_numbers = #tpu.dot_dimension_numbers<[1], [0], [0], [1], [0, 0, 1, 1], [], []>, transpose_lhs_hint = false} : vector<256x512xbf16>, vector<512x65xbf16>, vector<256x65xf32> -> vector<256x65xf32>
    %mul3A_71 = arith.mulf %while3A_28#1, %exp3A : vector<256x1xf32>
    %slice3A_72 = vector.extract_strided_slice %dot_general3A_70 {offsets = [0, 64], sizes = [256, 1], strides = [1, 1]} : vector<256x65xf32> to vector<256x1xf32>
    %add3A_73 = arith.addf %mul3A_71, %slice3A_72 : vector<256x1xf32>
    %mul3A_74 = vector.broadcast %exp3A : vector<256x1xf32> to vector<256x64xf32>
    %mul3A_75 = arith.mulf %while3A_28#2, %mul3A_74 : vector<256x64xf32>
    %slice3A_76 = vector.extract_strided_slice %dot_general3A_70 {offsets = [0, 0], sizes = [256, 64], strides = [1, 1]} : vector<256x65xf32> to vector<256x64xf32>
    %add3A_77 = arith.addf %mul3A_75, %slice3A_76 : vector<256x64xf32>
    %reduce_max3A_78 = arith.constant dense<0xFF800000> : vector<256xf32>
    %reduce_max3A_79 = vector.multi_reduction <maximumf>, %select_n3A_63, %reduce_max3A_78 [1] : vector<256x512xf32> to vector<256xf32>
    %broadcast_in_dim3A_80 = vector.shape_cast %reduce_max3A_79 : vector<256xf32> to vector<256x1xf32>
    %max3A_81 = arith.maximumf %while3A_28#3, %broadcast_in_dim3A_80 : vector<256x1xf32>
    %sub3A_82 = arith.subf %while3A_28#3, %max3A_81 : vector<256x1xf32>
    %exp3A_83 = math.exp %sub3A_82 : vector<256x1xf32>
    %sub3A_84 = vector.broadcast %max3A_81 : vector<256x1xf32> to vector<256x512xf32>
    %sub3A_85 = arith.subf %select_n3A_63, %sub3A_84 : vector<256x512xf32>
    %exp3A_86 = math.exp %sub3A_85 : vector<256x512xf32>
    %convert_element_type3A_87 = arith.truncf %exp3A_86 : vector<256x512xf32> to vector<256x512xbf16>
    %dot_general3A_88 = arith.constant dense<0.000000e+00> : vector<256x65xf32>
    %dot_general3A_89 = tpu.matmul %convert_element_type3A_87, %concatenate3A, %dot_general3A_88 {dimension_numbers = #tpu.dot_dimension_numbers<[1], [0], [0], [1], [0, 0, 1, 1], [], []>, transpose_lhs_hint = false} : vector<256x512xbf16>, vector<512x65xbf16>, vector<256x65xf32> -> vector<256x65xf32>
    %mul3A_90 = arith.mulf %while3A_28#4, %exp3A_83 : vector<256x1xf32>
    %slice3A_91 = vector.extract_strided_slice %dot_general3A_89 {offsets = [0, 64], sizes = [256, 1], strides = [1, 1]} : vector<256x65xf32> to vector<256x1xf32>
    %add3A_92 = arith.addf %mul3A_90, %slice3A_91 : vector<256x1xf32>
    %mul3A_93 = vector.broadcast %exp3A_83 : vector<256x1xf32> to vector<256x64xf32>
    %mul3A_94 = arith.mulf %while3A_28#5, %mul3A_93 : vector<256x64xf32>
    %slice3A_95 = vector.extract_strided_slice %dot_general3A_89 {offsets = [0, 0], sizes = [256, 64], strides = [1, 1]} : vector<256x65xf32> to vector<256x64xf32>
    %add3A_96 = arith.addf %mul3A_94, %slice3A_95 : vector<256x64xf32>
    %div3A = vector.broadcast %add3A_73 : vector<256x1xf32> to vector<256x64xf32>
    %div3A_97 = arith.divf %add3A_77, %div3A : vector<256x64xf32>
    %convert_element_type3A_98 = arith.truncf %div3A_97 : vector<256x64xf32> to vector<256x64xbf16>
    %swap3A = arith.constant 0 : index
    %swap3A_99 = arith.constant 0 : index
    %swap3A_100 = arith.constant 0 : index
    %swap3A_101 = vector.load %arg5[%swap3A, %swap3A_99, %swap3A_100] : memref<1x512x64xbf16, #tpu.memory_space<vmem>>, vector<1x256x64xbf16>
    %swap3A_102 = vector.shape_cast %swap3A_101 : vector<1x256x64xbf16> to vector<256x64xbf16>
    %swap3A_103 = vector.shape_cast %convert_element_type3A_98 : vector<256x64xbf16> to vector<1x256x64xbf16>
    tpu.vector_store %arg5[%swap3A, %swap3A_99, %swap3A_100], %swap3A_103 {strides = array<i32>} : memref<1x512x64xbf16, #tpu.memory_space<vmem>>, vector<1x256x64xbf16>,
    %div3A_104 = vector.broadcast %add3A_92 : vector<256x1xf32> to vector<256x64xf32>
    %div3A_105 = arith.divf %add3A_96, %div3A_104 : vector<256x64xf32>
    %convert_element_type3A_106 = arith.truncf %div3A_105 : vector<256x64xf32> to vector<256x64xbf16>
    %swap3A_107 = arith.constant 0 : index
    %swap3A_108 = arith.constant 256 : index
    %swap3A_109 = arith.constant 0 : index
    %swap3A_110 = vector.load %arg5[%swap3A_107, %swap3A_108, %swap3A_109] : memref<1x512x64xbf16, #tpu.memory_space<vmem>>, vector<1x256x64xbf16>
    %swap3A_111 = vector.shape_cast %swap3A_110 : vector<1x256x64xbf16> to vector<256x64xbf16>
    %swap3A_112 = vector.shape_cast %convert_element_type3A_106 : vector<256x64xbf16> to vector<1x256x64xbf16>
    tpu.vector_store %arg5[%swap3A_107, %swap3A_108, %swap3A_109], %swap3A_112 {strides = array<i32>} : memref<1x512x64xbf16, #tpu.memory_space<vmem>>, vector<1x256x64xbf16>,
    return
  }
  func.func @transform_0(%arg0: i32, %arg1: i32) -> (i32, i32, i32) {
    %c0_i32 = arith.constant 0 : i32
    %c0_i32_0 = arith.constant 0 : i32
    return %arg0, %arg1, %c0_i32 : i32, i32, i32
  }
  func.func @transform_1(%arg0: i32, %arg1: i32) -> (i32, i32, i32) {
    %c0_i32 = arith.constant 0 : i32
    %c0_i32_0 = arith.constant 0 : i32
    %c0_i32_1 = arith.constant 0 : i32
    return %arg0, %c0_i32, %c0_i32_0 : i32, i32, i32
  }
  func.func @transform_2(%arg0: i32, %arg1: i32) -> (i32, i32, i32) {
    %c0_i32 = arith.constant 0 : i32
    %c0_i32_0 = arith.constant 0 : i32
    %c0_i32_1 = arith.constant 0 : i32
    return %arg0, %c0_i32, %c0_i32_0 : i32, i32, i32
  }
  func.func @transform_3(%arg0: i32, %arg1: i32) -> (i32, i32, i32) {
    %c0_i32 = arith.constant 0 : i32
    %c0_i32_0 = arith.constant 0 : i32
    return %arg0, %arg1, %c0_i32 : i32, i32, i32
  }
}

module attributes {stable_mosaic.version = 14 : i64} {
  func.func @_post_attn_body(%arg0: i32, %arg1: memref<512x1024xbf16, #tpu.memory_space<vmem>>, %arg2: memref<512x1024xf32, #tpu.memory_space<vmem>>, %arg3: memref<1024x1024xbf16, #tpu.memory_space<vmem>>, %arg4: memref<1x1024xf32, #tpu.memory_space<vmem>>, %arg5: memref<1024x8xf32, #tpu.memory_space<vmem>>, %arg6: memref<512x1024xf32, #tpu.memory_space<vmem>>, %arg7: memref<512x8x128xf32, #tpu.memory_space<vmem>>, %arg8: memref<512x1xi32, #tpu.memory_space<vmem>>, %arg9: memref<512x1xi32, #tpu.memory_space<vmem>>, %arg10: memref<512x1xf32, #tpu.memory_space<vmem>>, %arg11: memref<512x1xf32, #tpu.memory_space<vmem>>) attributes {dimension_semantics = [#tpu.dimension_semantics<arbitrary>], iteration_bounds = array<i64: 4>, scalar_prefetch = 0 : i64, scratch_operands = 0 : i64, tpu.core_type = #tpu.core_type<tc>, window_params = [{transform_indices = @transform_0, window_bounds = array<i64: 512, 1024>}, {transform_indices = @transform_1, window_bounds = array<i64: 512, 1024>}, {pipeline_mode = #tpu.pipeline_mode<synchronous>, transform_indices = @transform_2, window_bounds = array<i64: 1024, 1024>}, {pipeline_mode = #tpu.pipeline_mode<synchronous>, transform_indices = @transform_3, window_bounds = array<i64: 1, 1024>}, {pipeline_mode = #tpu.pipeline_mode<synchronous>, transform_indices = @transform_4, window_bounds = array<i64: 1024, 8>}, {transform_indices = @transform_5, window_bounds = array<i64: 512, 1024>}, {transform_indices = @transform_6, window_bounds = array<i64: 512, 8, 128>}, {transform_indices = @transform_7, window_bounds = array<i64: 512, 1>}, {transform_indices = @transform_8, window_bounds = array<i64: 512, 1>}, {transform_indices = @transform_9, window_bounds = array<i64: 512, 1>}, {transform_indices = @transform_10, window_bounds = array<i64: 512, 1>}]} {
    %get3A = arith.constant 0 : index
    %get3A_0 = arith.constant 0 : index
    %get3A_1 = vector.load %arg1[%get3A, %get3A_0] : memref<512x1024xbf16, #tpu.memory_space<vmem>>, vector<512x1024xbf16>
    %get3A_2 = arith.constant 0 : index
    %get3A_3 = arith.constant 0 : index
    %get3A_4 = vector.load %arg3[%get3A_2, %get3A_3] : memref<1024x1024xbf16, #tpu.memory_space<vmem>>, vector<1024x1024xbf16>
    %dot_general3A = arith.constant dense<0.000000e+00> : vector<512x1024xf32>
    %dot_general3A_5 = tpu.matmul %get3A_1, %get3A_4, %dot_general3A {dimension_numbers = #tpu.dot_dimension_numbers<[1], [0], [0], [1], [0, 0, 1, 1], [], []>, transpose_lhs_hint = false} : vector<512x1024xbf16>, vector<1024x1024xbf16>, vector<512x1024xf32> -> vector<512x1024xf32>
    %get3A_6 = arith.constant 0 : index
    %get3A_7 = arith.constant 0 : index
    %get3A_8 = vector.load %arg2[%get3A_6, %get3A_7] : memref<512x1024xf32, #tpu.memory_space<vmem>>, vector<512x1024xf32>
    %add3A = arith.addf %get3A_8, %dot_general3A_5 : vector<512x1024xf32>
    %swap3A = arith.constant 0 : index
    %swap3A_9 = arith.constant 0 : index
    %swap3A_10 = vector.load %arg6[%swap3A, %swap3A_9] : memref<512x1024xf32, #tpu.memory_space<vmem>>, vector<512x1024xf32>
    tpu.vector_store %arg6[%swap3A, %swap3A_9], %add3A {strides = array<i32>} : memref<512x1024xf32, #tpu.memory_space<vmem>>, vector<512x1024xf32>,
    %get3A_11 = arith.constant 0 : index
    %get3A_12 = arith.constant 0 : index
    %get3A_13 = vector.load %arg4[%get3A_11, %get3A_12] : memref<1x1024xf32, #tpu.memory_space<vmem>>, vector<1x1024xf32>
    %mul3A = arith.mulf %add3A, %add3A : vector<512x1024xf32>
    %reduce_sum3A = arith.constant dense<0.000000e+00> : vector<512xf32>
    %reduce_sum3A_14 = vector.multi_reduction <add>, %mul3A, %reduce_sum3A [1] : vector<512x1024xf32> to vector<512xf32>
    %broadcast_in_dim3A = vector.shape_cast %reduce_sum3A_14 : vector<512xf32> to vector<512x1xf32>
    %div3A = arith.constant 1.024000e+03 : f32
    %div3A_15 = vector.broadcast %div3A : f32 to vector<512x1xf32>
    %div3A_16 = arith.divf %broadcast_in_dim3A, %div3A_15 : vector<512x1xf32>
    %add3A_17 = arith.constant 9.99999974E-6 : f32
    %add3A_18 = vector.broadcast %add3A_17 : f32 to vector<512x1xf32>
    %add3A_19 = arith.addf %div3A_16, %add3A_18 : vector<512x1xf32>
    %rsqrt3A = math.rsqrt %add3A_19 : vector<512x1xf32>
    %mul3A_20 = vector.broadcast %rsqrt3A : vector<512x1xf32> to vector<512x1024xf32>
    %mul3A_21 = arith.mulf %add3A, %mul3A_20 : vector<512x1024xf32>
    %mul3A_22 = vector.broadcast %get3A_13 : vector<1x1024xf32> to vector<512x1024xf32>
    %mul3A_23 = arith.mulf %mul3A_22, %mul3A_21 : vector<512x1024xf32>
    %slice3A = vector.extract_strided_slice %mul3A_23 {offsets = [0, 0], sizes = [512, 128], strides = [1, 1]} : vector<512x1024xf32> to vector<512x128xf32>
    %swap3A_24 = arith.constant 0 : index
    %swap3A_25 = arith.constant 0 : index
    %swap3A_26 = arith.constant 0 : index
    %swap3A_27 = vector.load %arg7[%swap3A_24, %swap3A_25, %swap3A_26] : memref<512x8x128xf32, #tpu.memory_space<vmem>>, vector<512x1x128xf32>
    %swap3A_28 = vector.shape_cast %swap3A_27 : vector<512x1x128xf32> to vector<512x128xf32>
    %swap3A_29 = vector.shape_cast %slice3A : vector<512x128xf32> to vector<512x1x128xf32>
    tpu.vector_store %arg7[%swap3A_24, %swap3A_25, %swap3A_26], %swap3A_29 {strides = array<i32>} : memref<512x8x128xf32, #tpu.memory_space<vmem>>, vector<512x1x128xf32>,
    %slice3A_30 = vector.extract_strided_slice %mul3A_23 {offsets = [0, 128], sizes = [512, 128], strides = [1, 1]} : vector<512x1024xf32> to vector<512x128xf32>
    %swap3A_31 = arith.constant 0 : index
    %swap3A_32 = arith.constant 1 : index
    %swap3A_33 = arith.constant 0 : index
    %swap3A_34 = vector.load %arg7[%swap3A_31, %swap3A_32, %swap3A_33] : memref<512x8x128xf32, #tpu.memory_space<vmem>>, vector<512x1x128xf32>
    %swap3A_35 = vector.shape_cast %swap3A_34 : vector<512x1x128xf32> to vector<512x128xf32>
    %swap3A_36 = vector.shape_cast %slice3A_30 : vector<512x128xf32> to vector<512x1x128xf32>
    tpu.vector_store %arg7[%swap3A_31, %swap3A_32, %swap3A_33], %swap3A_36 {strides = array<i32>} : memref<512x8x128xf32, #tpu.memory_space<vmem>>, vector<512x1x128xf32>,
    %slice3A_37 = vector.extract_strided_slice %mul3A_23 {offsets = [0, 256], sizes = [512, 128], strides = [1, 1]} : vector<512x1024xf32> to vector<512x128xf32>
    %swap3A_38 = arith.constant 0 : index
    %swap3A_39 = arith.constant 2 : index
    %swap3A_40 = arith.constant 0 : index
    %swap3A_41 = vector.load %arg7[%swap3A_38, %swap3A_39, %swap3A_40] : memref<512x8x128xf32, #tpu.memory_space<vmem>>, vector<512x1x128xf32>
    %swap3A_42 = vector.shape_cast %swap3A_41 : vector<512x1x128xf32> to vector<512x128xf32>
    %swap3A_43 = vector.shape_cast %slice3A_37 : vector<512x128xf32> to vector<512x1x128xf32>
    tpu.vector_store %arg7[%swap3A_38, %swap3A_39, %swap3A_40], %swap3A_43 {strides = array<i32>} : memref<512x8x128xf32, #tpu.memory_space<vmem>>, vector<512x1x128xf32>,
    %slice3A_44 = vector.extract_strided_slice %mul3A_23 {offsets = [0, 384], sizes = [512, 128], strides = [1, 1]} : vector<512x1024xf32> to vector<512x128xf32>
    %swap3A_45 = arith.constant 0 : index
    %swap3A_46 = arith.constant 3 : index
    %swap3A_47 = arith.constant 0 : index
    %swap3A_48 = vector.load %arg7[%swap3A_45, %swap3A_46, %swap3A_47] : memref<512x8x128xf32, #tpu.memory_space<vmem>>, vector<512x1x128xf32>
    %swap3A_49 = vector.shape_cast %swap3A_48 : vector<512x1x128xf32> to vector<512x128xf32>
    %swap3A_50 = vector.shape_cast %slice3A_44 : vector<512x128xf32> to vector<512x1x128xf32>
    tpu.vector_store %arg7[%swap3A_45, %swap3A_46, %swap3A_47], %swap3A_50 {strides = array<i32>} : memref<512x8x128xf32, #tpu.memory_space<vmem>>, vector<512x1x128xf32>,
    %slice3A_51 = vector.extract_strided_slice %mul3A_23 {offsets = [0, 512], sizes = [512, 128], strides = [1, 1]} : vector<512x1024xf32> to vector<512x128xf32>
    %swap3A_52 = arith.constant 0 : index
    %swap3A_53 = arith.constant 4 : index
    %swap3A_54 = arith.constant 0 : index
    %swap3A_55 = vector.load %arg7[%swap3A_52, %swap3A_53, %swap3A_54] : memref<512x8x128xf32, #tpu.memory_space<vmem>>, vector<512x1x128xf32>
    %swap3A_56 = vector.shape_cast %swap3A_55 : vector<512x1x128xf32> to vector<512x128xf32>
    %swap3A_57 = vector.shape_cast %slice3A_51 : vector<512x128xf32> to vector<512x1x128xf32>
    tpu.vector_store %arg7[%swap3A_52, %swap3A_53, %swap3A_54], %swap3A_57 {strides = array<i32>} : memref<512x8x128xf32, #tpu.memory_space<vmem>>, vector<512x1x128xf32>,
    %slice3A_58 = vector.extract_strided_slice %mul3A_23 {offsets = [0, 640], sizes = [512, 128], strides = [1, 1]} : vector<512x1024xf32> to vector<512x128xf32>
    %swap3A_59 = arith.constant 0 : index
    %swap3A_60 = arith.constant 5 : index
    %swap3A_61 = arith.constant 0 : index
    %swap3A_62 = vector.load %arg7[%swap3A_59, %swap3A_60, %swap3A_61] : memref<512x8x128xf32, #tpu.memory_space<vmem>>, vector<512x1x128xf32>
    %swap3A_63 = vector.shape_cast %swap3A_62 : vector<512x1x128xf32> to vector<512x128xf32>
    %swap3A_64 = vector.shape_cast %slice3A_58 : vector<512x128xf32> to vector<512x1x128xf32>
    tpu.vector_store %arg7[%swap3A_59, %swap3A_60, %swap3A_61], %swap3A_64 {strides = array<i32>} : memref<512x8x128xf32, #tpu.memory_space<vmem>>, vector<512x1x128xf32>,
    %slice3A_65 = vector.extract_strided_slice %mul3A_23 {offsets = [0, 768], sizes = [512, 128], strides = [1, 1]} : vector<512x1024xf32> to vector<512x128xf32>
    %swap3A_66 = arith.constant 0 : index
    %swap3A_67 = arith.constant 6 : index
    %swap3A_68 = arith.constant 0 : index
    %swap3A_69 = vector.load %arg7[%swap3A_66, %swap3A_67, %swap3A_68] : memref<512x8x128xf32, #tpu.memory_space<vmem>>, vector<512x1x128xf32>
    %swap3A_70 = vector.shape_cast %swap3A_69 : vector<512x1x128xf32> to vector<512x128xf32>
    %swap3A_71 = vector.shape_cast %slice3A_65 : vector<512x128xf32> to vector<512x1x128xf32>
    tpu.vector_store %arg7[%swap3A_66, %swap3A_67, %swap3A_68], %swap3A_71 {strides = array<i32>} : memref<512x8x128xf32, #tpu.memory_space<vmem>>, vector<512x1x128xf32>,
    %slice3A_72 = vector.extract_strided_slice %mul3A_23 {offsets = [0, 896], sizes = [512, 128], strides = [1, 1]} : vector<512x1024xf32> to vector<512x128xf32>
    %swap3A_73 = arith.constant 0 : index
    %swap3A_74 = arith.constant 7 : index
    %swap3A_75 = arith.constant 0 : index
    %swap3A_76 = vector.load %arg7[%swap3A_73, %swap3A_74, %swap3A_75] : memref<512x8x128xf32, #tpu.memory_space<vmem>>, vector<512x1x128xf32>
    %swap3A_77 = vector.shape_cast %swap3A_76 : vector<512x1x128xf32> to vector<512x128xf32>
    %swap3A_78 = vector.shape_cast %slice3A_72 : vector<512x128xf32> to vector<512x1x128xf32>
    tpu.vector_store %arg7[%swap3A_73, %swap3A_74, %swap3A_75], %swap3A_78 {strides = array<i32>} : memref<512x8x128xf32, #tpu.memory_space<vmem>>, vector<512x1x128xf32>,
    %get3A_79 = arith.constant 0 : index
    %get3A_80 = arith.constant 0 : index
    %get3A_81 = vector.load %arg5[%get3A_79, %get3A_80] : memref<1024x8xf32, #tpu.memory_space<vmem>>, vector<1024x8xf32>
    %dot_general3A_82 = arith.constant dense<0.000000e+00> : vector<512x8xf32>
    %dot_general3A_83 = tpu.matmul %mul3A_23, %get3A_81, %dot_general3A_82 {dimension_numbers = #tpu.dot_dimension_numbers<[1], [0], [0], [1], [0, 0, 1, 1], [], []>, transpose_lhs_hint = false} : vector<512x1024xf32>, vector<1024x8xf32>, vector<512x8xf32> -> vector<512x8xf32>
    %reduce_max3A = arith.constant dense<0xFF800000> : vector<512xf32>
    %reduce_max3A_84 = vector.multi_reduction <maximumf>, %dot_general3A_83, %reduce_max3A [1] : vector<512x8xf32> to vector<512xf32>
    %broadcast_in_dim3A_85 = vector.shape_cast %reduce_max3A_84 : vector<512xf32> to vector<512x1xf32>
    %sub3A = vector.broadcast %broadcast_in_dim3A_85 : vector<512x1xf32> to vector<512x8xf32>
    %sub3A_86 = arith.subf %dot_general3A_83, %sub3A : vector<512x8xf32>
    %exp3A = math.exp %sub3A_86 : vector<512x8xf32>
    %reduce_sum3A_87 = arith.constant dense<0.000000e+00> : vector<512xf32>
    %reduce_sum3A_88 = vector.multi_reduction <add>, %exp3A, %reduce_sum3A_87 [1] : vector<512x8xf32> to vector<512xf32>
    %broadcast_in_dim3A_89 = vector.shape_cast %reduce_sum3A_88 : vector<512xf32> to vector<512x1xf32>
    %div3A_90 = vector.broadcast %broadcast_in_dim3A_89 : vector<512x1xf32> to vector<512x8xf32>
    %div3A_91 = arith.divf %exp3A, %div3A_90 : vector<512x8xf32>
    %iota3A = tpu.iota {dimensions = array<i32: 1>} : vector<512x8xi32>
    %reduce_max3A_92 = arith.constant dense<0xFF800000> : vector<512xf32>
    %reduce_max3A_93 = vector.multi_reduction <maximumf>, %div3A_91, %reduce_max3A_92 [1] : vector<512x8xf32> to vector<512xf32>
    %broadcast_in_dim3A_94 = vector.shape_cast %reduce_max3A_93 : vector<512xf32> to vector<512x1xf32>
    %eq3A = vector.broadcast %broadcast_in_dim3A_94 : vector<512x1xf32> to vector<512x8xf32>
    %eq3A_95 = arith.cmpf oeq, %div3A_91, %eq3A : vector<512x8xf32>
    %jit3A = arith.constant 8 : i32
    %broadcast_in_dim3A_96 = vector.broadcast %jit3A : i32 to vector<512x8xi32>
    %select_n3A = arith.select %eq3A_95, %iota3A, %broadcast_in_dim3A_96 : vector<512x8xi1>, vector<512x8xi32>
    %reduce_min3A = arith.constant dense<2147483647> : vector<512xi32>
    %reduce_min3A_97 = vector.multi_reduction <minsi>, %select_n3A, %reduce_min3A [1] : vector<512x8xi32> to vector<512xi32>
    %broadcast_in_dim3A_98 = vector.shape_cast %reduce_min3A_97 : vector<512xi32> to vector<512x1xi32>
    %eq3A_99 = vector.broadcast %broadcast_in_dim3A_98 : vector<512x1xi32> to vector<512x8xi32>
    %eq3A_100 = arith.cmpi eq, %iota3A, %eq3A_99 : vector<512x8xi32>
    %jit3A_101 = arith.constant 0xFF800000 : f32
    %broadcast_in_dim3A_102 = vector.broadcast %jit3A_101 : f32 to vector<512x8xf32>
    %select_n3A_103 = arith.select %eq3A_100, %broadcast_in_dim3A_102, %div3A_91 : vector<512x8xi1>, vector<512x8xf32>
    %reduce_max3A_104 = arith.constant dense<0xFF800000> : vector<512xf32>
    %reduce_max3A_105 = vector.multi_reduction <maximumf>, %select_n3A_103, %reduce_max3A_104 [1] : vector<512x8xf32> to vector<512xf32>
    %broadcast_in_dim3A_106 = vector.shape_cast %reduce_max3A_105 : vector<512xf32> to vector<512x1xf32>
    %eq3A_107 = vector.broadcast %broadcast_in_dim3A_106 : vector<512x1xf32> to vector<512x8xf32>
    %eq3A_108 = arith.cmpf oeq, %select_n3A_103, %eq3A_107 : vector<512x8xf32>
    %jit3A_109 = arith.constant 8 : i32
    %broadcast_in_dim3A_110 = vector.broadcast %jit3A_109 : i32 to vector<512x8xi32>
    %select_n3A_111 = arith.select %eq3A_108, %iota3A, %broadcast_in_dim3A_110 : vector<512x8xi1>, vector<512x8xi32>
    %reduce_min3A_112 = arith.constant dense<2147483647> : vector<512xi32>
    %reduce_min3A_113 = vector.multi_reduction <minsi>, %select_n3A_111, %reduce_min3A_112 [1] : vector<512x8xi32> to vector<512xi32>
    %broadcast_in_dim3A_114 = vector.shape_cast %reduce_min3A_113 : vector<512xi32> to vector<512x1xi32>
    %swap3A_115 = arith.constant 0 : index
    %swap3A_116 = arith.constant 0 : index
    %swap3A_117 = vector.load %arg8[%swap3A_115, %swap3A_116] : memref<512x1xi32, #tpu.memory_space<vmem>>, vector<512x1xi32>
    tpu.vector_store %arg8[%swap3A_115, %swap3A_116], %broadcast_in_dim3A_98 {strides = array<i32>} : memref<512x1xi32, #tpu.memory_space<vmem>>, vector<512x1xi32>,
    %swap3A_118 = arith.constant 0 : index
    %swap3A_119 = arith.constant 0 : index
    %swap3A_120 = vector.load %arg9[%swap3A_118, %swap3A_119] : memref<512x1xi32, #tpu.memory_space<vmem>>, vector<512x1xi32>
    tpu.vector_store %arg9[%swap3A_118, %swap3A_119], %broadcast_in_dim3A_114 {strides = array<i32>} : memref<512x1xi32, #tpu.memory_space<vmem>>, vector<512x1xi32>,
    %swap3A_121 = arith.constant 0 : index
    %swap3A_122 = arith.constant 0 : index
    %swap3A_123 = vector.load %arg10[%swap3A_121, %swap3A_122] : memref<512x1xf32, #tpu.memory_space<vmem>>, vector<512x1xf32>
    tpu.vector_store %arg10[%swap3A_121, %swap3A_122], %broadcast_in_dim3A_94 {strides = array<i32>} : memref<512x1xf32, #tpu.memory_space<vmem>>, vector<512x1xf32>,
    %swap3A_124 = arith.constant 0 : index
    %swap3A_125 = arith.constant 0 : index
    %swap3A_126 = vector.load %arg11[%swap3A_124, %swap3A_125] : memref<512x1xf32, #tpu.memory_space<vmem>>, vector<512x1xf32>
    tpu.vector_store %arg11[%swap3A_124, %swap3A_125], %broadcast_in_dim3A_106 {strides = array<i32>} : memref<512x1xf32, #tpu.memory_space<vmem>>, vector<512x1xf32>,
    return
  }
  func.func @transform_0(%arg0: i32) -> (i32, i32) {
    %c0_i32 = arith.constant 0 : i32
    %c0_i32_0 = arith.constant 0 : i32
    return %arg0, %c0_i32 : i32, i32
  }
  func.func @transform_1(%arg0: i32) -> (i32, i32) {
    %c0_i32 = arith.constant 0 : i32
    %c0_i32_0 = arith.constant 0 : i32
    return %arg0, %c0_i32 : i32, i32
  }
  func.func @transform_2(%arg0: i32) -> (i32, i32) {
    %c0_i32 = arith.constant 0 : i32
    %c0_i32_0 = arith.constant 0 : i32
    %c0_i32_1 = arith.constant 0 : i32
    return %c0_i32, %c0_i32_0 : i32, i32
  }
  func.func @transform_3(%arg0: i32) -> (i32, i32) {
    %c0_i32 = arith.constant 0 : i32
    %c0_i32_0 = arith.constant 0 : i32
    %c0_i32_1 = arith.constant 0 : i32
    return %c0_i32, %c0_i32_0 : i32, i32
  }
  func.func @transform_4(%arg0: i32) -> (i32, i32) {
    %c0_i32 = arith.constant 0 : i32
    %c0_i32_0 = arith.constant 0 : i32
    %c0_i32_1 = arith.constant 0 : i32
    return %c0_i32, %c0_i32_0 : i32, i32
  }
  func.func @transform_5(%arg0: i32) -> (i32, i32) {
    %c0_i32 = arith.constant 0 : i32
    %c0_i32_0 = arith.constant 0 : i32
    return %arg0, %c0_i32 : i32, i32
  }
  func.func @transform_6(%arg0: i32) -> (i32, i32, i32) {
    %c0_i32 = arith.constant 0 : i32
    %c0_i32_0 = arith.constant 0 : i32
    %c0_i32_1 = arith.constant 0 : i32
    return %arg0, %c0_i32, %c0_i32_0 : i32, i32, i32
  }
  func.func @transform_7(%arg0: i32) -> (i32, i32) {
    %c0_i32 = arith.constant 0 : i32
    %c0_i32_0 = arith.constant 0 : i32
    return %arg0, %c0_i32 : i32, i32
  }
  func.func @transform_8(%arg0: i32) -> (i32, i32) {
    %c0_i32 = arith.constant 0 : i32
    %c0_i32_0 = arith.constant 0 : i32
    return %arg0, %c0_i32 : i32, i32
  }
  func.func @transform_9(%arg0: i32) -> (i32, i32) {
    %c0_i32 = arith.constant 0 : i32
    %c0_i32_0 = arith.constant 0 : i32
    return %arg0, %c0_i32 : i32, i32
  }
  func.func @transform_10(%arg0: i32) -> (i32, i32) {
    %c0_i32 = arith.constant 0 : i32
    %c0_i32_0 = arith.constant 0 : i32
    return %arg0, %c0_i32 : i32, i32
  }
}

module attributes {stable_mosaic.version = 14 : i64} {
  func.func @_route_meta_body(%arg0: i32, %arg1: memref<32x64xi32, #tpu.memory_space<vmem>>, %arg2: memref<32x64xi32, #tpu.memory_space<vmem>>, %arg3: memref<32x64xi32, #tpu.memory_space<vmem>>, %arg4: memref<32x64xi32, #tpu.memory_space<vmem>>, %arg5: memref<1x24xi32, #tpu.memory_space<vmem>>, %arg6: memref<1x24xi32, #tpu.memory_space<vmem>>) attributes {dimension_semantics = [#tpu.dimension_semantics<arbitrary>], iteration_bounds = array<i64: 1>, scalar_prefetch = 0 : i64, scratch_operands = 0 : i64, tpu.core_type = #tpu.core_type<tc>, window_params = [{pipeline_mode = #tpu.pipeline_mode<synchronous>, transform_indices = @transform_0, window_bounds = array<i64: 32, 64>}, {pipeline_mode = #tpu.pipeline_mode<synchronous>, transform_indices = @transform_1, window_bounds = array<i64: 32, 64>}, {pipeline_mode = #tpu.pipeline_mode<synchronous>, transform_indices = @transform_2, window_bounds = array<i64: 32, 64>}, {pipeline_mode = #tpu.pipeline_mode<synchronous>, transform_indices = @transform_3, window_bounds = array<i64: 32, 64>}, {pipeline_mode = #tpu.pipeline_mode<synchronous>, transform_indices = @transform_4, window_bounds = array<i64: 1, 24>}, {pipeline_mode = #tpu.pipeline_mode<synchronous>, transform_indices = @transform_5, window_bounds = array<i64: 1, 24>}]} {
    %get3A = arith.constant 0 : index
    %get3A_0 = arith.constant 0 : index
    %get3A_1 = vector.load %arg1[%get3A, %get3A_0] : memref<32x64xi32, #tpu.memory_space<vmem>>, vector<32x64xi32>
    %get3A_2 = arith.constant 0 : index
    %get3A_3 = arith.constant 0 : index
    %get3A_4 = vector.load %arg2[%get3A_2, %get3A_3] : memref<32x64xi32, #tpu.memory_space<vmem>>, vector<32x64xi32>
    %eq3A = arith.constant 0 : i32
    %eq3A_5 = vector.broadcast %eq3A : i32 to vector<32x64xi32>
    %eq3A_6 = arith.cmpi eq, %get3A_1, %eq3A_5 : vector<32x64xi32>
    %convert_element_type3A = arith.extui %eq3A_6 : vector<32x64xi1> to vector<32x64xi32>
    %convert_element_type3A_7 = arith.sitofp %convert_element_type3A : vector<32x64xi32> to vector<32x64xf32>
    %eq3A_8 = arith.constant 0 : i32
    %eq3A_9 = vector.broadcast %eq3A_8 : i32 to vector<32x64xi32>
    %eq3A_10 = arith.cmpi eq, %get3A_4, %eq3A_9 : vector<32x64xi32>
    %convert_element_type3A_11 = arith.extui %eq3A_10 : vector<32x64xi1> to vector<32x64xi32>
    %convert_element_type3A_12 = arith.sitofp %convert_element_type3A_11 : vector<32x64xi32> to vector<32x64xf32>
    %add3A = arith.addf %convert_element_type3A_7, %convert_element_type3A_12 : vector<32x64xf32>
    %reduce_sum3A = arith.constant dense<0.000000e+00> : vector<32xf32>
    %reduce_sum3A_13 = vector.multi_reduction <add>, %add3A, %reduce_sum3A [1] : vector<32x64xf32> to vector<32xf32>
    %broadcast_in_dim3A = vector.shape_cast %reduce_sum3A_13 : vector<32xf32> to vector<32x1xf32>
    %eq3A_14 = arith.constant 1 : i32
    %eq3A_15 = vector.broadcast %eq3A_14 : i32 to vector<32x64xi32>
    %eq3A_16 = arith.cmpi eq, %get3A_1, %eq3A_15 : vector<32x64xi32>
    %convert_element_type3A_17 = arith.extui %eq3A_16 : vector<32x64xi1> to vector<32x64xi32>
    %convert_element_type3A_18 = arith.sitofp %convert_element_type3A_17 : vector<32x64xi32> to vector<32x64xf32>
    %eq3A_19 = arith.constant 1 : i32
    %eq3A_20 = vector.broadcast %eq3A_19 : i32 to vector<32x64xi32>
    %eq3A_21 = arith.cmpi eq, %get3A_4, %eq3A_20 : vector<32x64xi32>
    %convert_element_type3A_22 = arith.extui %eq3A_21 : vector<32x64xi1> to vector<32x64xi32>
    %convert_element_type3A_23 = arith.sitofp %convert_element_type3A_22 : vector<32x64xi32> to vector<32x64xf32>
    %add3A_24 = arith.addf %convert_element_type3A_18, %convert_element_type3A_23 : vector<32x64xf32>
    %reduce_sum3A_25 = arith.constant dense<0.000000e+00> : vector<32xf32>
    %reduce_sum3A_26 = vector.multi_reduction <add>, %add3A_24, %reduce_sum3A_25 [1] : vector<32x64xf32> to vector<32xf32>
    %broadcast_in_dim3A_27 = vector.shape_cast %reduce_sum3A_26 : vector<32xf32> to vector<32x1xf32>
    %eq3A_28 = arith.constant 2 : i32
    %eq3A_29 = vector.broadcast %eq3A_28 : i32 to vector<32x64xi32>
    %eq3A_30 = arith.cmpi eq, %get3A_1, %eq3A_29 : vector<32x64xi32>
    %convert_element_type3A_31 = arith.extui %eq3A_30 : vector<32x64xi1> to vector<32x64xi32>
    %convert_element_type3A_32 = arith.sitofp %convert_element_type3A_31 : vector<32x64xi32> to vector<32x64xf32>
    %eq3A_33 = arith.constant 2 : i32
    %eq3A_34 = vector.broadcast %eq3A_33 : i32 to vector<32x64xi32>
    %eq3A_35 = arith.cmpi eq, %get3A_4, %eq3A_34 : vector<32x64xi32>
    %convert_element_type3A_36 = arith.extui %eq3A_35 : vector<32x64xi1> to vector<32x64xi32>
    %convert_element_type3A_37 = arith.sitofp %convert_element_type3A_36 : vector<32x64xi32> to vector<32x64xf32>
    %add3A_38 = arith.addf %convert_element_type3A_32, %convert_element_type3A_37 : vector<32x64xf32>
    %reduce_sum3A_39 = arith.constant dense<0.000000e+00> : vector<32xf32>
    %reduce_sum3A_40 = vector.multi_reduction <add>, %add3A_38, %reduce_sum3A_39 [1] : vector<32x64xf32> to vector<32xf32>
    %broadcast_in_dim3A_41 = vector.shape_cast %reduce_sum3A_40 : vector<32xf32> to vector<32x1xf32>
    %eq3A_42 = arith.constant 3 : i32
    %eq3A_43 = vector.broadcast %eq3A_42 : i32 to vector<32x64xi32>
    %eq3A_44 = arith.cmpi eq, %get3A_1, %eq3A_43 : vector<32x64xi32>
    %convert_element_type3A_45 = arith.extui %eq3A_44 : vector<32x64xi1> to vector<32x64xi32>
    %convert_element_type3A_46 = arith.sitofp %convert_element_type3A_45 : vector<32x64xi32> to vector<32x64xf32>
    %eq3A_47 = arith.constant 3 : i32
    %eq3A_48 = vector.broadcast %eq3A_47 : i32 to vector<32x64xi32>
    %eq3A_49 = arith.cmpi eq, %get3A_4, %eq3A_48 : vector<32x64xi32>
    %convert_element_type3A_50 = arith.extui %eq3A_49 : vector<32x64xi1> to vector<32x64xi32>
    %convert_element_type3A_51 = arith.sitofp %convert_element_type3A_50 : vector<32x64xi32> to vector<32x64xf32>
    %add3A_52 = arith.addf %convert_element_type3A_46, %convert_element_type3A_51 : vector<32x64xf32>
    %reduce_sum3A_53 = arith.constant dense<0.000000e+00> : vector<32xf32>
    %reduce_sum3A_54 = vector.multi_reduction <add>, %add3A_52, %reduce_sum3A_53 [1] : vector<32x64xf32> to vector<32xf32>
    %broadcast_in_dim3A_55 = vector.shape_cast %reduce_sum3A_54 : vector<32xf32> to vector<32x1xf32>
    %eq3A_56 = arith.constant 4 : i32
    %eq3A_57 = vector.broadcast %eq3A_56 : i32 to vector<32x64xi32>
    %eq3A_58 = arith.cmpi eq, %get3A_1, %eq3A_57 : vector<32x64xi32>
    %convert_element_type3A_59 = arith.extui %eq3A_58 : vector<32x64xi1> to vector<32x64xi32>
    %convert_element_type3A_60 = arith.sitofp %convert_element_type3A_59 : vector<32x64xi32> to vector<32x64xf32>
    %eq3A_61 = arith.constant 4 : i32
    %eq3A_62 = vector.broadcast %eq3A_61 : i32 to vector<32x64xi32>
    %eq3A_63 = arith.cmpi eq, %get3A_4, %eq3A_62 : vector<32x64xi32>
    %convert_element_type3A_64 = arith.extui %eq3A_63 : vector<32x64xi1> to vector<32x64xi32>
    %convert_element_type3A_65 = arith.sitofp %convert_element_type3A_64 : vector<32x64xi32> to vector<32x64xf32>
    %add3A_66 = arith.addf %convert_element_type3A_60, %convert_element_type3A_65 : vector<32x64xf32>
    %reduce_sum3A_67 = arith.constant dense<0.000000e+00> : vector<32xf32>
    %reduce_sum3A_68 = vector.multi_reduction <add>, %add3A_66, %reduce_sum3A_67 [1] : vector<32x64xf32> to vector<32xf32>
    %broadcast_in_dim3A_69 = vector.shape_cast %reduce_sum3A_68 : vector<32xf32> to vector<32x1xf32>
    %eq3A_70 = arith.constant 5 : i32
    %eq3A_71 = vector.broadcast %eq3A_70 : i32 to vector<32x64xi32>
    %eq3A_72 = arith.cmpi eq, %get3A_1, %eq3A_71 : vector<32x64xi32>
    %convert_element_type3A_73 = arith.extui %eq3A_72 : vector<32x64xi1> to vector<32x64xi32>
    %convert_element_type3A_74 = arith.sitofp %convert_element_type3A_73 : vector<32x64xi32> to vector<32x64xf32>
    %eq3A_75 = arith.constant 5 : i32
    %eq3A_76 = vector.broadcast %eq3A_75 : i32 to vector<32x64xi32>
    %eq3A_77 = arith.cmpi eq, %get3A_4, %eq3A_76 : vector<32x64xi32>
    %convert_element_type3A_78 = arith.extui %eq3A_77 : vector<32x64xi1> to vector<32x64xi32>
    %convert_element_type3A_79 = arith.sitofp %convert_element_type3A_78 : vector<32x64xi32> to vector<32x64xf32>
    %add3A_80 = arith.addf %convert_element_type3A_74, %convert_element_type3A_79 : vector<32x64xf32>
    %reduce_sum3A_81 = arith.constant dense<0.000000e+00> : vector<32xf32>
    %reduce_sum3A_82 = vector.multi_reduction <add>, %add3A_80, %reduce_sum3A_81 [1] : vector<32x64xf32> to vector<32xf32>
    %broadcast_in_dim3A_83 = vector.shape_cast %reduce_sum3A_82 : vector<32xf32> to vector<32x1xf32>
    %eq3A_84 = arith.constant 6 : i32
    %eq3A_85 = vector.broadcast %eq3A_84 : i32 to vector<32x64xi32>
    %eq3A_86 = arith.cmpi eq, %get3A_1, %eq3A_85 : vector<32x64xi32>
    %convert_element_type3A_87 = arith.extui %eq3A_86 : vector<32x64xi1> to vector<32x64xi32>
    %convert_element_type3A_88 = arith.sitofp %convert_element_type3A_87 : vector<32x64xi32> to vector<32x64xf32>
    %eq3A_89 = arith.constant 6 : i32
    %eq3A_90 = vector.broadcast %eq3A_89 : i32 to vector<32x64xi32>
    %eq3A_91 = arith.cmpi eq, %get3A_4, %eq3A_90 : vector<32x64xi32>
    %convert_element_type3A_92 = arith.extui %eq3A_91 : vector<32x64xi1> to vector<32x64xi32>
    %convert_element_type3A_93 = arith.sitofp %convert_element_type3A_92 : vector<32x64xi32> to vector<32x64xf32>
    %add3A_94 = arith.addf %convert_element_type3A_88, %convert_element_type3A_93 : vector<32x64xf32>
    %reduce_sum3A_95 = arith.constant dense<0.000000e+00> : vector<32xf32>
    %reduce_sum3A_96 = vector.multi_reduction <add>, %add3A_94, %reduce_sum3A_95 [1] : vector<32x64xf32> to vector<32xf32>
    %broadcast_in_dim3A_97 = vector.shape_cast %reduce_sum3A_96 : vector<32xf32> to vector<32x1xf32>
    %eq3A_98 = arith.constant 7 : i32
    %eq3A_99 = vector.broadcast %eq3A_98 : i32 to vector<32x64xi32>
    %eq3A_100 = arith.cmpi eq, %get3A_1, %eq3A_99 : vector<32x64xi32>
    %convert_element_type3A_101 = arith.extui %eq3A_100 : vector<32x64xi1> to vector<32x64xi32>
    %convert_element_type3A_102 = arith.sitofp %convert_element_type3A_101 : vector<32x64xi32> to vector<32x64xf32>
    %eq3A_103 = arith.constant 7 : i32
    %eq3A_104 = vector.broadcast %eq3A_103 : i32 to vector<32x64xi32>
    %eq3A_105 = arith.cmpi eq, %get3A_4, %eq3A_104 : vector<32x64xi32>
    %convert_element_type3A_106 = arith.extui %eq3A_105 : vector<32x64xi1> to vector<32x64xi32>
    %convert_element_type3A_107 = arith.sitofp %convert_element_type3A_106 : vector<32x64xi32> to vector<32x64xf32>
    %add3A_108 = arith.addf %convert_element_type3A_102, %convert_element_type3A_107 : vector<32x64xf32>
    %reduce_sum3A_109 = arith.constant dense<0.000000e+00> : vector<32xf32>
    %reduce_sum3A_110 = vector.multi_reduction <add>, %add3A_108, %reduce_sum3A_109 [1] : vector<32x64xf32> to vector<32xf32>
    %broadcast_in_dim3A_111 = vector.shape_cast %reduce_sum3A_110 : vector<32xf32> to vector<32x1xf32>
    %concatenate3A = tpu.concatenate %broadcast_in_dim3A, %broadcast_in_dim3A_27, %broadcast_in_dim3A_41, %broadcast_in_dim3A_55, %broadcast_in_dim3A_69, %broadcast_in_dim3A_83, %broadcast_in_dim3A_97, %broadcast_in_dim3A_111 in 1 : vector<32x1xf32>, vector<32x1xf32>, vector<32x1xf32>, vector<32x1xf32>, vector<32x1xf32>, vector<32x1xf32>, vector<32x1xf32>, vector<32x1xf32> -> vector<32x8xf32>
    %reduce_sum3A_112 = arith.constant dense<0.000000e+00> : vector<8xf32>
    %reduce_sum3A_113 = vector.multi_reduction <add>, %concatenate3A, %reduce_sum3A_112 [0] : vector<32x8xf32> to vector<8xf32>
    %broadcast_in_dim3A_114 = vector.shape_cast %reduce_sum3A_113 : vector<8xf32> to vector<1x8xf32>
    %add3A_115 = arith.constant 2.550000e+02 : f32
    %add3A_116 = vector.broadcast %add3A_115 : f32 to vector<1x8xf32>
    %add3A_117 = arith.addf %broadcast_in_dim3A_114, %add3A_116 : vector<1x8xf32>
    %div3A = arith.constant 2.560000e+02 : f32
    %div3A_118 = vector.broadcast %div3A : f32 to vector<1x8xf32>
    %div3A_119 = arith.divf %add3A_117, %div3A_118 : vector<1x8xf32>
    %floor3A = math.floor %div3A_119 : vector<1x8xf32>
    %mul3A = arith.constant 2.560000e+02 : f32
    %mul3A_120 = vector.broadcast %mul3A : f32 to vector<1x8xf32>
    %mul3A_121 = arith.mulf %floor3A, %mul3A_120 : vector<1x8xf32>
    %broadcast_in_dim3A_122 = arith.constant 0.000000e+00 : f32
    %broadcast_in_dim3A_123 = vector.broadcast %broadcast_in_dim3A_122 : f32 to vector<1x1xf32>
    %slice3A = vector.extract_strided_slice %mul3A_121 {offsets = [0, 0], sizes = [1, 7], strides = [1, 1]} : vector<1x8xf32> to vector<1x7xf32>
    %concatenate3A_124 = tpu.concatenate %broadcast_in_dim3A_123, %slice3A in 1 : vector<1x1xf32>, vector<1x7xf32> -> vector<1x8xf32>
    %add3A_125 = arith.addf %mul3A_121, %concatenate3A_124 : vector<1x8xf32>
    %broadcast_in_dim3A_126 = arith.constant 0.000000e+00 : f32
    %broadcast_in_dim3A_127 = vector.broadcast %broadcast_in_dim3A_126 : f32 to vector<1x2xf32>
    %slice3A_128 = vector.extract_strided_slice %add3A_125 {offsets = [0, 0], sizes = [1, 6], strides = [1, 1]} : vector<1x8xf32> to vector<1x6xf32>
    %concatenate3A_129 = tpu.concatenate %broadcast_in_dim3A_127, %slice3A_128 in 1 : vector<1x2xf32>, vector<1x6xf32> -> vector<1x8xf32>
    %add3A_130 = arith.addf %add3A_125, %concatenate3A_129 : vector<1x8xf32>
    %broadcast_in_dim3A_131 = arith.constant 0.000000e+00 : f32
    %broadcast_in_dim3A_132 = vector.broadcast %broadcast_in_dim3A_131 : f32 to vector<1x4xf32>
    %slice3A_133 = vector.extract_strided_slice %add3A_130 {offsets = [0, 0], sizes = [1, 4], strides = [1, 1]} : vector<1x8xf32> to vector<1x4xf32>
    %concatenate3A_134 = tpu.concatenate %broadcast_in_dim3A_132, %slice3A_133 in 1 : vector<1x4xf32>, vector<1x4xf32> -> vector<1x8xf32>
    %add3A_135 = arith.addf %add3A_130, %concatenate3A_134 : vector<1x8xf32>
    %sub3A = arith.subf %add3A_135, %mul3A_121 : vector<1x8xf32>
    %broadcast_in_dim3A_136 = arith.constant 0.000000e+00 : f32
    %broadcast_in_dim3A_137 = vector.broadcast %broadcast_in_dim3A_136 : f32 to vector<32x64xf32>
    %broadcast_in_dim3A_138 = arith.constant 0.000000e+00 : f32
    %broadcast_in_dim3A_139 = vector.broadcast %broadcast_in_dim3A_138 : f32 to vector<32x64xf32>
    %slice3A_140 = vector.extract_strided_slice %sub3A {offsets = [0, 0], sizes = [1, 1], strides = [1, 1]} : vector<1x8xf32> to vector<1x1xf32>
    %eq3A_141 = arith.constant 0 : i32
    %eq3A_142 = vector.broadcast %eq3A_141 : i32 to vector<32x64xi32>
    %eq3A_143 = arith.cmpi eq, %get3A_1, %eq3A_142 : vector<32x64xi32>
    %convert_element_type3A_144 = arith.extui %eq3A_143 : vector<32x64xi1> to vector<32x64xi32>
    %convert_element_type3A_145 = arith.sitofp %convert_element_type3A_144 : vector<32x64xi32> to vector<32x64xf32>
    %broadcast_in_dim3A_146 = arith.constant 0.000000e+00 : f32
    %broadcast_in_dim3A_147 = vector.broadcast %broadcast_in_dim3A_146 : f32 to vector<32x1xf32>
    %slice3A_148 = vector.extract_strided_slice %convert_element_type3A_145 {offsets = [0, 0], sizes = [32, 63], strides = [1, 1]} : vector<32x64xf32> to vector<32x63xf32>
    %concatenate3A_149 = tpu.concatenate %broadcast_in_dim3A_147, %slice3A_148 in 1 : vector<32x1xf32>, vector<32x63xf32> -> vector<32x64xf32>
    %add3A_150 = arith.addf %convert_element_type3A_145, %concatenate3A_149 : vector<32x64xf32>
    %broadcast_in_dim3A_151 = arith.constant 0.000000e+00 : f32
    %broadcast_in_dim3A_152 = vector.broadcast %broadcast_in_dim3A_151 : f32 to vector<32x2xf32>
    %slice3A_153 = vector.extract_strided_slice %add3A_150 {offsets = [0, 0], sizes = [32, 62], strides = [1, 1]} : vector<32x64xf32> to vector<32x62xf32>
    %concatenate3A_154 = tpu.concatenate %broadcast_in_dim3A_152, %slice3A_153 in 1 : vector<32x2xf32>, vector<32x62xf32> -> vector<32x64xf32>
    %add3A_155 = arith.addf %add3A_150, %concatenate3A_154 : vector<32x64xf32>
    %broadcast_in_dim3A_156 = arith.constant 0.000000e+00 : f32
    %broadcast_in_dim3A_157 = vector.broadcast %broadcast_in_dim3A_156 : f32 to vector<32x4xf32>
    %slice3A_158 = vector.extract_strided_slice %add3A_155 {offsets = [0, 0], sizes = [32, 60], strides = [1, 1]} : vector<32x64xf32> to vector<32x60xf32>
    %concatenate3A_159 = tpu.concatenate %broadcast_in_dim3A_157, %slice3A_158 in 1 : vector<32x4xf32>, vector<32x60xf32> -> vector<32x64xf32>
    %add3A_160 = arith.addf %add3A_155, %concatenate3A_159 : vector<32x64xf32>
    %broadcast_in_dim3A_161 = arith.constant 0.000000e+00 : f32
    %broadcast_in_dim3A_162 = vector.broadcast %broadcast_in_dim3A_161 : f32 to vector<32x8xf32>
    %slice3A_163 = vector.extract_strided_slice %add3A_160 {offsets = [0, 0], sizes = [32, 56], strides = [1, 1]} : vector<32x64xf32> to vector<32x56xf32>
    %concatenate3A_164 = tpu.concatenate %broadcast_in_dim3A_162, %slice3A_163 in 1 : vector<32x8xf32>, vector<32x56xf32> -> vector<32x64xf32>
    %add3A_165 = arith.addf %add3A_160, %concatenate3A_164 : vector<32x64xf32>
    %broadcast_in_dim3A_166 = arith.constant 0.000000e+00 : f32
    %broadcast_in_dim3A_167 = vector.broadcast %broadcast_in_dim3A_166 : f32 to vector<32x16xf32>
    %slice3A_168 = vector.extract_strided_slice %add3A_165 {offsets = [0, 0], sizes = [32, 48], strides = [1, 1]} : vector<32x64xf32> to vector<32x48xf32>
    %concatenate3A_169 = tpu.concatenate %broadcast_in_dim3A_167, %slice3A_168 in 1 : vector<32x16xf32>, vector<32x48xf32> -> vector<32x64xf32>
    %add3A_170 = arith.addf %add3A_165, %concatenate3A_169 : vector<32x64xf32>
    %broadcast_in_dim3A_171 = arith.constant 0.000000e+00 : f32
    %broadcast_in_dim3A_172 = vector.broadcast %broadcast_in_dim3A_171 : f32 to vector<32x32xf32>
    %slice3A_173 = vector.extract_strided_slice %add3A_170 {offsets = [0, 0], sizes = [32, 32], strides = [1, 1]} : vector<32x64xf32> to vector<32x32xf32>
    %concatenate3A_174 = tpu.concatenate %broadcast_in_dim3A_172, %slice3A_173 in 1 : vector<32x32xf32>, vector<32x32xf32> -> vector<32x64xf32>
    %add3A_175 = arith.addf %add3A_170, %concatenate3A_174 : vector<32x64xf32>
    %slice3A_176 = vector.extract_strided_slice %add3A_175 {offsets = [0, 63], sizes = [32, 1], strides = [1, 1]} : vector<32x64xf32> to vector<32x1xf32>
    %sub3A_177 = arith.subf %add3A_175, %convert_element_type3A_145 : vector<32x64xf32>
    %broadcast_in_dim3A_178 = arith.constant 0.000000e+00 : f32
    %broadcast_in_dim3A_179 = vector.broadcast %broadcast_in_dim3A_178 : f32 to vector<1x1xf32>
    %slice3A_180 = vector.extract_strided_slice %slice3A_176 {offsets = [0, 0], sizes = [31, 1], strides = [1, 1]} : vector<32x1xf32> to vector<31x1xf32>
    %concatenate3A_181 = tpu.concatenate %broadcast_in_dim3A_179, %slice3A_180 in 0 : vector<1x1xf32>, vector<31x1xf32> -> vector<32x1xf32>
    %add3A_182 = arith.addf %slice3A_176, %concatenate3A_181 : vector<32x1xf32>
    %broadcast_in_dim3A_183 = arith.constant 0.000000e+00 : f32
    %broadcast_in_dim3A_184 = vector.broadcast %broadcast_in_dim3A_183 : f32 to vector<2x1xf32>
    %slice3A_185 = vector.extract_strided_slice %add3A_182 {offsets = [0, 0], sizes = [30, 1], strides = [1, 1]} : vector<32x1xf32> to vector<30x1xf32>
    %concatenate3A_186 = tpu.concatenate %broadcast_in_dim3A_184, %slice3A_185 in 0 : vector<2x1xf32>, vector<30x1xf32> -> vector<32x1xf32>
    %add3A_187 = arith.addf %add3A_182, %concatenate3A_186 : vector<32x1xf32>
    %broadcast_in_dim3A_188 = arith.constant 0.000000e+00 : f32
    %broadcast_in_dim3A_189 = vector.broadcast %broadcast_in_dim3A_188 : f32 to vector<4x1xf32>
    %slice3A_190 = vector.extract_strided_slice %add3A_187 {offsets = [0, 0], sizes = [28, 1], strides = [1, 1]} : vector<32x1xf32> to vector<28x1xf32>
    %concatenate3A_191 = tpu.concatenate %broadcast_in_dim3A_189, %slice3A_190 in 0 : vector<4x1xf32>, vector<28x1xf32> -> vector<32x1xf32>
    %add3A_192 = arith.addf %add3A_187, %concatenate3A_191 : vector<32x1xf32>
    %broadcast_in_dim3A_193 = arith.constant 0.000000e+00 : f32
    %broadcast_in_dim3A_194 = vector.broadcast %broadcast_in_dim3A_193 : f32 to vector<8x1xf32>
    %slice3A_195 = vector.extract_strided_slice %add3A_192 {offsets = [0, 0], sizes = [24, 1], strides = [1, 1]} : vector<32x1xf32> to vector<24x1xf32>
    %concatenate3A_196 = tpu.concatenate %broadcast_in_dim3A_194, %slice3A_195 in 0 : vector<8x1xf32>, vector<24x1xf32> -> vector<32x1xf32>
    %add3A_197 = arith.addf %add3A_192, %concatenate3A_196 : vector<32x1xf32>
    %broadcast_in_dim3A_198 = arith.constant 0.000000e+00 : f32
    %broadcast_in_dim3A_199 = vector.broadcast %broadcast_in_dim3A_198 : f32 to vector<16x1xf32>
    %slice3A_200 = vector.extract_strided_slice %add3A_197 {offsets = [0, 0], sizes = [16, 1], strides = [1, 1]} : vector<32x1xf32> to vector<16x1xf32>
    %concatenate3A_201 = tpu.concatenate %broadcast_in_dim3A_199, %slice3A_200 in 0 : vector<16x1xf32>, vector<16x1xf32> -> vector<32x1xf32>
    %add3A_202 = arith.addf %add3A_197, %concatenate3A_201 : vector<32x1xf32>
    %sub3A_203 = arith.subf %add3A_202, %slice3A_176 : vector<32x1xf32>
    %add3A_204 = vector.broadcast %sub3A_203 : vector<32x1xf32> to vector<32x64xf32>
    %add3A_205 = arith.addf %sub3A_177, %add3A_204 : vector<32x64xf32>
    %reduce_sum3A_206 = arith.constant dense<0.000000e+00> : vector<1xf32>
    %reduce_sum3A_207 = vector.multi_reduction <add>, %slice3A_176, %reduce_sum3A_206 [0] : vector<32x1xf32> to vector<1xf32>
    %broadcast_in_dim3A_208 = vector.shape_cast %reduce_sum3A_207 : vector<1xf32> to vector<1x1xf32>
    %add3A_209 = vector.broadcast %slice3A_140 : vector<1x1xf32> to vector<32x64xf32>
    %add3A_210 = arith.addf %add3A_209, %add3A_205 : vector<32x64xf32>
    %mul3A_211 = arith.mulf %convert_element_type3A_145, %add3A_210 : vector<32x64xf32>
    %add3A_212 = arith.addf %broadcast_in_dim3A_137, %mul3A_211 : vector<32x64xf32>
    %eq3A_213 = arith.constant 0 : i32
    %eq3A_214 = vector.broadcast %eq3A_213 : i32 to vector<32x64xi32>
    %eq3A_215 = arith.cmpi eq, %get3A_4, %eq3A_214 : vector<32x64xi32>
    %convert_element_type3A_216 = arith.extui %eq3A_215 : vector<32x64xi1> to vector<32x64xi32>
    %convert_element_type3A_217 = arith.sitofp %convert_element_type3A_216 : vector<32x64xi32> to vector<32x64xf32>
    %broadcast_in_dim3A_218 = arith.constant 0.000000e+00 : f32
    %broadcast_in_dim3A_219 = vector.broadcast %broadcast_in_dim3A_218 : f32 to vector<32x1xf32>
    %slice3A_220 = vector.extract_strided_slice %convert_element_type3A_217 {offsets = [0, 0], sizes = [32, 63], strides = [1, 1]} : vector<32x64xf32> to vector<32x63xf32>
    %concatenate3A_221 = tpu.concatenate %broadcast_in_dim3A_219, %slice3A_220 in 1 : vector<32x1xf32>, vector<32x63xf32> -> vector<32x64xf32>
    %add3A_222 = arith.addf %convert_element_type3A_217, %concatenate3A_221 : vector<32x64xf32>
    %broadcast_in_dim3A_223 = arith.constant 0.000000e+00 : f32
    %broadcast_in_dim3A_224 = vector.broadcast %broadcast_in_dim3A_223 : f32 to vector<32x2xf32>
    %slice3A_225 = vector.extract_strided_slice %add3A_222 {offsets = [0, 0], sizes = [32, 62], strides = [1, 1]} : vector<32x64xf32> to vector<32x62xf32>
    %concatenate3A_226 = tpu.concatenate %broadcast_in_dim3A_224, %slice3A_225 in 1 : vector<32x2xf32>, vector<32x62xf32> -> vector<32x64xf32>
    %add3A_227 = arith.addf %add3A_222, %concatenate3A_226 : vector<32x64xf32>
    %broadcast_in_dim3A_228 = arith.constant 0.000000e+00 : f32
    %broadcast_in_dim3A_229 = vector.broadcast %broadcast_in_dim3A_228 : f32 to vector<32x4xf32>
    %slice3A_230 = vector.extract_strided_slice %add3A_227 {offsets = [0, 0], sizes = [32, 60], strides = [1, 1]} : vector<32x64xf32> to vector<32x60xf32>
    %concatenate3A_231 = tpu.concatenate %broadcast_in_dim3A_229, %slice3A_230 in 1 : vector<32x4xf32>, vector<32x60xf32> -> vector<32x64xf32>
    %add3A_232 = arith.addf %add3A_227, %concatenate3A_231 : vector<32x64xf32>
    %broadcast_in_dim3A_233 = arith.constant 0.000000e+00 : f32
    %broadcast_in_dim3A_234 = vector.broadcast %broadcast_in_dim3A_233 : f32 to vector<32x8xf32>
    %slice3A_235 = vector.extract_strided_slice %add3A_232 {offsets = [0, 0], sizes = [32, 56], strides = [1, 1]} : vector<32x64xf32> to vector<32x56xf32>
    %concatenate3A_236 = tpu.concatenate %broadcast_in_dim3A_234, %slice3A_235 in 1 : vector<32x8xf32>, vector<32x56xf32> -> vector<32x64xf32>
    %add3A_237 = arith.addf %add3A_232, %concatenate3A_236 : vector<32x64xf32>
    %broadcast_in_dim3A_238 = arith.constant 0.000000e+00 : f32
    %broadcast_in_dim3A_239 = vector.broadcast %broadcast_in_dim3A_238 : f32 to vector<32x16xf32>
    %slice3A_240 = vector.extract_strided_slice %add3A_237 {offsets = [0, 0], sizes = [32, 48], strides = [1, 1]} : vector<32x64xf32> to vector<32x48xf32>
    %concatenate3A_241 = tpu.concatenate %broadcast_in_dim3A_239, %slice3A_240 in 1 : vector<32x16xf32>, vector<32x48xf32> -> vector<32x64xf32>
    %add3A_242 = arith.addf %add3A_237, %concatenate3A_241 : vector<32x64xf32>
    %broadcast_in_dim3A_243 = arith.constant 0.000000e+00 : f32
    %broadcast_in_dim3A_244 = vector.broadcast %broadcast_in_dim3A_243 : f32 to vector<32x32xf32>
    %slice3A_245 = vector.extract_strided_slice %add3A_242 {offsets = [0, 0], sizes = [32, 32], strides = [1, 1]} : vector<32x64xf32> to vector<32x32xf32>
    %concatenate3A_246 = tpu.concatenate %broadcast_in_dim3A_244, %slice3A_245 in 1 : vector<32x32xf32>, vector<32x32xf32> -> vector<32x64xf32>
    %add3A_247 = arith.addf %add3A_242, %concatenate3A_246 : vector<32x64xf32>
    %sub3A_248 = arith.subf %add3A_247, %convert_element_type3A_217 : vector<32x64xf32>
    %slice3A_249 = vector.extract_strided_slice %add3A_247 {offsets = [0, 63], sizes = [32, 1], strides = [1, 1]} : vector<32x64xf32> to vector<32x1xf32>
    %broadcast_in_dim3A_250 = arith.constant 0.000000e+00 : f32
    %broadcast_in_dim3A_251 = vector.broadcast %broadcast_in_dim3A_250 : f32 to vector<1x1xf32>
    %slice3A_252 = vector.extract_strided_slice %slice3A_249 {offsets = [0, 0], sizes = [31, 1], strides = [1, 1]} : vector<32x1xf32> to vector<31x1xf32>
    %concatenate3A_253 = tpu.concatenate %broadcast_in_dim3A_251, %slice3A_252 in 0 : vector<1x1xf32>, vector<31x1xf32> -> vector<32x1xf32>
    %add3A_254 = arith.addf %slice3A_249, %concatenate3A_253 : vector<32x1xf32>
    %broadcast_in_dim3A_255 = arith.constant 0.000000e+00 : f32
    %broadcast_in_dim3A_256 = vector.broadcast %broadcast_in_dim3A_255 : f32 to vector<2x1xf32>
    %slice3A_257 = vector.extract_strided_slice %add3A_254 {offsets = [0, 0], sizes = [30, 1], strides = [1, 1]} : vector<32x1xf32> to vector<30x1xf32>
    %concatenate3A_258 = tpu.concatenate %broadcast_in_dim3A_256, %slice3A_257 in 0 : vector<2x1xf32>, vector<30x1xf32> -> vector<32x1xf32>
    %add3A_259 = arith.addf %add3A_254, %concatenate3A_258 : vector<32x1xf32>
    %broadcast_in_dim3A_260 = arith.constant 0.000000e+00 : f32
    %broadcast_in_dim3A_261 = vector.broadcast %broadcast_in_dim3A_260 : f32 to vector<4x1xf32>
    %slice3A_262 = vector.extract_strided_slice %add3A_259 {offsets = [0, 0], sizes = [28, 1], strides = [1, 1]} : vector<32x1xf32> to vector<28x1xf32>
    %concatenate3A_263 = tpu.concatenate %broadcast_in_dim3A_261, %slice3A_262 in 0 : vector<4x1xf32>, vector<28x1xf32> -> vector<32x1xf32>
    %add3A_264 = arith.addf %add3A_259, %concatenate3A_263 : vector<32x1xf32>
    %broadcast_in_dim3A_265 = arith.constant 0.000000e+00 : f32
    %broadcast_in_dim3A_266 = vector.broadcast %broadcast_in_dim3A_265 : f32 to vector<8x1xf32>
    %slice3A_267 = vector.extract_strided_slice %add3A_264 {offsets = [0, 0], sizes = [24, 1], strides = [1, 1]} : vector<32x1xf32> to vector<24x1xf32>
    %concatenate3A_268 = tpu.concatenate %broadcast_in_dim3A_266, %slice3A_267 in 0 : vector<8x1xf32>, vector<24x1xf32> -> vector<32x1xf32>
    %add3A_269 = arith.addf %add3A_264, %concatenate3A_268 : vector<32x1xf32>
    %broadcast_in_dim3A_270 = arith.constant 0.000000e+00 : f32
    %broadcast_in_dim3A_271 = vector.broadcast %broadcast_in_dim3A_270 : f32 to vector<16x1xf32>
    %slice3A_272 = vector.extract_strided_slice %add3A_269 {offsets = [0, 0], sizes = [16, 1], strides = [1, 1]} : vector<32x1xf32> to vector<16x1xf32>
    %concatenate3A_273 = tpu.concatenate %broadcast_in_dim3A_271, %slice3A_272 in 0 : vector<16x1xf32>, vector<16x1xf32> -> vector<32x1xf32>
    %add3A_274 = arith.addf %add3A_269, %concatenate3A_273 : vector<32x1xf32>
    %sub3A_275 = arith.subf %add3A_274, %slice3A_249 : vector<32x1xf32>
    %add3A_276 = vector.broadcast %sub3A_275 : vector<32x1xf32> to vector<32x64xf32>
    %add3A_277 = arith.addf %sub3A_248, %add3A_276 : vector<32x64xf32>
    %add3A_278 = arith.addf %slice3A_140, %broadcast_in_dim3A_208 : vector<1x1xf32>
    %add3A_279 = vector.broadcast %add3A_278 : vector<1x1xf32> to vector<32x64xf32>
    %add3A_280 = arith.addf %add3A_279, %add3A_277 : vector<32x64xf32>
    %mul3A_281 = arith.mulf %convert_element_type3A_217, %add3A_280 : vector<32x64xf32>
    %add3A_282 = arith.addf %broadcast_in_dim3A_139, %mul3A_281 : vector<32x64xf32>
    %slice3A_283 = vector.extract_strided_slice %sub3A {offsets = [0, 1], sizes = [1, 1], strides = [1, 1]} : vector<1x8xf32> to vector<1x1xf32>
    %eq3A_284 = arith.constant 1 : i32
    %eq3A_285 = vector.broadcast %eq3A_284 : i32 to vector<32x64xi32>
    %eq3A_286 = arith.cmpi eq, %get3A_1, %eq3A_285 : vector<32x64xi32>
    %convert_element_type3A_287 = arith.extui %eq3A_286 : vector<32x64xi1> to vector<32x64xi32>
    %convert_element_type3A_288 = arith.sitofp %convert_element_type3A_287 : vector<32x64xi32> to vector<32x64xf32>
    %broadcast_in_dim3A_289 = arith.constant 0.000000e+00 : f32
    %broadcast_in_dim3A_290 = vector.broadcast %broadcast_in_dim3A_289 : f32 to vector<32x1xf32>
    %slice3A_291 = vector.extract_strided_slice %convert_element_type3A_288 {offsets = [0, 0], sizes = [32, 63], strides = [1, 1]} : vector<32x64xf32> to vector<32x63xf32>
    %concatenate3A_292 = tpu.concatenate %broadcast_in_dim3A_290, %slice3A_291 in 1 : vector<32x1xf32>, vector<32x63xf32> -> vector<32x64xf32>
    %add3A_293 = arith.addf %convert_element_type3A_288, %concatenate3A_292 : vector<32x64xf32>
    %broadcast_in_dim3A_294 = arith.constant 0.000000e+00 : f32
    %broadcast_in_dim3A_295 = vector.broadcast %broadcast_in_dim3A_294 : f32 to vector<32x2xf32>
    %slice3A_296 = vector.extract_strided_slice %add3A_293 {offsets = [0, 0], sizes = [32, 62], strides = [1, 1]} : vector<32x64xf32> to vector<32x62xf32>
    %concatenate3A_297 = tpu.concatenate %broadcast_in_dim3A_295, %slice3A_296 in 1 : vector<32x2xf32>, vector<32x62xf32> -> vector<32x64xf32>
    %add3A_298 = arith.addf %add3A_293, %concatenate3A_297 : vector<32x64xf32>
    %broadcast_in_dim3A_299 = arith.constant 0.000000e+00 : f32
    %broadcast_in_dim3A_300 = vector.broadcast %broadcast_in_dim3A_299 : f32 to vector<32x4xf32>
    %slice3A_301 = vector.extract_strided_slice %add3A_298 {offsets = [0, 0], sizes = [32, 60], strides = [1, 1]} : vector<32x64xf32> to vector<32x60xf32>
    %concatenate3A_302 = tpu.concatenate %broadcast_in_dim3A_300, %slice3A_301 in 1 : vector<32x4xf32>, vector<32x60xf32> -> vector<32x64xf32>
    %add3A_303 = arith.addf %add3A_298, %concatenate3A_302 : vector<32x64xf32>
    %broadcast_in_dim3A_304 = arith.constant 0.000000e+00 : f32
    %broadcast_in_dim3A_305 = vector.broadcast %broadcast_in_dim3A_304 : f32 to vector<32x8xf32>
    %slice3A_306 = vector.extract_strided_slice %add3A_303 {offsets = [0, 0], sizes = [32, 56], strides = [1, 1]} : vector<32x64xf32> to vector<32x56xf32>
    %concatenate3A_307 = tpu.concatenate %broadcast_in_dim3A_305, %slice3A_306 in 1 : vector<32x8xf32>, vector<32x56xf32> -> vector<32x64xf32>
    %add3A_308 = arith.addf %add3A_303, %concatenate3A_307 : vector<32x64xf32>
    %broadcast_in_dim3A_309 = arith.constant 0.000000e+00 : f32
    %broadcast_in_dim3A_310 = vector.broadcast %broadcast_in_dim3A_309 : f32 to vector<32x16xf32>
    %slice3A_311 = vector.extract_strided_slice %add3A_308 {offsets = [0, 0], sizes = [32, 48], strides = [1, 1]} : vector<32x64xf32> to vector<32x48xf32>
    %concatenate3A_312 = tpu.concatenate %broadcast_in_dim3A_310, %slice3A_311 in 1 : vector<32x16xf32>, vector<32x48xf32> -> vector<32x64xf32>
    %add3A_313 = arith.addf %add3A_308, %concatenate3A_312 : vector<32x64xf32>
    %broadcast_in_dim3A_314 = arith.constant 0.000000e+00 : f32
    %broadcast_in_dim3A_315 = vector.broadcast %broadcast_in_dim3A_314 : f32 to vector<32x32xf32>
    %slice3A_316 = vector.extract_strided_slice %add3A_313 {offsets = [0, 0], sizes = [32, 32], strides = [1, 1]} : vector<32x64xf32> to vector<32x32xf32>
    %concatenate3A_317 = tpu.concatenate %broadcast_in_dim3A_315, %slice3A_316 in 1 : vector<32x32xf32>, vector<32x32xf32> -> vector<32x64xf32>
    %add3A_318 = arith.addf %add3A_313, %concatenate3A_317 : vector<32x64xf32>
    %slice3A_319 = vector.extract_strided_slice %add3A_318 {offsets = [0, 63], sizes = [32, 1], strides = [1, 1]} : vector<32x64xf32> to vector<32x1xf32>
    %sub3A_320 = arith.subf %add3A_318, %convert_element_type3A_288 : vector<32x64xf32>
    %broadcast_in_dim3A_321 = arith.constant 0.000000e+00 : f32
    %broadcast_in_dim3A_322 = vector.broadcast %broadcast_in_dim3A_321 : f32 to vector<1x1xf32>
    %slice3A_323 = vector.extract_strided_slice %slice3A_319 {offsets = [0, 0], sizes = [31, 1], strides = [1, 1]} : vector<32x1xf32> to vector<31x1xf32>
    %concatenate3A_324 = tpu.concatenate %broadcast_in_dim3A_322, %slice3A_323 in 0 : vector<1x1xf32>, vector<31x1xf32> -> vector<32x1xf32>
    %add3A_325 = arith.addf %slice3A_319, %concatenate3A_324 : vector<32x1xf32>
    %broadcast_in_dim3A_326 = arith.constant 0.000000e+00 : f32
    %broadcast_in_dim3A_327 = vector.broadcast %broadcast_in_dim3A_326 : f32 to vector<2x1xf32>
    %slice3A_328 = vector.extract_strided_slice %add3A_325 {offsets = [0, 0], sizes = [30, 1], strides = [1, 1]} : vector<32x1xf32> to vector<30x1xf32>
    %concatenate3A_329 = tpu.concatenate %broadcast_in_dim3A_327, %slice3A_328 in 0 : vector<2x1xf32>, vector<30x1xf32> -> vector<32x1xf32>
    %add3A_330 = arith.addf %add3A_325, %concatenate3A_329 : vector<32x1xf32>
    %broadcast_in_dim3A_331 = arith.constant 0.000000e+00 : f32
    %broadcast_in_dim3A_332 = vector.broadcast %broadcast_in_dim3A_331 : f32 to vector<4x1xf32>
    %slice3A_333 = vector.extract_strided_slice %add3A_330 {offsets = [0, 0], sizes = [28, 1], strides = [1, 1]} : vector<32x1xf32> to vector<28x1xf32>
    %concatenate3A_334 = tpu.concatenate %broadcast_in_dim3A_332, %slice3A_333 in 0 : vector<4x1xf32>, vector<28x1xf32> -> vector<32x1xf32>
    %add3A_335 = arith.addf %add3A_330, %concatenate3A_334 : vector<32x1xf32>
    %broadcast_in_dim3A_336 = arith.constant 0.000000e+00 : f32
    %broadcast_in_dim3A_337 = vector.broadcast %broadcast_in_dim3A_336 : f32 to vector<8x1xf32>
    %slice3A_338 = vector.extract_strided_slice %add3A_335 {offsets = [0, 0], sizes = [24, 1], strides = [1, 1]} : vector<32x1xf32> to vector<24x1xf32>
    %concatenate3A_339 = tpu.concatenate %broadcast_in_dim3A_337, %slice3A_338 in 0 : vector<8x1xf32>, vector<24x1xf32> -> vector<32x1xf32>
    %add3A_340 = arith.addf %add3A_335, %concatenate3A_339 : vector<32x1xf32>
    %broadcast_in_dim3A_341 = arith.constant 0.000000e+00 : f32
    %broadcast_in_dim3A_342 = vector.broadcast %broadcast_in_dim3A_341 : f32 to vector<16x1xf32>
    %slice3A_343 = vector.extract_strided_slice %add3A_340 {offsets = [0, 0], sizes = [16, 1], strides = [1, 1]} : vector<32x1xf32> to vector<16x1xf32>
    %concatenate3A_344 = tpu.concatenate %broadcast_in_dim3A_342, %slice3A_343 in 0 : vector<16x1xf32>, vector<16x1xf32> -> vector<32x1xf32>
    %add3A_345 = arith.addf %add3A_340, %concatenate3A_344 : vector<32x1xf32>
    %sub3A_346 = arith.subf %add3A_345, %slice3A_319 : vector<32x1xf32>
    %add3A_347 = vector.broadcast %sub3A_346 : vector<32x1xf32> to vector<32x64xf32>
    %add3A_348 = arith.addf %sub3A_320, %add3A_347 : vector<32x64xf32>
    %reduce_sum3A_349 = arith.constant dense<0.000000e+00> : vector<1xf32>
    %reduce_sum3A_350 = vector.multi_reduction <add>, %slice3A_319, %reduce_sum3A_349 [0] : vector<32x1xf32> to vector<1xf32>
    %broadcast_in_dim3A_351 = vector.shape_cast %reduce_sum3A_350 : vector<1xf32> to vector<1x1xf32>
    %add3A_352 = vector.broadcast %slice3A_283 : vector<1x1xf32> to vector<32x64xf32>
    %add3A_353 = arith.addf %add3A_352, %add3A_348 : vector<32x64xf32>
    %mul3A_354 = arith.mulf %convert_element_type3A_288, %add3A_353 : vector<32x64xf32>
    %add3A_355 = arith.addf %add3A_212, %mul3A_354 : vector<32x64xf32>
    %eq3A_356 = arith.constant 1 : i32
    %eq3A_357 = vector.broadcast %eq3A_356 : i32 to vector<32x64xi32>
    %eq3A_358 = arith.cmpi eq, %get3A_4, %eq3A_357 : vector<32x64xi32>
    %convert_element_type3A_359 = arith.extui %eq3A_358 : vector<32x64xi1> to vector<32x64xi32>
    %convert_element_type3A_360 = arith.sitofp %convert_element_type3A_359 : vector<32x64xi32> to vector<32x64xf32>
    %broadcast_in_dim3A_361 = arith.constant 0.000000e+00 : f32
    %broadcast_in_dim3A_362 = vector.broadcast %broadcast_in_dim3A_361 : f32 to vector<32x1xf32>
    %slice3A_363 = vector.extract_strided_slice %convert_element_type3A_360 {offsets = [0, 0], sizes = [32, 63], strides = [1, 1]} : vector<32x64xf32> to vector<32x63xf32>
    %concatenate3A_364 = tpu.concatenate %broadcast_in_dim3A_362, %slice3A_363 in 1 : vector<32x1xf32>, vector<32x63xf32> -> vector<32x64xf32>
    %add3A_365 = arith.addf %convert_element_type3A_360, %concatenate3A_364 : vector<32x64xf32>
    %broadcast_in_dim3A_366 = arith.constant 0.000000e+00 : f32
    %broadcast_in_dim3A_367 = vector.broadcast %broadcast_in_dim3A_366 : f32 to vector<32x2xf32>
    %slice3A_368 = vector.extract_strided_slice %add3A_365 {offsets = [0, 0], sizes = [32, 62], strides = [1, 1]} : vector<32x64xf32> to vector<32x62xf32>
    %concatenate3A_369 = tpu.concatenate %broadcast_in_dim3A_367, %slice3A_368 in 1 : vector<32x2xf32>, vector<32x62xf32> -> vector<32x64xf32>
    %add3A_370 = arith.addf %add3A_365, %concatenate3A_369 : vector<32x64xf32>
    %broadcast_in_dim3A_371 = arith.constant 0.000000e+00 : f32
    %broadcast_in_dim3A_372 = vector.broadcast %broadcast_in_dim3A_371 : f32 to vector<32x4xf32>
    %slice3A_373 = vector.extract_strided_slice %add3A_370 {offsets = [0, 0], sizes = [32, 60], strides = [1, 1]} : vector<32x64xf32> to vector<32x60xf32>
    %concatenate3A_374 = tpu.concatenate %broadcast_in_dim3A_372, %slice3A_373 in 1 : vector<32x4xf32>, vector<32x60xf32> -> vector<32x64xf32>
    %add3A_375 = arith.addf %add3A_370, %concatenate3A_374 : vector<32x64xf32>
    %broadcast_in_dim3A_376 = arith.constant 0.000000e+00 : f32
    %broadcast_in_dim3A_377 = vector.broadcast %broadcast_in_dim3A_376 : f32 to vector<32x8xf32>
    %slice3A_378 = vector.extract_strided_slice %add3A_375 {offsets = [0, 0], sizes = [32, 56], strides = [1, 1]} : vector<32x64xf32> to vector<32x56xf32>
    %concatenate3A_379 = tpu.concatenate %broadcast_in_dim3A_377, %slice3A_378 in 1 : vector<32x8xf32>, vector<32x56xf32> -> vector<32x64xf32>
    %add3A_380 = arith.addf %add3A_375, %concatenate3A_379 : vector<32x64xf32>
    %broadcast_in_dim3A_381 = arith.constant 0.000000e+00 : f32
    %broadcast_in_dim3A_382 = vector.broadcast %broadcast_in_dim3A_381 : f32 to vector<32x16xf32>
    %slice3A_383 = vector.extract_strided_slice %add3A_380 {offsets = [0, 0], sizes = [32, 48], strides = [1, 1]} : vector<32x64xf32> to vector<32x48xf32>
    %concatenate3A_384 = tpu.concatenate %broadcast_in_dim3A_382, %slice3A_383 in 1 : vector<32x16xf32>, vector<32x48xf32> -> vector<32x64xf32>
    %add3A_385 = arith.addf %add3A_380, %concatenate3A_384 : vector<32x64xf32>
    %broadcast_in_dim3A_386 = arith.constant 0.000000e+00 : f32
    %broadcast_in_dim3A_387 = vector.broadcast %broadcast_in_dim3A_386 : f32 to vector<32x32xf32>
    %slice3A_388 = vector.extract_strided_slice %add3A_385 {offsets = [0, 0], sizes = [32, 32], strides = [1, 1]} : vector<32x64xf32> to vector<32x32xf32>
    %concatenate3A_389 = tpu.concatenate %broadcast_in_dim3A_387, %slice3A_388 in 1 : vector<32x32xf32>, vector<32x32xf32> -> vector<32x64xf32>
    %add3A_390 = arith.addf %add3A_385, %concatenate3A_389 : vector<32x64xf32>
    %sub3A_391 = arith.subf %add3A_390, %convert_element_type3A_360 : vector<32x64xf32>
    %slice3A_392 = vector.extract_strided_slice %add3A_390 {offsets = [0, 63], sizes = [32, 1], strides = [1, 1]} : vector<32x64xf32> to vector<32x1xf32>
    %broadcast_in_dim3A_393 = arith.constant 0.000000e+00 : f32
    %broadcast_in_dim3A_394 = vector.broadcast %broadcast_in_dim3A_393 : f32 to vector<1x1xf32>
    %slice3A_395 = vector.extract_strided_slice %slice3A_392 {offsets = [0, 0], sizes = [31, 1], strides = [1, 1]} : vector<32x1xf32> to vector<31x1xf32>
    %concatenate3A_396 = tpu.concatenate %broadcast_in_dim3A_394, %slice3A_395 in 0 : vector<1x1xf32>, vector<31x1xf32> -> vector<32x1xf32>
    %add3A_397 = arith.addf %slice3A_392, %concatenate3A_396 : vector<32x1xf32>
    %broadcast_in_dim3A_398 = arith.constant 0.000000e+00 : f32
    %broadcast_in_dim3A_399 = vector.broadcast %broadcast_in_dim3A_398 : f32 to vector<2x1xf32>
    %slice3A_400 = vector.extract_strided_slice %add3A_397 {offsets = [0, 0], sizes = [30, 1], strides = [1, 1]} : vector<32x1xf32> to vector<30x1xf32>
    %concatenate3A_401 = tpu.concatenate %broadcast_in_dim3A_399, %slice3A_400 in 0 : vector<2x1xf32>, vector<30x1xf32> -> vector<32x1xf32>
    %add3A_402 = arith.addf %add3A_397, %concatenate3A_401 : vector<32x1xf32>
    %broadcast_in_dim3A_403 = arith.constant 0.000000e+00 : f32
    %broadcast_in_dim3A_404 = vector.broadcast %broadcast_in_dim3A_403 : f32 to vector<4x1xf32>
    %slice3A_405 = vector.extract_strided_slice %add3A_402 {offsets = [0, 0], sizes = [28, 1], strides = [1, 1]} : vector<32x1xf32> to vector<28x1xf32>
    %concatenate3A_406 = tpu.concatenate %broadcast_in_dim3A_404, %slice3A_405 in 0 : vector<4x1xf32>, vector<28x1xf32> -> vector<32x1xf32>
    %add3A_407 = arith.addf %add3A_402, %concatenate3A_406 : vector<32x1xf32>
    %broadcast_in_dim3A_408 = arith.constant 0.000000e+00 : f32
    %broadcast_in_dim3A_409 = vector.broadcast %broadcast_in_dim3A_408 : f32 to vector<8x1xf32>
    %slice3A_410 = vector.extract_strided_slice %add3A_407 {offsets = [0, 0], sizes = [24, 1], strides = [1, 1]} : vector<32x1xf32> to vector<24x1xf32>
    %concatenate3A_411 = tpu.concatenate %broadcast_in_dim3A_409, %slice3A_410 in 0 : vector<8x1xf32>, vector<24x1xf32> -> vector<32x1xf32>
    %add3A_412 = arith.addf %add3A_407, %concatenate3A_411 : vector<32x1xf32>
    %broadcast_in_dim3A_413 = arith.constant 0.000000e+00 : f32
    %broadcast_in_dim3A_414 = vector.broadcast %broadcast_in_dim3A_413 : f32 to vector<16x1xf32>
    %slice3A_415 = vector.extract_strided_slice %add3A_412 {offsets = [0, 0], sizes = [16, 1], strides = [1, 1]} : vector<32x1xf32> to vector<16x1xf32>
    %concatenate3A_416 = tpu.concatenate %broadcast_in_dim3A_414, %slice3A_415 in 0 : vector<16x1xf32>, vector<16x1xf32> -> vector<32x1xf32>
    %add3A_417 = arith.addf %add3A_412, %concatenate3A_416 : vector<32x1xf32>
    %sub3A_418 = arith.subf %add3A_417, %slice3A_392 : vector<32x1xf32>
    %add3A_419 = vector.broadcast %sub3A_418 : vector<32x1xf32> to vector<32x64xf32>
    %add3A_420 = arith.addf %sub3A_391, %add3A_419 : vector<32x64xf32>
    %add3A_421 = arith.addf %slice3A_283, %broadcast_in_dim3A_351 : vector<1x1xf32>
    %add3A_422 = vector.broadcast %add3A_421 : vector<1x1xf32> to vector<32x64xf32>
    %add3A_423 = arith.addf %add3A_422, %add3A_420 : vector<32x64xf32>
    %mul3A_424 = arith.mulf %convert_element_type3A_360, %add3A_423 : vector<32x64xf32>
    %add3A_425 = arith.addf %add3A_282, %mul3A_424 : vector<32x64xf32>
    %slice3A_426 = vector.extract_strided_slice %sub3A {offsets = [0, 2], sizes = [1, 1], strides = [1, 1]} : vector<1x8xf32> to vector<1x1xf32>
    %eq3A_427 = arith.constant 2 : i32
    %eq3A_428 = vector.broadcast %eq3A_427 : i32 to vector<32x64xi32>
    %eq3A_429 = arith.cmpi eq, %get3A_1, %eq3A_428 : vector<32x64xi32>
    %convert_element_type3A_430 = arith.extui %eq3A_429 : vector<32x64xi1> to vector<32x64xi32>
    %convert_element_type3A_431 = arith.sitofp %convert_element_type3A_430 : vector<32x64xi32> to vector<32x64xf32>
    %broadcast_in_dim3A_432 = arith.constant 0.000000e+00 : f32
    %broadcast_in_dim3A_433 = vector.broadcast %broadcast_in_dim3A_432 : f32 to vector<32x1xf32>
    %slice3A_434 = vector.extract_strided_slice %convert_element_type3A_431 {offsets = [0, 0], sizes = [32, 63], strides = [1, 1]} : vector<32x64xf32> to vector<32x63xf32>
    %concatenate3A_435 = tpu.concatenate %broadcast_in_dim3A_433, %slice3A_434 in 1 : vector<32x1xf32>, vector<32x63xf32> -> vector<32x64xf32>
    %add3A_436 = arith.addf %convert_element_type3A_431, %concatenate3A_435 : vector<32x64xf32>
    %broadcast_in_dim3A_437 = arith.constant 0.000000e+00 : f32
    %broadcast_in_dim3A_438 = vector.broadcast %broadcast_in_dim3A_437 : f32 to vector<32x2xf32>
    %slice3A_439 = vector.extract_strided_slice %add3A_436 {offsets = [0, 0], sizes = [32, 62], strides = [1, 1]} : vector<32x64xf32> to vector<32x62xf32>
    %concatenate3A_440 = tpu.concatenate %broadcast_in_dim3A_438, %slice3A_439 in 1 : vector<32x2xf32>, vector<32x62xf32> -> vector<32x64xf32>
    %add3A_441 = arith.addf %add3A_436, %concatenate3A_440 : vector<32x64xf32>
    %broadcast_in_dim3A_442 = arith.constant 0.000000e+00 : f32
    %broadcast_in_dim3A_443 = vector.broadcast %broadcast_in_dim3A_442 : f32 to vector<32x4xf32>
    %slice3A_444 = vector.extract_strided_slice %add3A_441 {offsets = [0, 0], sizes = [32, 60], strides = [1, 1]} : vector<32x64xf32> to vector<32x60xf32>
    %concatenate3A_445 = tpu.concatenate %broadcast_in_dim3A_443, %slice3A_444 in 1 : vector<32x4xf32>, vector<32x60xf32> -> vector<32x64xf32>
    %add3A_446 = arith.addf %add3A_441, %concatenate3A_445 : vector<32x64xf32>
    %broadcast_in_dim3A_447 = arith.constant 0.000000e+00 : f32
    %broadcast_in_dim3A_448 = vector.broadcast %broadcast_in_dim3A_447 : f32 to vector<32x8xf32>
    %slice3A_449 = vector.extract_strided_slice %add3A_446 {offsets = [0, 0], sizes = [32, 56], strides = [1, 1]} : vector<32x64xf32> to vector<32x56xf32>
    %concatenate3A_450 = tpu.concatenate %broadcast_in_dim3A_448, %slice3A_449 in 1 : vector<32x8xf32>, vector<32x56xf32> -> vector<32x64xf32>
    %add3A_451 = arith.addf %add3A_446, %concatenate3A_450 : vector<32x64xf32>
    %broadcast_in_dim3A_452 = arith.constant 0.000000e+00 : f32
    %broadcast_in_dim3A_453 = vector.broadcast %broadcast_in_dim3A_452 : f32 to vector<32x16xf32>
    %slice3A_454 = vector.extract_strided_slice %add3A_451 {offsets = [0, 0], sizes = [32, 48], strides = [1, 1]} : vector<32x64xf32> to vector<32x48xf32>
    %concatenate3A_455 = tpu.concatenate %broadcast_in_dim3A_453, %slice3A_454 in 1 : vector<32x16xf32>, vector<32x48xf32> -> vector<32x64xf32>
    %add3A_456 = arith.addf %add3A_451, %concatenate3A_455 : vector<32x64xf32>
    %broadcast_in_dim3A_457 = arith.constant 0.000000e+00 : f32
    %broadcast_in_dim3A_458 = vector.broadcast %broadcast_in_dim3A_457 : f32 to vector<32x32xf32>
    %slice3A_459 = vector.extract_strided_slice %add3A_456 {offsets = [0, 0], sizes = [32, 32], strides = [1, 1]} : vector<32x64xf32> to vector<32x32xf32>
    %concatenate3A_460 = tpu.concatenate %broadcast_in_dim3A_458, %slice3A_459 in 1 : vector<32x32xf32>, vector<32x32xf32> -> vector<32x64xf32>
    %add3A_461 = arith.addf %add3A_456, %concatenate3A_460 : vector<32x64xf32>
    %slice3A_462 = vector.extract_strided_slice %add3A_461 {offsets = [0, 63], sizes = [32, 1], strides = [1, 1]} : vector<32x64xf32> to vector<32x1xf32>
    %sub3A_463 = arith.subf %add3A_461, %convert_element_type3A_431 : vector<32x64xf32>
    %broadcast_in_dim3A_464 = arith.constant 0.000000e+00 : f32
    %broadcast_in_dim3A_465 = vector.broadcast %broadcast_in_dim3A_464 : f32 to vector<1x1xf32>
    %slice3A_466 = vector.extract_strided_slice %slice3A_462 {offsets = [0, 0], sizes = [31, 1], strides = [1, 1]} : vector<32x1xf32> to vector<31x1xf32>
    %concatenate3A_467 = tpu.concatenate %broadcast_in_dim3A_465, %slice3A_466 in 0 : vector<1x1xf32>, vector<31x1xf32> -> vector<32x1xf32>
    %add3A_468 = arith.addf %slice3A_462, %concatenate3A_467 : vector<32x1xf32>
    %broadcast_in_dim3A_469 = arith.constant 0.000000e+00 : f32
    %broadcast_in_dim3A_470 = vector.broadcast %broadcast_in_dim3A_469 : f32 to vector<2x1xf32>
    %slice3A_471 = vector.extract_strided_slice %add3A_468 {offsets = [0, 0], sizes = [30, 1], strides = [1, 1]} : vector<32x1xf32> to vector<30x1xf32>
    %concatenate3A_472 = tpu.concatenate %broadcast_in_dim3A_470, %slice3A_471 in 0 : vector<2x1xf32>, vector<30x1xf32> -> vector<32x1xf32>
    %add3A_473 = arith.addf %add3A_468, %concatenate3A_472 : vector<32x1xf32>
    %broadcast_in_dim3A_474 = arith.constant 0.000000e+00 : f32
    %broadcast_in_dim3A_475 = vector.broadcast %broadcast_in_dim3A_474 : f32 to vector<4x1xf32>
    %slice3A_476 = vector.extract_strided_slice %add3A_473 {offsets = [0, 0], sizes = [28, 1], strides = [1, 1]} : vector<32x1xf32> to vector<28x1xf32>
    %concatenate3A_477 = tpu.concatenate %broadcast_in_dim3A_475, %slice3A_476 in 0 : vector<4x1xf32>, vector<28x1xf32> -> vector<32x1xf32>
    %add3A_478 = arith.addf %add3A_473, %concatenate3A_477 : vector<32x1xf32>
    %broadcast_in_dim3A_479 = arith.constant 0.000000e+00 : f32
    %broadcast_in_dim3A_480 = vector.broadcast %broadcast_in_dim3A_479 : f32 to vector<8x1xf32>
    %slice3A_481 = vector.extract_strided_slice %add3A_478 {offsets = [0, 0], sizes = [24, 1], strides = [1, 1]} : vector<32x1xf32> to vector<24x1xf32>
    %concatenate3A_482 = tpu.concatenate %broadcast_in_dim3A_480, %slice3A_481 in 0 : vector<8x1xf32>, vector<24x1xf32> -> vector<32x1xf32>
    %add3A_483 = arith.addf %add3A_478, %concatenate3A_482 : vector<32x1xf32>
    %broadcast_in_dim3A_484 = arith.constant 0.000000e+00 : f32
    %broadcast_in_dim3A_485 = vector.broadcast %broadcast_in_dim3A_484 : f32 to vector<16x1xf32>
    %slice3A_486 = vector.extract_strided_slice %add3A_483 {offsets = [0, 0], sizes = [16, 1], strides = [1, 1]} : vector<32x1xf32> to vector<16x1xf32>
    %concatenate3A_487 = tpu.concatenate %broadcast_in_dim3A_485, %slice3A_486 in 0 : vector<16x1xf32>, vector<16x1xf32> -> vector<32x1xf32>
    %add3A_488 = arith.addf %add3A_483, %concatenate3A_487 : vector<32x1xf32>
    %sub3A_489 = arith.subf %add3A_488, %slice3A_462 : vector<32x1xf32>
    %add3A_490 = vector.broadcast %sub3A_489 : vector<32x1xf32> to vector<32x64xf32>
    %add3A_491 = arith.addf %sub3A_463, %add3A_490 : vector<32x64xf32>
    %reduce_sum3A_492 = arith.constant dense<0.000000e+00> : vector<1xf32>
    %reduce_sum3A_493 = vector.multi_reduction <add>, %slice3A_462, %reduce_sum3A_492 [0] : vector<32x1xf32> to vector<1xf32>
    %broadcast_in_dim3A_494 = vector.shape_cast %reduce_sum3A_493 : vector<1xf32> to vector<1x1xf32>
    %add3A_495 = vector.broadcast %slice3A_426 : vector<1x1xf32> to vector<32x64xf32>
    %add3A_496 = arith.addf %add3A_495, %add3A_491 : vector<32x64xf32>
    %mul3A_497 = arith.mulf %convert_element_type3A_431, %add3A_496 : vector<32x64xf32>
    %add3A_498 = arith.addf %add3A_355, %mul3A_497 : vector<32x64xf32>
    %eq3A_499 = arith.constant 2 : i32
    %eq3A_500 = vector.broadcast %eq3A_499 : i32 to vector<32x64xi32>
    %eq3A_501 = arith.cmpi eq, %get3A_4, %eq3A_500 : vector<32x64xi32>
    %convert_element_type3A_502 = arith.extui %eq3A_501 : vector<32x64xi1> to vector<32x64xi32>
    %convert_element_type3A_503 = arith.sitofp %convert_element_type3A_502 : vector<32x64xi32> to vector<32x64xf32>
    %broadcast_in_dim3A_504 = arith.constant 0.000000e+00 : f32
    %broadcast_in_dim3A_505 = vector.broadcast %broadcast_in_dim3A_504 : f32 to vector<32x1xf32>
    %slice3A_506 = vector.extract_strided_slice %convert_element_type3A_503 {offsets = [0, 0], sizes = [32, 63], strides = [1, 1]} : vector<32x64xf32> to vector<32x63xf32>
    %concatenate3A_507 = tpu.concatenate %broadcast_in_dim3A_505, %slice3A_506 in 1 : vector<32x1xf32>, vector<32x63xf32> -> vector<32x64xf32>
    %add3A_508 = arith.addf %convert_element_type3A_503, %concatenate3A_507 : vector<32x64xf32>
    %broadcast_in_dim3A_509 = arith.constant 0.000000e+00 : f32
    %broadcast_in_dim3A_510 = vector.broadcast %broadcast_in_dim3A_509 : f32 to vector<32x2xf32>
    %slice3A_511 = vector.extract_strided_slice %add3A_508 {offsets = [0, 0], sizes = [32, 62], strides = [1, 1]} : vector<32x64xf32> to vector<32x62xf32>
    %concatenate3A_512 = tpu.concatenate %broadcast_in_dim3A_510, %slice3A_511 in 1 : vector<32x2xf32>, vector<32x62xf32> -> vector<32x64xf32>
    %add3A_513 = arith.addf %add3A_508, %concatenate3A_512 : vector<32x64xf32>
    %broadcast_in_dim3A_514 = arith.constant 0.000000e+00 : f32
    %broadcast_in_dim3A_515 = vector.broadcast %broadcast_in_dim3A_514 : f32 to vector<32x4xf32>
    %slice3A_516 = vector.extract_strided_slice %add3A_513 {offsets = [0, 0], sizes = [32, 60], strides = [1, 1]} : vector<32x64xf32> to vector<32x60xf32>
    %concatenate3A_517 = tpu.concatenate %broadcast_in_dim3A_515, %slice3A_516 in 1 : vector<32x4xf32>, vector<32x60xf32> -> vector<32x64xf32>
    %add3A_518 = arith.addf %add3A_513, %concatenate3A_517 : vector<32x64xf32>
    %broadcast_in_dim3A_519 = arith.constant 0.000000e+00 : f32
    %broadcast_in_dim3A_520 = vector.broadcast %broadcast_in_dim3A_519 : f32 to vector<32x8xf32>
    %slice3A_521 = vector.extract_strided_slice %add3A_518 {offsets = [0, 0], sizes = [32, 56], strides = [1, 1]} : vector<32x64xf32> to vector<32x56xf32>
    %concatenate3A_522 = tpu.concatenate %broadcast_in_dim3A_520, %slice3A_521 in 1 : vector<32x8xf32>, vector<32x56xf32> -> vector<32x64xf32>
    %add3A_523 = arith.addf %add3A_518, %concatenate3A_522 : vector<32x64xf32>
    %broadcast_in_dim3A_524 = arith.constant 0.000000e+00 : f32
    %broadcast_in_dim3A_525 = vector.broadcast %broadcast_in_dim3A_524 : f32 to vector<32x16xf32>
    %slice3A_526 = vector.extract_strided_slice %add3A_523 {offsets = [0, 0], sizes = [32, 48], strides = [1, 1]} : vector<32x64xf32> to vector<32x48xf32>
    %concatenate3A_527 = tpu.concatenate %broadcast_in_dim3A_525, %slice3A_526 in 1 : vector<32x16xf32>, vector<32x48xf32> -> vector<32x64xf32>
    %add3A_528 = arith.addf %add3A_523, %concatenate3A_527 : vector<32x64xf32>
    %broadcast_in_dim3A_529 = arith.constant 0.000000e+00 : f32
    %broadcast_in_dim3A_530 = vector.broadcast %broadcast_in_dim3A_529 : f32 to vector<32x32xf32>
    %slice3A_531 = vector.extract_strided_slice %add3A_528 {offsets = [0, 0], sizes = [32, 32], strides = [1, 1]} : vector<32x64xf32> to vector<32x32xf32>
    %concatenate3A_532 = tpu.concatenate %broadcast_in_dim3A_530, %slice3A_531 in 1 : vector<32x32xf32>, vector<32x32xf32> -> vector<32x64xf32>
    %add3A_533 = arith.addf %add3A_528, %concatenate3A_532 : vector<32x64xf32>
    %sub3A_534 = arith.subf %add3A_533, %convert_element_type3A_503 : vector<32x64xf32>
    %slice3A_535 = vector.extract_strided_slice %add3A_533 {offsets = [0, 63], sizes = [32, 1], strides = [1, 1]} : vector<32x64xf32> to vector<32x1xf32>
    %broadcast_in_dim3A_536 = arith.constant 0.000000e+00 : f32
    %broadcast_in_dim3A_537 = vector.broadcast %broadcast_in_dim3A_536 : f32 to vector<1x1xf32>
    %slice3A_538 = vector.extract_strided_slice %slice3A_535 {offsets = [0, 0], sizes = [31, 1], strides = [1, 1]} : vector<32x1xf32> to vector<31x1xf32>
    %concatenate3A_539 = tpu.concatenate %broadcast_in_dim3A_537, %slice3A_538 in 0 : vector<1x1xf32>, vector<31x1xf32> -> vector<32x1xf32>
    %add3A_540 = arith.addf %slice3A_535, %concatenate3A_539 : vector<32x1xf32>
    %broadcast_in_dim3A_541 = arith.constant 0.000000e+00 : f32
    %broadcast_in_dim3A_542 = vector.broadcast %broadcast_in_dim3A_541 : f32 to vector<2x1xf32>
    %slice3A_543 = vector.extract_strided_slice %add3A_540 {offsets = [0, 0], sizes = [30, 1], strides = [1, 1]} : vector<32x1xf32> to vector<30x1xf32>
    %concatenate3A_544 = tpu.concatenate %broadcast_in_dim3A_542, %slice3A_543 in 0 : vector<2x1xf32>, vector<30x1xf32> -> vector<32x1xf32>
    %add3A_545 = arith.addf %add3A_540, %concatenate3A_544 : vector<32x1xf32>
    %broadcast_in_dim3A_546 = arith.constant 0.000000e+00 : f32
    %broadcast_in_dim3A_547 = vector.broadcast %broadcast_in_dim3A_546 : f32 to vector<4x1xf32>
    %slice3A_548 = vector.extract_strided_slice %add3A_545 {offsets = [0, 0], sizes = [28, 1], strides = [1, 1]} : vector<32x1xf32> to vector<28x1xf32>
    %concatenate3A_549 = tpu.concatenate %broadcast_in_dim3A_547, %slice3A_548 in 0 : vector<4x1xf32>, vector<28x1xf32> -> vector<32x1xf32>
    %add3A_550 = arith.addf %add3A_545, %concatenate3A_549 : vector<32x1xf32>
    %broadcast_in_dim3A_551 = arith.constant 0.000000e+00 : f32
    %broadcast_in_dim3A_552 = vector.broadcast %broadcast_in_dim3A_551 : f32 to vector<8x1xf32>
    %slice3A_553 = vector.extract_strided_slice %add3A_550 {offsets = [0, 0], sizes = [24, 1], strides = [1, 1]} : vector<32x1xf32> to vector<24x1xf32>
    %concatenate3A_554 = tpu.concatenate %broadcast_in_dim3A_552, %slice3A_553 in 0 : vector<8x1xf32>, vector<24x1xf32> -> vector<32x1xf32>
    %add3A_555 = arith.addf %add3A_550, %concatenate3A_554 : vector<32x1xf32>
    %broadcast_in_dim3A_556 = arith.constant 0.000000e+00 : f32
    %broadcast_in_dim3A_557 = vector.broadcast %broadcast_in_dim3A_556 : f32 to vector<16x1xf32>
    %slice3A_558 = vector.extract_strided_slice %add3A_555 {offsets = [0, 0], sizes = [16, 1], strides = [1, 1]} : vector<32x1xf32> to vector<16x1xf32>
    %concatenate3A_559 = tpu.concatenate %broadcast_in_dim3A_557, %slice3A_558 in 0 : vector<16x1xf32>, vector<16x1xf32> -> vector<32x1xf32>
    %add3A_560 = arith.addf %add3A_555, %concatenate3A_559 : vector<32x1xf32>
    %sub3A_561 = arith.subf %add3A_560, %slice3A_535 : vector<32x1xf32>
    %add3A_562 = vector.broadcast %sub3A_561 : vector<32x1xf32> to vector<32x64xf32>
    %add3A_563 = arith.addf %sub3A_534, %add3A_562 : vector<32x64xf32>
    %add3A_564 = arith.addf %slice3A_426, %broadcast_in_dim3A_494 : vector<1x1xf32>
    %add3A_565 = vector.broadcast %add3A_564 : vector<1x1xf32> to vector<32x64xf32>
    %add3A_566 = arith.addf %add3A_565, %add3A_563 : vector<32x64xf32>
    %mul3A_567 = arith.mulf %convert_element_type3A_503, %add3A_566 : vector<32x64xf32>
    %add3A_568 = arith.addf %add3A_425, %mul3A_567 : vector<32x64xf32>
    %slice3A_569 = vector.extract_strided_slice %sub3A {offsets = [0, 3], sizes = [1, 1], strides = [1, 1]} : vector<1x8xf32> to vector<1x1xf32>
    %eq3A_570 = arith.constant 3 : i32
    %eq3A_571 = vector.broadcast %eq3A_570 : i32 to vector<32x64xi32>
    %eq3A_572 = arith.cmpi eq, %get3A_1, %eq3A_571 : vector<32x64xi32>
    %convert_element_type3A_573 = arith.extui %eq3A_572 : vector<32x64xi1> to vector<32x64xi32>
    %convert_element_type3A_574 = arith.sitofp %convert_element_type3A_573 : vector<32x64xi32> to vector<32x64xf32>
    %broadcast_in_dim3A_575 = arith.constant 0.000000e+00 : f32
    %broadcast_in_dim3A_576 = vector.broadcast %broadcast_in_dim3A_575 : f32 to vector<32x1xf32>
    %slice3A_577 = vector.extract_strided_slice %convert_element_type3A_574 {offsets = [0, 0], sizes = [32, 63], strides = [1, 1]} : vector<32x64xf32> to vector<32x63xf32>
    %concatenate3A_578 = tpu.concatenate %broadcast_in_dim3A_576, %slice3A_577 in 1 : vector<32x1xf32>, vector<32x63xf32> -> vector<32x64xf32>
    %add3A_579 = arith.addf %convert_element_type3A_574, %concatenate3A_578 : vector<32x64xf32>
    %broadcast_in_dim3A_580 = arith.constant 0.000000e+00 : f32
    %broadcast_in_dim3A_581 = vector.broadcast %broadcast_in_dim3A_580 : f32 to vector<32x2xf32>
    %slice3A_582 = vector.extract_strided_slice %add3A_579 {offsets = [0, 0], sizes = [32, 62], strides = [1, 1]} : vector<32x64xf32> to vector<32x62xf32>
    %concatenate3A_583 = tpu.concatenate %broadcast_in_dim3A_581, %slice3A_582 in 1 : vector<32x2xf32>, vector<32x62xf32> -> vector<32x64xf32>
    %add3A_584 = arith.addf %add3A_579, %concatenate3A_583 : vector<32x64xf32>
    %broadcast_in_dim3A_585 = arith.constant 0.000000e+00 : f32
    %broadcast_in_dim3A_586 = vector.broadcast %broadcast_in_dim3A_585 : f32 to vector<32x4xf32>
    %slice3A_587 = vector.extract_strided_slice %add3A_584 {offsets = [0, 0], sizes = [32, 60], strides = [1, 1]} : vector<32x64xf32> to vector<32x60xf32>
    %concatenate3A_588 = tpu.concatenate %broadcast_in_dim3A_586, %slice3A_587 in 1 : vector<32x4xf32>, vector<32x60xf32> -> vector<32x64xf32>
    %add3A_589 = arith.addf %add3A_584, %concatenate3A_588 : vector<32x64xf32>
    %broadcast_in_dim3A_590 = arith.constant 0.000000e+00 : f32
    %broadcast_in_dim3A_591 = vector.broadcast %broadcast_in_dim3A_590 : f32 to vector<32x8xf32>
    %slice3A_592 = vector.extract_strided_slice %add3A_589 {offsets = [0, 0], sizes = [32, 56], strides = [1, 1]} : vector<32x64xf32> to vector<32x56xf32>
    %concatenate3A_593 = tpu.concatenate %broadcast_in_dim3A_591, %slice3A_592 in 1 : vector<32x8xf32>, vector<32x56xf32> -> vector<32x64xf32>
    %add3A_594 = arith.addf %add3A_589, %concatenate3A_593 : vector<32x64xf32>
    %broadcast_in_dim3A_595 = arith.constant 0.000000e+00 : f32
    %broadcast_in_dim3A_596 = vector.broadcast %broadcast_in_dim3A_595 : f32 to vector<32x16xf32>
    %slice3A_597 = vector.extract_strided_slice %add3A_594 {offsets = [0, 0], sizes = [32, 48], strides = [1, 1]} : vector<32x64xf32> to vector<32x48xf32>
    %concatenate3A_598 = tpu.concatenate %broadcast_in_dim3A_596, %slice3A_597 in 1 : vector<32x16xf32>, vector<32x48xf32> -> vector<32x64xf32>
    %add3A_599 = arith.addf %add3A_594, %concatenate3A_598 : vector<32x64xf32>
    %broadcast_in_dim3A_600 = arith.constant 0.000000e+00 : f32
    %broadcast_in_dim3A_601 = vector.broadcast %broadcast_in_dim3A_600 : f32 to vector<32x32xf32>
    %slice3A_602 = vector.extract_strided_slice %add3A_599 {offsets = [0, 0], sizes = [32, 32], strides = [1, 1]} : vector<32x64xf32> to vector<32x32xf32>
    %concatenate3A_603 = tpu.concatenate %broadcast_in_dim3A_601, %slice3A_602 in 1 : vector<32x32xf32>, vector<32x32xf32> -> vector<32x64xf32>
    %add3A_604 = arith.addf %add3A_599, %concatenate3A_603 : vector<32x64xf32>
    %slice3A_605 = vector.extract_strided_slice %add3A_604 {offsets = [0, 63], sizes = [32, 1], strides = [1, 1]} : vector<32x64xf32> to vector<32x1xf32>
    %sub3A_606 = arith.subf %add3A_604, %convert_element_type3A_574 : vector<32x64xf32>
    %broadcast_in_dim3A_607 = arith.constant 0.000000e+00 : f32
    %broadcast_in_dim3A_608 = vector.broadcast %broadcast_in_dim3A_607 : f32 to vector<1x1xf32>
    %slice3A_609 = vector.extract_strided_slice %slice3A_605 {offsets = [0, 0], sizes = [31, 1], strides = [1, 1]} : vector<32x1xf32> to vector<31x1xf32>
    %concatenate3A_610 = tpu.concatenate %broadcast_in_dim3A_608, %slice3A_609 in 0 : vector<1x1xf32>, vector<31x1xf32> -> vector<32x1xf32>
    %add3A_611 = arith.addf %slice3A_605, %concatenate3A_610 : vector<32x1xf32>
    %broadcast_in_dim3A_612 = arith.constant 0.000000e+00 : f32
    %broadcast_in_dim3A_613 = vector.broadcast %broadcast_in_dim3A_612 : f32 to vector<2x1xf32>
    %slice3A_614 = vector.extract_strided_slice %add3A_611 {offsets = [0, 0], sizes = [30, 1], strides = [1, 1]} : vector<32x1xf32> to vector<30x1xf32>
    %concatenate3A_615 = tpu.concatenate %broadcast_in_dim3A_613, %slice3A_614 in 0 : vector<2x1xf32>, vector<30x1xf32> -> vector<32x1xf32>
    %add3A_616 = arith.addf %add3A_611, %concatenate3A_615 : vector<32x1xf32>
    %broadcast_in_dim3A_617 = arith.constant 0.000000e+00 : f32
    %broadcast_in_dim3A_618 = vector.broadcast %broadcast_in_dim3A_617 : f32 to vector<4x1xf32>
    %slice3A_619 = vector.extract_strided_slice %add3A_616 {offsets = [0, 0], sizes = [28, 1], strides = [1, 1]} : vector<32x1xf32> to vector<28x1xf32>
    %concatenate3A_620 = tpu.concatenate %broadcast_in_dim3A_618, %slice3A_619 in 0 : vector<4x1xf32>, vector<28x1xf32> -> vector<32x1xf32>
    %add3A_621 = arith.addf %add3A_616, %concatenate3A_620 : vector<32x1xf32>
    %broadcast_in_dim3A_622 = arith.constant 0.000000e+00 : f32
    %broadcast_in_dim3A_623 = vector.broadcast %broadcast_in_dim3A_622 : f32 to vector<8x1xf32>
    %slice3A_624 = vector.extract_strided_slice %add3A_621 {offsets = [0, 0], sizes = [24, 1], strides = [1, 1]} : vector<32x1xf32> to vector<24x1xf32>
    %concatenate3A_625 = tpu.concatenate %broadcast_in_dim3A_623, %slice3A_624 in 0 : vector<8x1xf32>, vector<24x1xf32> -> vector<32x1xf32>
    %add3A_626 = arith.addf %add3A_621, %concatenate3A_625 : vector<32x1xf32>
    %broadcast_in_dim3A_627 = arith.constant 0.000000e+00 : f32
    %broadcast_in_dim3A_628 = vector.broadcast %broadcast_in_dim3A_627 : f32 to vector<16x1xf32>
    %slice3A_629 = vector.extract_strided_slice %add3A_626 {offsets = [0, 0], sizes = [16, 1], strides = [1, 1]} : vector<32x1xf32> to vector<16x1xf32>
    %concatenate3A_630 = tpu.concatenate %broadcast_in_dim3A_628, %slice3A_629 in 0 : vector<16x1xf32>, vector<16x1xf32> -> vector<32x1xf32>
    %add3A_631 = arith.addf %add3A_626, %concatenate3A_630 : vector<32x1xf32>
    %sub3A_632 = arith.subf %add3A_631, %slice3A_605 : vector<32x1xf32>
    %add3A_633 = vector.broadcast %sub3A_632 : vector<32x1xf32> to vector<32x64xf32>
    %add3A_634 = arith.addf %sub3A_606, %add3A_633 : vector<32x64xf32>
    %reduce_sum3A_635 = arith.constant dense<0.000000e+00> : vector<1xf32>
    %reduce_sum3A_636 = vector.multi_reduction <add>, %slice3A_605, %reduce_sum3A_635 [0] : vector<32x1xf32> to vector<1xf32>
    %broadcast_in_dim3A_637 = vector.shape_cast %reduce_sum3A_636 : vector<1xf32> to vector<1x1xf32>
    %add3A_638 = vector.broadcast %slice3A_569 : vector<1x1xf32> to vector<32x64xf32>
    %add3A_639 = arith.addf %add3A_638, %add3A_634 : vector<32x64xf32>
    %mul3A_640 = arith.mulf %convert_element_type3A_574, %add3A_639 : vector<32x64xf32>
    %add3A_641 = arith.addf %add3A_498, %mul3A_640 : vector<32x64xf32>
    %eq3A_642 = arith.constant 3 : i32
    %eq3A_643 = vector.broadcast %eq3A_642 : i32 to vector<32x64xi32>
    %eq3A_644 = arith.cmpi eq, %get3A_4, %eq3A_643 : vector<32x64xi32>
    %convert_element_type3A_645 = arith.extui %eq3A_644 : vector<32x64xi1> to vector<32x64xi32>
    %convert_element_type3A_646 = arith.sitofp %convert_element_type3A_645 : vector<32x64xi32> to vector<32x64xf32>
    %broadcast_in_dim3A_647 = arith.constant 0.000000e+00 : f32
    %broadcast_in_dim3A_648 = vector.broadcast %broadcast_in_dim3A_647 : f32 to vector<32x1xf32>
    %slice3A_649 = vector.extract_strided_slice %convert_element_type3A_646 {offsets = [0, 0], sizes = [32, 63], strides = [1, 1]} : vector<32x64xf32> to vector<32x63xf32>
    %concatenate3A_650 = tpu.concatenate %broadcast_in_dim3A_648, %slice3A_649 in 1 : vector<32x1xf32>, vector<32x63xf32> -> vector<32x64xf32>
    %add3A_651 = arith.addf %convert_element_type3A_646, %concatenate3A_650 : vector<32x64xf32>
    %broadcast_in_dim3A_652 = arith.constant 0.000000e+00 : f32
    %broadcast_in_dim3A_653 = vector.broadcast %broadcast_in_dim3A_652 : f32 to vector<32x2xf32>
    %slice3A_654 = vector.extract_strided_slice %add3A_651 {offsets = [0, 0], sizes = [32, 62], strides = [1, 1]} : vector<32x64xf32> to vector<32x62xf32>
    %concatenate3A_655 = tpu.concatenate %broadcast_in_dim3A_653, %slice3A_654 in 1 : vector<32x2xf32>, vector<32x62xf32> -> vector<32x64xf32>
    %add3A_656 = arith.addf %add3A_651, %concatenate3A_655 : vector<32x64xf32>
    %broadcast_in_dim3A_657 = arith.constant 0.000000e+00 : f32
    %broadcast_in_dim3A_658 = vector.broadcast %broadcast_in_dim3A_657 : f32 to vector<32x4xf32>
    %slice3A_659 = vector.extract_strided_slice %add3A_656 {offsets = [0, 0], sizes = [32, 60], strides = [1, 1]} : vector<32x64xf32> to vector<32x60xf32>
    %concatenate3A_660 = tpu.concatenate %broadcast_in_dim3A_658, %slice3A_659 in 1 : vector<32x4xf32>, vector<32x60xf32> -> vector<32x64xf32>
    %add3A_661 = arith.addf %add3A_656, %concatenate3A_660 : vector<32x64xf32>
    %broadcast_in_dim3A_662 = arith.constant 0.000000e+00 : f32
    %broadcast_in_dim3A_663 = vector.broadcast %broadcast_in_dim3A_662 : f32 to vector<32x8xf32>
    %slice3A_664 = vector.extract_strided_slice %add3A_661 {offsets = [0, 0], sizes = [32, 56], strides = [1, 1]} : vector<32x64xf32> to vector<32x56xf32>
    %concatenate3A_665 = tpu.concatenate %broadcast_in_dim3A_663, %slice3A_664 in 1 : vector<32x8xf32>, vector<32x56xf32> -> vector<32x64xf32>
    %add3A_666 = arith.addf %add3A_661, %concatenate3A_665 : vector<32x64xf32>
    %broadcast_in_dim3A_667 = arith.constant 0.000000e+00 : f32
    %broadcast_in_dim3A_668 = vector.broadcast %broadcast_in_dim3A_667 : f32 to vector<32x16xf32>
    %slice3A_669 = vector.extract_strided_slice %add3A_666 {offsets = [0, 0], sizes = [32, 48], strides = [1, 1]} : vector<32x64xf32> to vector<32x48xf32>
    %concatenate3A_670 = tpu.concatenate %broadcast_in_dim3A_668, %slice3A_669 in 1 : vector<32x16xf32>, vector<32x48xf32> -> vector<32x64xf32>
    %add3A_671 = arith.addf %add3A_666, %concatenate3A_670 : vector<32x64xf32>
    %broadcast_in_dim3A_672 = arith.constant 0.000000e+00 : f32
    %broadcast_in_dim3A_673 = vector.broadcast %broadcast_in_dim3A_672 : f32 to vector<32x32xf32>
    %slice3A_674 = vector.extract_strided_slice %add3A_671 {offsets = [0, 0], sizes = [32, 32], strides = [1, 1]} : vector<32x64xf32> to vector<32x32xf32>
    %concatenate3A_675 = tpu.concatenate %broadcast_in_dim3A_673, %slice3A_674 in 1 : vector<32x32xf32>, vector<32x32xf32> -> vector<32x64xf32>
    %add3A_676 = arith.addf %add3A_671, %concatenate3A_675 : vector<32x64xf32>
    %sub3A_677 = arith.subf %add3A_676, %convert_element_type3A_646 : vector<32x64xf32>
    %slice3A_678 = vector.extract_strided_slice %add3A_676 {offsets = [0, 63], sizes = [32, 1], strides = [1, 1]} : vector<32x64xf32> to vector<32x1xf32>
    %broadcast_in_dim3A_679 = arith.constant 0.000000e+00 : f32
    %broadcast_in_dim3A_680 = vector.broadcast %broadcast_in_dim3A_679 : f32 to vector<1x1xf32>
    %slice3A_681 = vector.extract_strided_slice %slice3A_678 {offsets = [0, 0], sizes = [31, 1], strides = [1, 1]} : vector<32x1xf32> to vector<31x1xf32>
    %concatenate3A_682 = tpu.concatenate %broadcast_in_dim3A_680, %slice3A_681 in 0 : vector<1x1xf32>, vector<31x1xf32> -> vector<32x1xf32>
    %add3A_683 = arith.addf %slice3A_678, %concatenate3A_682 : vector<32x1xf32>
    %broadcast_in_dim3A_684 = arith.constant 0.000000e+00 : f32
    %broadcast_in_dim3A_685 = vector.broadcast %broadcast_in_dim3A_684 : f32 to vector<2x1xf32>
    %slice3A_686 = vector.extract_strided_slice %add3A_683 {offsets = [0, 0], sizes = [30, 1], strides = [1, 1]} : vector<32x1xf32> to vector<30x1xf32>
    %concatenate3A_687 = tpu.concatenate %broadcast_in_dim3A_685, %slice3A_686 in 0 : vector<2x1xf32>, vector<30x1xf32> -> vector<32x1xf32>
    %add3A_688 = arith.addf %add3A_683, %concatenate3A_687 : vector<32x1xf32>
    %broadcast_in_dim3A_689 = arith.constant 0.000000e+00 : f32
    %broadcast_in_dim3A_690 = vector.broadcast %broadcast_in_dim3A_689 : f32 to vector<4x1xf32>
    %slice3A_691 = vector.extract_strided_slice %add3A_688 {offsets = [0, 0], sizes = [28, 1], strides = [1, 1]} : vector<32x1xf32> to vector<28x1xf32>
    %concatenate3A_692 = tpu.concatenate %broadcast_in_dim3A_690, %slice3A_691 in 0 : vector<4x1xf32>, vector<28x1xf32> -> vector<32x1xf32>
    %add3A_693 = arith.addf %add3A_688, %concatenate3A_692 : vector<32x1xf32>
    %broadcast_in_dim3A_694 = arith.constant 0.000000e+00 : f32
    %broadcast_in_dim3A_695 = vector.broadcast %broadcast_in_dim3A_694 : f32 to vector<8x1xf32>
    %slice3A_696 = vector.extract_strided_slice %add3A_693 {offsets = [0, 0], sizes = [24, 1], strides = [1, 1]} : vector<32x1xf32> to vector<24x1xf32>
    %concatenate3A_697 = tpu.concatenate %broadcast_in_dim3A_695, %slice3A_696 in 0 : vector<8x1xf32>, vector<24x1xf32> -> vector<32x1xf32>
    %add3A_698 = arith.addf %add3A_693, %concatenate3A_697 : vector<32x1xf32>
    %broadcast_in_dim3A_699 = arith.constant 0.000000e+00 : f32
    %broadcast_in_dim3A_700 = vector.broadcast %broadcast_in_dim3A_699 : f32 to vector<16x1xf32>
    %slice3A_701 = vector.extract_strided_slice %add3A_698 {offsets = [0, 0], sizes = [16, 1], strides = [1, 1]} : vector<32x1xf32> to vector<16x1xf32>
    %concatenate3A_702 = tpu.concatenate %broadcast_in_dim3A_700, %slice3A_701 in 0 : vector<16x1xf32>, vector<16x1xf32> -> vector<32x1xf32>
    %add3A_703 = arith.addf %add3A_698, %concatenate3A_702 : vector<32x1xf32>
    %sub3A_704 = arith.subf %add3A_703, %slice3A_678 : vector<32x1xf32>
    %add3A_705 = vector.broadcast %sub3A_704 : vector<32x1xf32> to vector<32x64xf32>
    %add3A_706 = arith.addf %sub3A_677, %add3A_705 : vector<32x64xf32>
    %add3A_707 = arith.addf %slice3A_569, %broadcast_in_dim3A_637 : vector<1x1xf32>
    %add3A_708 = vector.broadcast %add3A_707 : vector<1x1xf32> to vector<32x64xf32>
    %add3A_709 = arith.addf %add3A_708, %add3A_706 : vector<32x64xf32>
    %mul3A_710 = arith.mulf %convert_element_type3A_646, %add3A_709 : vector<32x64xf32>
    %add3A_711 = arith.addf %add3A_568, %mul3A_710 : vector<32x64xf32>
    %slice3A_712 = vector.extract_strided_slice %sub3A {offsets = [0, 4], sizes = [1, 1], strides = [1, 1]} : vector<1x8xf32> to vector<1x1xf32>
    %eq3A_713 = arith.constant 4 : i32
    %eq3A_714 = vector.broadcast %eq3A_713 : i32 to vector<32x64xi32>
    %eq3A_715 = arith.cmpi eq, %get3A_1, %eq3A_714 : vector<32x64xi32>
    %convert_element_type3A_716 = arith.extui %eq3A_715 : vector<32x64xi1> to vector<32x64xi32>
    %convert_element_type3A_717 = arith.sitofp %convert_element_type3A_716 : vector<32x64xi32> to vector<32x64xf32>
    %broadcast_in_dim3A_718 = arith.constant 0.000000e+00 : f32
    %broadcast_in_dim3A_719 = vector.broadcast %broadcast_in_dim3A_718 : f32 to vector<32x1xf32>
    %slice3A_720 = vector.extract_strided_slice %convert_element_type3A_717 {offsets = [0, 0], sizes = [32, 63], strides = [1, 1]} : vector<32x64xf32> to vector<32x63xf32>
    %concatenate3A_721 = tpu.concatenate %broadcast_in_dim3A_719, %slice3A_720 in 1 : vector<32x1xf32>, vector<32x63xf32> -> vector<32x64xf32>
    %add3A_722 = arith.addf %convert_element_type3A_717, %concatenate3A_721 : vector<32x64xf32>
    %broadcast_in_dim3A_723 = arith.constant 0.000000e+00 : f32
    %broadcast_in_dim3A_724 = vector.broadcast %broadcast_in_dim3A_723 : f32 to vector<32x2xf32>
    %slice3A_725 = vector.extract_strided_slice %add3A_722 {offsets = [0, 0], sizes = [32, 62], strides = [1, 1]} : vector<32x64xf32> to vector<32x62xf32>
    %concatenate3A_726 = tpu.concatenate %broadcast_in_dim3A_724, %slice3A_725 in 1 : vector<32x2xf32>, vector<32x62xf32> -> vector<32x64xf32>
    %add3A_727 = arith.addf %add3A_722, %concatenate3A_726 : vector<32x64xf32>
    %broadcast_in_dim3A_728 = arith.constant 0.000000e+00 : f32
    %broadcast_in_dim3A_729 = vector.broadcast %broadcast_in_dim3A_728 : f32 to vector<32x4xf32>
    %slice3A_730 = vector.extract_strided_slice %add3A_727 {offsets = [0, 0], sizes = [32, 60], strides = [1, 1]} : vector<32x64xf32> to vector<32x60xf32>
    %concatenate3A_731 = tpu.concatenate %broadcast_in_dim3A_729, %slice3A_730 in 1 : vector<32x4xf32>, vector<32x60xf32> -> vector<32x64xf32>
    %add3A_732 = arith.addf %add3A_727, %concatenate3A_731 : vector<32x64xf32>
    %broadcast_in_dim3A_733 = arith.constant 0.000000e+00 : f32
    %broadcast_in_dim3A_734 = vector.broadcast %broadcast_in_dim3A_733 : f32 to vector<32x8xf32>
    %slice3A_735 = vector.extract_strided_slice %add3A_732 {offsets = [0, 0], sizes = [32, 56], strides = [1, 1]} : vector<32x64xf32> to vector<32x56xf32>
    %concatenate3A_736 = tpu.concatenate %broadcast_in_dim3A_734, %slice3A_735 in 1 : vector<32x8xf32>, vector<32x56xf32> -> vector<32x64xf32>
    %add3A_737 = arith.addf %add3A_732, %concatenate3A_736 : vector<32x64xf32>
    %broadcast_in_dim3A_738 = arith.constant 0.000000e+00 : f32
    %broadcast_in_dim3A_739 = vector.broadcast %broadcast_in_dim3A_738 : f32 to vector<32x16xf32>
    %slice3A_740 = vector.extract_strided_slice %add3A_737 {offsets = [0, 0], sizes = [32, 48], strides = [1, 1]} : vector<32x64xf32> to vector<32x48xf32>
    %concatenate3A_741 = tpu.concatenate %broadcast_in_dim3A_739, %slice3A_740 in 1 : vector<32x16xf32>, vector<32x48xf32> -> vector<32x64xf32>
    %add3A_742 = arith.addf %add3A_737, %concatenate3A_741 : vector<32x64xf32>
    %broadcast_in_dim3A_743 = arith.constant 0.000000e+00 : f32
    %broadcast_in_dim3A_744 = vector.broadcast %broadcast_in_dim3A_743 : f32 to vector<32x32xf32>
    %slice3A_745 = vector.extract_strided_slice %add3A_742 {offsets = [0, 0], sizes = [32, 32], strides = [1, 1]} : vector<32x64xf32> to vector<32x32xf32>
    %concatenate3A_746 = tpu.concatenate %broadcast_in_dim3A_744, %slice3A_745 in 1 : vector<32x32xf32>, vector<32x32xf32> -> vector<32x64xf32>
    %add3A_747 = arith.addf %add3A_742, %concatenate3A_746 : vector<32x64xf32>
    %slice3A_748 = vector.extract_strided_slice %add3A_747 {offsets = [0, 63], sizes = [32, 1], strides = [1, 1]} : vector<32x64xf32> to vector<32x1xf32>
    %sub3A_749 = arith.subf %add3A_747, %convert_element_type3A_717 : vector<32x64xf32>
    %broadcast_in_dim3A_750 = arith.constant 0.000000e+00 : f32
    %broadcast_in_dim3A_751 = vector.broadcast %broadcast_in_dim3A_750 : f32 to vector<1x1xf32>
    %slice3A_752 = vector.extract_strided_slice %slice3A_748 {offsets = [0, 0], sizes = [31, 1], strides = [1, 1]} : vector<32x1xf32> to vector<31x1xf32>
    %concatenate3A_753 = tpu.concatenate %broadcast_in_dim3A_751, %slice3A_752 in 0 : vector<1x1xf32>, vector<31x1xf32> -> vector<32x1xf32>
    %add3A_754 = arith.addf %slice3A_748, %concatenate3A_753 : vector<32x1xf32>
    %broadcast_in_dim3A_755 = arith.constant 0.000000e+00 : f32
    %broadcast_in_dim3A_756 = vector.broadcast %broadcast_in_dim3A_755 : f32 to vector<2x1xf32>
    %slice3A_757 = vector.extract_strided_slice %add3A_754 {offsets = [0, 0], sizes = [30, 1], strides = [1, 1]} : vector<32x1xf32> to vector<30x1xf32>
    %concatenate3A_758 = tpu.concatenate %broadcast_in_dim3A_756, %slice3A_757 in 0 : vector<2x1xf32>, vector<30x1xf32> -> vector<32x1xf32>
    %add3A_759 = arith.addf %add3A_754, %concatenate3A_758 : vector<32x1xf32>
    %broadcast_in_dim3A_760 = arith.constant 0.000000e+00 : f32
    %broadcast_in_dim3A_761 = vector.broadcast %broadcast_in_dim3A_760 : f32 to vector<4x1xf32>
    %slice3A_762 = vector.extract_strided_slice %add3A_759 {offsets = [0, 0], sizes = [28, 1], strides = [1, 1]} : vector<32x1xf32> to vector<28x1xf32>
    %concatenate3A_763 = tpu.concatenate %broadcast_in_dim3A_761, %slice3A_762 in 0 : vector<4x1xf32>, vector<28x1xf32> -> vector<32x1xf32>
    %add3A_764 = arith.addf %add3A_759, %concatenate3A_763 : vector<32x1xf32>
    %broadcast_in_dim3A_765 = arith.constant 0.000000e+00 : f32
    %broadcast_in_dim3A_766 = vector.broadcast %broadcast_in_dim3A_765 : f32 to vector<8x1xf32>
    %slice3A_767 = vector.extract_strided_slice %add3A_764 {offsets = [0, 0], sizes = [24, 1], strides = [1, 1]} : vector<32x1xf32> to vector<24x1xf32>
    %concatenate3A_768 = tpu.concatenate %broadcast_in_dim3A_766, %slice3A_767 in 0 : vector<8x1xf32>, vector<24x1xf32> -> vector<32x1xf32>
    %add3A_769 = arith.addf %add3A_764, %concatenate3A_768 : vector<32x1xf32>
    %broadcast_in_dim3A_770 = arith.constant 0.000000e+00 : f32
    %broadcast_in_dim3A_771 = vector.broadcast %broadcast_in_dim3A_770 : f32 to vector<16x1xf32>
    %slice3A_772 = vector.extract_strided_slice %add3A_769 {offsets = [0, 0], sizes = [16, 1], strides = [1, 1]} : vector<32x1xf32> to vector<16x1xf32>
    %concatenate3A_773 = tpu.concatenate %broadcast_in_dim3A_771, %slice3A_772 in 0 : vector<16x1xf32>, vector<16x1xf32> -> vector<32x1xf32>
    %add3A_774 = arith.addf %add3A_769, %concatenate3A_773 : vector<32x1xf32>
    %sub3A_775 = arith.subf %add3A_774, %slice3A_748 : vector<32x1xf32>
    %add3A_776 = vector.broadcast %sub3A_775 : vector<32x1xf32> to vector<32x64xf32>
    %add3A_777 = arith.addf %sub3A_749, %add3A_776 : vector<32x64xf32>
    %reduce_sum3A_778 = arith.constant dense<0.000000e+00> : vector<1xf32>
    %reduce_sum3A_779 = vector.multi_reduction <add>, %slice3A_748, %reduce_sum3A_778 [0] : vector<32x1xf32> to vector<1xf32>
    %broadcast_in_dim3A_780 = vector.shape_cast %reduce_sum3A_779 : vector<1xf32> to vector<1x1xf32>
    %add3A_781 = vector.broadcast %slice3A_712 : vector<1x1xf32> to vector<32x64xf32>
    %add3A_782 = arith.addf %add3A_781, %add3A_777 : vector<32x64xf32>
    %mul3A_783 = arith.mulf %convert_element_type3A_717, %add3A_782 : vector<32x64xf32>
    %add3A_784 = arith.addf %add3A_641, %mul3A_783 : vector<32x64xf32>
    %eq3A_785 = arith.constant 4 : i32
    %eq3A_786 = vector.broadcast %eq3A_785 : i32 to vector<32x64xi32>
    %eq3A_787 = arith.cmpi eq, %get3A_4, %eq3A_786 : vector<32x64xi32>
    %convert_element_type3A_788 = arith.extui %eq3A_787 : vector<32x64xi1> to vector<32x64xi32>
    %convert_element_type3A_789 = arith.sitofp %convert_element_type3A_788 : vector<32x64xi32> to vector<32x64xf32>
    %broadcast_in_dim3A_790 = arith.constant 0.000000e+00 : f32
    %broadcast_in_dim3A_791 = vector.broadcast %broadcast_in_dim3A_790 : f32 to vector<32x1xf32>
    %slice3A_792 = vector.extract_strided_slice %convert_element_type3A_789 {offsets = [0, 0], sizes = [32, 63], strides = [1, 1]} : vector<32x64xf32> to vector<32x63xf32>
    %concatenate3A_793 = tpu.concatenate %broadcast_in_dim3A_791, %slice3A_792 in 1 : vector<32x1xf32>, vector<32x63xf32> -> vector<32x64xf32>
    %add3A_794 = arith.addf %convert_element_type3A_789, %concatenate3A_793 : vector<32x64xf32>
    %broadcast_in_dim3A_795 = arith.constant 0.000000e+00 : f32
    %broadcast_in_dim3A_796 = vector.broadcast %broadcast_in_dim3A_795 : f32 to vector<32x2xf32>
    %slice3A_797 = vector.extract_strided_slice %add3A_794 {offsets = [0, 0], sizes = [32, 62], strides = [1, 1]} : vector<32x64xf32> to vector<32x62xf32>
    %concatenate3A_798 = tpu.concatenate %broadcast_in_dim3A_796, %slice3A_797 in 1 : vector<32x2xf32>, vector<32x62xf32> -> vector<32x64xf32>
    %add3A_799 = arith.addf %add3A_794, %concatenate3A_798 : vector<32x64xf32>
    %broadcast_in_dim3A_800 = arith.constant 0.000000e+00 : f32
    %broadcast_in_dim3A_801 = vector.broadcast %broadcast_in_dim3A_800 : f32 to vector<32x4xf32>
    %slice3A_802 = vector.extract_strided_slice %add3A_799 {offsets = [0, 0], sizes = [32, 60], strides = [1, 1]} : vector<32x64xf32> to vector<32x60xf32>
    %concatenate3A_803 = tpu.concatenate %broadcast_in_dim3A_801, %slice3A_802 in 1 : vector<32x4xf32>, vector<32x60xf32> -> vector<32x64xf32>
    %add3A_804 = arith.addf %add3A_799, %concatenate3A_803 : vector<32x64xf32>
    %broadcast_in_dim3A_805 = arith.constant 0.000000e+00 : f32
    %broadcast_in_dim3A_806 = vector.broadcast %broadcast_in_dim3A_805 : f32 to vector<32x8xf32>
    %slice3A_807 = vector.extract_strided_slice %add3A_804 {offsets = [0, 0], sizes = [32, 56], strides = [1, 1]} : vector<32x64xf32> to vector<32x56xf32>
    %concatenate3A_808 = tpu.concatenate %broadcast_in_dim3A_806, %slice3A_807 in 1 : vector<32x8xf32>, vector<32x56xf32> -> vector<32x64xf32>
    %add3A_809 = arith.addf %add3A_804, %concatenate3A_808 : vector<32x64xf32>
    %broadcast_in_dim3A_810 = arith.constant 0.000000e+00 : f32
    %broadcast_in_dim3A_811 = vector.broadcast %broadcast_in_dim3A_810 : f32 to vector<32x16xf32>
    %slice3A_812 = vector.extract_strided_slice %add3A_809 {offsets = [0, 0], sizes = [32, 48], strides = [1, 1]} : vector<32x64xf32> to vector<32x48xf32>
    %concatenate3A_813 = tpu.concatenate %broadcast_in_dim3A_811, %slice3A_812 in 1 : vector<32x16xf32>, vector<32x48xf32> -> vector<32x64xf32>
    %add3A_814 = arith.addf %add3A_809, %concatenate3A_813 : vector<32x64xf32>
    %broadcast_in_dim3A_815 = arith.constant 0.000000e+00 : f32
    %broadcast_in_dim3A_816 = vector.broadcast %broadcast_in_dim3A_815 : f32 to vector<32x32xf32>
    %slice3A_817 = vector.extract_strided_slice %add3A_814 {offsets = [0, 0], sizes = [32, 32], strides = [1, 1]} : vector<32x64xf32> to vector<32x32xf32>
    %concatenate3A_818 = tpu.concatenate %broadcast_in_dim3A_816, %slice3A_817 in 1 : vector<32x32xf32>, vector<32x32xf32> -> vector<32x64xf32>
    %add3A_819 = arith.addf %add3A_814, %concatenate3A_818 : vector<32x64xf32>
    %sub3A_820 = arith.subf %add3A_819, %convert_element_type3A_789 : vector<32x64xf32>
    %slice3A_821 = vector.extract_strided_slice %add3A_819 {offsets = [0, 63], sizes = [32, 1], strides = [1, 1]} : vector<32x64xf32> to vector<32x1xf32>
    %broadcast_in_dim3A_822 = arith.constant 0.000000e+00 : f32
    %broadcast_in_dim3A_823 = vector.broadcast %broadcast_in_dim3A_822 : f32 to vector<1x1xf32>
    %slice3A_824 = vector.extract_strided_slice %slice3A_821 {offsets = [0, 0], sizes = [31, 1], strides = [1, 1]} : vector<32x1xf32> to vector<31x1xf32>
    %concatenate3A_825 = tpu.concatenate %broadcast_in_dim3A_823, %slice3A_824 in 0 : vector<1x1xf32>, vector<31x1xf32> -> vector<32x1xf32>
    %add3A_826 = arith.addf %slice3A_821, %concatenate3A_825 : vector<32x1xf32>
    %broadcast_in_dim3A_827 = arith.constant 0.000000e+00 : f32
    %broadcast_in_dim3A_828 = vector.broadcast %broadcast_in_dim3A_827 : f32 to vector<2x1xf32>
    %slice3A_829 = vector.extract_strided_slice %add3A_826 {offsets = [0, 0], sizes = [30, 1], strides = [1, 1]} : vector<32x1xf32> to vector<30x1xf32>
    %concatenate3A_830 = tpu.concatenate %broadcast_in_dim3A_828, %slice3A_829 in 0 : vector<2x1xf32>, vector<30x1xf32> -> vector<32x1xf32>
    %add3A_831 = arith.addf %add3A_826, %concatenate3A_830 : vector<32x1xf32>
    %broadcast_in_dim3A_832 = arith.constant 0.000000e+00 : f32
    %broadcast_in_dim3A_833 = vector.broadcast %broadcast_in_dim3A_832 : f32 to vector<4x1xf32>
    %slice3A_834 = vector.extract_strided_slice %add3A_831 {offsets = [0, 0], sizes = [28, 1], strides = [1, 1]} : vector<32x1xf32> to vector<28x1xf32>
    %concatenate3A_835 = tpu.concatenate %broadcast_in_dim3A_833, %slice3A_834 in 0 : vector<4x1xf32>, vector<28x1xf32> -> vector<32x1xf32>
    %add3A_836 = arith.addf %add3A_831, %concatenate3A_835 : vector<32x1xf32>
    %broadcast_in_dim3A_837 = arith.constant 0.000000e+00 : f32
    %broadcast_in_dim3A_838 = vector.broadcast %broadcast_in_dim3A_837 : f32 to vector<8x1xf32>
    %slice3A_839 = vector.extract_strided_slice %add3A_836 {offsets = [0, 0], sizes = [24, 1], strides = [1, 1]} : vector<32x1xf32> to vector<24x1xf32>
    %concatenate3A_840 = tpu.concatenate %broadcast_in_dim3A_838, %slice3A_839 in 0 : vector<8x1xf32>, vector<24x1xf32> -> vector<32x1xf32>
    %add3A_841 = arith.addf %add3A_836, %concatenate3A_840 : vector<32x1xf32>
    %broadcast_in_dim3A_842 = arith.constant 0.000000e+00 : f32
    %broadcast_in_dim3A_843 = vector.broadcast %broadcast_in_dim3A_842 : f32 to vector<16x1xf32>
    %slice3A_844 = vector.extract_strided_slice %add3A_841 {offsets = [0, 0], sizes = [16, 1], strides = [1, 1]} : vector<32x1xf32> to vector<16x1xf32>
    %concatenate3A_845 = tpu.concatenate %broadcast_in_dim3A_843, %slice3A_844 in 0 : vector<16x1xf32>, vector<16x1xf32> -> vector<32x1xf32>
    %add3A_846 = arith.addf %add3A_841, %concatenate3A_845 : vector<32x1xf32>
    %sub3A_847 = arith.subf %add3A_846, %slice3A_821 : vector<32x1xf32>
    %add3A_848 = vector.broadcast %sub3A_847 : vector<32x1xf32> to vector<32x64xf32>
    %add3A_849 = arith.addf %sub3A_820, %add3A_848 : vector<32x64xf32>
    %add3A_850 = arith.addf %slice3A_712, %broadcast_in_dim3A_780 : vector<1x1xf32>
    %add3A_851 = vector.broadcast %add3A_850 : vector<1x1xf32> to vector<32x64xf32>
    %add3A_852 = arith.addf %add3A_851, %add3A_849 : vector<32x64xf32>
    %mul3A_853 = arith.mulf %convert_element_type3A_789, %add3A_852 : vector<32x64xf32>
    %add3A_854 = arith.addf %add3A_711, %mul3A_853 : vector<32x64xf32>
    %slice3A_855 = vector.extract_strided_slice %sub3A {offsets = [0, 5], sizes = [1, 1], strides = [1, 1]} : vector<1x8xf32> to vector<1x1xf32>
    %eq3A_856 = arith.constant 5 : i32
    %eq3A_857 = vector.broadcast %eq3A_856 : i32 to vector<32x64xi32>
    %eq3A_858 = arith.cmpi eq, %get3A_1, %eq3A_857 : vector<32x64xi32>
    %convert_element_type3A_859 = arith.extui %eq3A_858 : vector<32x64xi1> to vector<32x64xi32>
    %convert_element_type3A_860 = arith.sitofp %convert_element_type3A_859 : vector<32x64xi32> to vector<32x64xf32>
    %broadcast_in_dim3A_861 = arith.constant 0.000000e+00 : f32
    %broadcast_in_dim3A_862 = vector.broadcast %broadcast_in_dim3A_861 : f32 to vector<32x1xf32>
    %slice3A_863 = vector.extract_strided_slice %convert_element_type3A_860 {offsets = [0, 0], sizes = [32, 63], strides = [1, 1]} : vector<32x64xf32> to vector<32x63xf32>
    %concatenate3A_864 = tpu.concatenate %broadcast_in_dim3A_862, %slice3A_863 in 1 : vector<32x1xf32>, vector<32x63xf32> -> vector<32x64xf32>
    %add3A_865 = arith.addf %convert_element_type3A_860, %concatenate3A_864 : vector<32x64xf32>
    %broadcast_in_dim3A_866 = arith.constant 0.000000e+00 : f32
    %broadcast_in_dim3A_867 = vector.broadcast %broadcast_in_dim3A_866 : f32 to vector<32x2xf32>
    %slice3A_868 = vector.extract_strided_slice %add3A_865 {offsets = [0, 0], sizes = [32, 62], strides = [1, 1]} : vector<32x64xf32> to vector<32x62xf32>
    %concatenate3A_869 = tpu.concatenate %broadcast_in_dim3A_867, %slice3A_868 in 1 : vector<32x2xf32>, vector<32x62xf32> -> vector<32x64xf32>
    %add3A_870 = arith.addf %add3A_865, %concatenate3A_869 : vector<32x64xf32>
    %broadcast_in_dim3A_871 = arith.constant 0.000000e+00 : f32
    %broadcast_in_dim3A_872 = vector.broadcast %broadcast_in_dim3A_871 : f32 to vector<32x4xf32>
    %slice3A_873 = vector.extract_strided_slice %add3A_870 {offsets = [0, 0], sizes = [32, 60], strides = [1, 1]} : vector<32x64xf32> to vector<32x60xf32>
    %concatenate3A_874 = tpu.concatenate %broadcast_in_dim3A_872, %slice3A_873 in 1 : vector<32x4xf32>, vector<32x60xf32> -> vector<32x64xf32>
    %add3A_875 = arith.addf %add3A_870, %concatenate3A_874 : vector<32x64xf32>
    %broadcast_in_dim3A_876 = arith.constant 0.000000e+00 : f32
    %broadcast_in_dim3A_877 = vector.broadcast %broadcast_in_dim3A_876 : f32 to vector<32x8xf32>
    %slice3A_878 = vector.extract_strided_slice %add3A_875 {offsets = [0, 0], sizes = [32, 56], strides = [1, 1]} : vector<32x64xf32> to vector<32x56xf32>
    %concatenate3A_879 = tpu.concatenate %broadcast_in_dim3A_877, %slice3A_878 in 1 : vector<32x8xf32>, vector<32x56xf32> -> vector<32x64xf32>
    %add3A_880 = arith.addf %add3A_875, %concatenate3A_879 : vector<32x64xf32>
    %broadcast_in_dim3A_881 = arith.constant 0.000000e+00 : f32
    %broadcast_in_dim3A_882 = vector.broadcast %broadcast_in_dim3A_881 : f32 to vector<32x16xf32>
    %slice3A_883 = vector.extract_strided_slice %add3A_880 {offsets = [0, 0], sizes = [32, 48], strides = [1, 1]} : vector<32x64xf32> to vector<32x48xf32>
    %concatenate3A_884 = tpu.concatenate %broadcast_in_dim3A_882, %slice3A_883 in 1 : vector<32x16xf32>, vector<32x48xf32> -> vector<32x64xf32>
    %add3A_885 = arith.addf %add3A_880, %concatenate3A_884 : vector<32x64xf32>
    %broadcast_in_dim3A_886 = arith.constant 0.000000e+00 : f32
    %broadcast_in_dim3A_887 = vector.broadcast %broadcast_in_dim3A_886 : f32 to vector<32x32xf32>
    %slice3A_888 = vector.extract_strided_slice %add3A_885 {offsets = [0, 0], sizes = [32, 32], strides = [1, 1]} : vector<32x64xf32> to vector<32x32xf32>
    %concatenate3A_889 = tpu.concatenate %broadcast_in_dim3A_887, %slice3A_888 in 1 : vector<32x32xf32>, vector<32x32xf32> -> vector<32x64xf32>
    %add3A_890 = arith.addf %add3A_885, %concatenate3A_889 : vector<32x64xf32>
    %slice3A_891 = vector.extract_strided_slice %add3A_890 {offsets = [0, 63], sizes = [32, 1], strides = [1, 1]} : vector<32x64xf32> to vector<32x1xf32>
    %sub3A_892 = arith.subf %add3A_890, %convert_element_type3A_860 : vector<32x64xf32>
    %broadcast_in_dim3A_893 = arith.constant 0.000000e+00 : f32
    %broadcast_in_dim3A_894 = vector.broadcast %broadcast_in_dim3A_893 : f32 to vector<1x1xf32>
    %slice3A_895 = vector.extract_strided_slice %slice3A_891 {offsets = [0, 0], sizes = [31, 1], strides = [1, 1]} : vector<32x1xf32> to vector<31x1xf32>
    %concatenate3A_896 = tpu.concatenate %broadcast_in_dim3A_894, %slice3A_895 in 0 : vector<1x1xf32>, vector<31x1xf32> -> vector<32x1xf32>
    %add3A_897 = arith.addf %slice3A_891, %concatenate3A_896 : vector<32x1xf32>
    %broadcast_in_dim3A_898 = arith.constant 0.000000e+00 : f32
    %broadcast_in_dim3A_899 = vector.broadcast %broadcast_in_dim3A_898 : f32 to vector<2x1xf32>
    %slice3A_900 = vector.extract_strided_slice %add3A_897 {offsets = [0, 0], sizes = [30, 1], strides = [1, 1]} : vector<32x1xf32> to vector<30x1xf32>
    %concatenate3A_901 = tpu.concatenate %broadcast_in_dim3A_899, %slice3A_900 in 0 : vector<2x1xf32>, vector<30x1xf32> -> vector<32x1xf32>
    %add3A_902 = arith.addf %add3A_897, %concatenate3A_901 : vector<32x1xf32>
    %broadcast_in_dim3A_903 = arith.constant 0.000000e+00 : f32
    %broadcast_in_dim3A_904 = vector.broadcast %broadcast_in_dim3A_903 : f32 to vector<4x1xf32>
    %slice3A_905 = vector.extract_strided_slice %add3A_902 {offsets = [0, 0], sizes = [28, 1], strides = [1, 1]} : vector<32x1xf32> to vector<28x1xf32>
    %concatenate3A_906 = tpu.concatenate %broadcast_in_dim3A_904, %slice3A_905 in 0 : vector<4x1xf32>, vector<28x1xf32> -> vector<32x1xf32>
    %add3A_907 = arith.addf %add3A_902, %concatenate3A_906 : vector<32x1xf32>
    %broadcast_in_dim3A_908 = arith.constant 0.000000e+00 : f32
    %broadcast_in_dim3A_909 = vector.broadcast %broadcast_in_dim3A_908 : f32 to vector<8x1xf32>
    %slice3A_910 = vector.extract_strided_slice %add3A_907 {offsets = [0, 0], sizes = [24, 1], strides = [1, 1]} : vector<32x1xf32> to vector<24x1xf32>
    %concatenate3A_911 = tpu.concatenate %broadcast_in_dim3A_909, %slice3A_910 in 0 : vector<8x1xf32>, vector<24x1xf32> -> vector<32x1xf32>
    %add3A_912 = arith.addf %add3A_907, %concatenate3A_911 : vector<32x1xf32>
    %broadcast_in_dim3A_913 = arith.constant 0.000000e+00 : f32
    %broadcast_in_dim3A_914 = vector.broadcast %broadcast_in_dim3A_913 : f32 to vector<16x1xf32>
    %slice3A_915 = vector.extract_strided_slice %add3A_912 {offsets = [0, 0], sizes = [16, 1], strides = [1, 1]} : vector<32x1xf32> to vector<16x1xf32>
    %concatenate3A_916 = tpu.concatenate %broadcast_in_dim3A_914, %slice3A_915 in 0 : vector<16x1xf32>, vector<16x1xf32> -> vector<32x1xf32>
    %add3A_917 = arith.addf %add3A_912, %concatenate3A_916 : vector<32x1xf32>
    %sub3A_918 = arith.subf %add3A_917, %slice3A_891 : vector<32x1xf32>
    %add3A_919 = vector.broadcast %sub3A_918 : vector<32x1xf32> to vector<32x64xf32>
    %add3A_920 = arith.addf %sub3A_892, %add3A_919 : vector<32x64xf32>
    %reduce_sum3A_921 = arith.constant dense<0.000000e+00> : vector<1xf32>
    %reduce_sum3A_922 = vector.multi_reduction <add>, %slice3A_891, %reduce_sum3A_921 [0] : vector<32x1xf32> to vector<1xf32>
    %broadcast_in_dim3A_923 = vector.shape_cast %reduce_sum3A_922 : vector<1xf32> to vector<1x1xf32>
    %add3A_924 = vector.broadcast %slice3A_855 : vector<1x1xf32> to vector<32x64xf32>
    %add3A_925 = arith.addf %add3A_924, %add3A_920 : vector<32x64xf32>
    %mul3A_926 = arith.mulf %convert_element_type3A_860, %add3A_925 : vector<32x64xf32>
    %add3A_927 = arith.addf %add3A_784, %mul3A_926 : vector<32x64xf32>
    %eq3A_928 = arith.constant 5 : i32
    %eq3A_929 = vector.broadcast %eq3A_928 : i32 to vector<32x64xi32>
    %eq3A_930 = arith.cmpi eq, %get3A_4, %eq3A_929 : vector<32x64xi32>
    %convert_element_type3A_931 = arith.extui %eq3A_930 : vector<32x64xi1> to vector<32x64xi32>
    %convert_element_type3A_932 = arith.sitofp %convert_element_type3A_931 : vector<32x64xi32> to vector<32x64xf32>
    %broadcast_in_dim3A_933 = arith.constant 0.000000e+00 : f32
    %broadcast_in_dim3A_934 = vector.broadcast %broadcast_in_dim3A_933 : f32 to vector<32x1xf32>
    %slice3A_935 = vector.extract_strided_slice %convert_element_type3A_932 {offsets = [0, 0], sizes = [32, 63], strides = [1, 1]} : vector<32x64xf32> to vector<32x63xf32>
    %concatenate3A_936 = tpu.concatenate %broadcast_in_dim3A_934, %slice3A_935 in 1 : vector<32x1xf32>, vector<32x63xf32> -> vector<32x64xf32>
    %add3A_937 = arith.addf %convert_element_type3A_932, %concatenate3A_936 : vector<32x64xf32>
    %broadcast_in_dim3A_938 = arith.constant 0.000000e+00 : f32
    %broadcast_in_dim3A_939 = vector.broadcast %broadcast_in_dim3A_938 : f32 to vector<32x2xf32>
    %slice3A_940 = vector.extract_strided_slice %add3A_937 {offsets = [0, 0], sizes = [32, 62], strides = [1, 1]} : vector<32x64xf32> to vector<32x62xf32>
    %concatenate3A_941 = tpu.concatenate %broadcast_in_dim3A_939, %slice3A_940 in 1 : vector<32x2xf32>, vector<32x62xf32> -> vector<32x64xf32>
    %add3A_942 = arith.addf %add3A_937, %concatenate3A_941 : vector<32x64xf32>
    %broadcast_in_dim3A_943 = arith.constant 0.000000e+00 : f32
    %broadcast_in_dim3A_944 = vector.broadcast %broadcast_in_dim3A_943 : f32 to vector<32x4xf32>
    %slice3A_945 = vector.extract_strided_slice %add3A_942 {offsets = [0, 0], sizes = [32, 60], strides = [1, 1]} : vector<32x64xf32> to vector<32x60xf32>
    %concatenate3A_946 = tpu.concatenate %broadcast_in_dim3A_944, %slice3A_945 in 1 : vector<32x4xf32>, vector<32x60xf32> -> vector<32x64xf32>
    %add3A_947 = arith.addf %add3A_942, %concatenate3A_946 : vector<32x64xf32>
    %broadcast_in_dim3A_948 = arith.constant 0.000000e+00 : f32
    %broadcast_in_dim3A_949 = vector.broadcast %broadcast_in_dim3A_948 : f32 to vector<32x8xf32>
    %slice3A_950 = vector.extract_strided_slice %add3A_947 {offsets = [0, 0], sizes = [32, 56], strides = [1, 1]} : vector<32x64xf32> to vector<32x56xf32>
    %concatenate3A_951 = tpu.concatenate %broadcast_in_dim3A_949, %slice3A_950 in 1 : vector<32x8xf32>, vector<32x56xf32> -> vector<32x64xf32>
    %add3A_952 = arith.addf %add3A_947, %concatenate3A_951 : vector<32x64xf32>
    %broadcast_in_dim3A_953 = arith.constant 0.000000e+00 : f32
    %broadcast_in_dim3A_954 = vector.broadcast %broadcast_in_dim3A_953 : f32 to vector<32x16xf32>
    %slice3A_955 = vector.extract_strided_slice %add3A_952 {offsets = [0, 0], sizes = [32, 48], strides = [1, 1]} : vector<32x64xf32> to vector<32x48xf32>
    %concatenate3A_956 = tpu.concatenate %broadcast_in_dim3A_954, %slice3A_955 in 1 : vector<32x16xf32>, vector<32x48xf32> -> vector<32x64xf32>
    %add3A_957 = arith.addf %add3A_952, %concatenate3A_956 : vector<32x64xf32>
    %broadcast_in_dim3A_958 = arith.constant 0.000000e+00 : f32
    %broadcast_in_dim3A_959 = vector.broadcast %broadcast_in_dim3A_958 : f32 to vector<32x32xf32>
    %slice3A_960 = vector.extract_strided_slice %add3A_957 {offsets = [0, 0], sizes = [32, 32], strides = [1, 1]} : vector<32x64xf32> to vector<32x32xf32>
    %concatenate3A_961 = tpu.concatenate %broadcast_in_dim3A_959, %slice3A_960 in 1 : vector<32x32xf32>, vector<32x32xf32> -> vector<32x64xf32>
    %add3A_962 = arith.addf %add3A_957, %concatenate3A_961 : vector<32x64xf32>
    %sub3A_963 = arith.subf %add3A_962, %convert_element_type3A_932 : vector<32x64xf32>
    %slice3A_964 = vector.extract_strided_slice %add3A_962 {offsets = [0, 63], sizes = [32, 1], strides = [1, 1]} : vector<32x64xf32> to vector<32x1xf32>
    %broadcast_in_dim3A_965 = arith.constant 0.000000e+00 : f32
    %broadcast_in_dim3A_966 = vector.broadcast %broadcast_in_dim3A_965 : f32 to vector<1x1xf32>
    %slice3A_967 = vector.extract_strided_slice %slice3A_964 {offsets = [0, 0], sizes = [31, 1], strides = [1, 1]} : vector<32x1xf32> to vector<31x1xf32>
    %concatenate3A_968 = tpu.concatenate %broadcast_in_dim3A_966, %slice3A_967 in 0 : vector<1x1xf32>, vector<31x1xf32> -> vector<32x1xf32>
    %add3A_969 = arith.addf %slice3A_964, %concatenate3A_968 : vector<32x1xf32>
    %broadcast_in_dim3A_970 = arith.constant 0.000000e+00 : f32
    %broadcast_in_dim3A_971 = vector.broadcast %broadcast_in_dim3A_970 : f32 to vector<2x1xf32>
    %slice3A_972 = vector.extract_strided_slice %add3A_969 {offsets = [0, 0], sizes = [30, 1], strides = [1, 1]} : vector<32x1xf32> to vector<30x1xf32>
    %concatenate3A_973 = tpu.concatenate %broadcast_in_dim3A_971, %slice3A_972 in 0 : vector<2x1xf32>, vector<30x1xf32> -> vector<32x1xf32>
    %add3A_974 = arith.addf %add3A_969, %concatenate3A_973 : vector<32x1xf32>
    %broadcast_in_dim3A_975 = arith.constant 0.000000e+00 : f32
    %broadcast_in_dim3A_976 = vector.broadcast %broadcast_in_dim3A_975 : f32 to vector<4x1xf32>
    %slice3A_977 = vector.extract_strided_slice %add3A_974 {offsets = [0, 0], sizes = [28, 1], strides = [1, 1]} : vector<32x1xf32> to vector<28x1xf32>
    %concatenate3A_978 = tpu.concatenate %broadcast_in_dim3A_976, %slice3A_977 in 0 : vector<4x1xf32>, vector<28x1xf32> -> vector<32x1xf32>
    %add3A_979 = arith.addf %add3A_974, %concatenate3A_978 : vector<32x1xf32>
    %broadcast_in_dim3A_980 = arith.constant 0.000000e+00 : f32
    %broadcast_in_dim3A_981 = vector.broadcast %broadcast_in_dim3A_980 : f32 to vector<8x1xf32>
    %slice3A_982 = vector.extract_strided_slice %add3A_979 {offsets = [0, 0], sizes = [24, 1], strides = [1, 1]} : vector<32x1xf32> to vector<24x1xf32>
    %concatenate3A_983 = tpu.concatenate %broadcast_in_dim3A_981, %slice3A_982 in 0 : vector<8x1xf32>, vector<24x1xf32> -> vector<32x1xf32>
    %add3A_984 = arith.addf %add3A_979, %concatenate3A_983 : vector<32x1xf32>
    %broadcast_in_dim3A_985 = arith.constant 0.000000e+00 : f32
    %broadcast_in_dim3A_986 = vector.broadcast %broadcast_in_dim3A_985 : f32 to vector<16x1xf32>
    %slice3A_987 = vector.extract_strided_slice %add3A_984 {offsets = [0, 0], sizes = [16, 1], strides = [1, 1]} : vector<32x1xf32> to vector<16x1xf32>
    %concatenate3A_988 = tpu.concatenate %broadcast_in_dim3A_986, %slice3A_987 in 0 : vector<16x1xf32>, vector<16x1xf32> -> vector<32x1xf32>
    %add3A_989 = arith.addf %add3A_984, %concatenate3A_988 : vector<32x1xf32>
    %sub3A_990 = arith.subf %add3A_989, %slice3A_964 : vector<32x1xf32>
    %add3A_991 = vector.broadcast %sub3A_990 : vector<32x1xf32> to vector<32x64xf32>
    %add3A_992 = arith.addf %sub3A_963, %add3A_991 : vector<32x64xf32>
    %add3A_993 = arith.addf %slice3A_855, %broadcast_in_dim3A_923 : vector<1x1xf32>
    %add3A_994 = vector.broadcast %add3A_993 : vector<1x1xf32> to vector<32x64xf32>
    %add3A_995 = arith.addf %add3A_994, %add3A_992 : vector<32x64xf32>
    %mul3A_996 = arith.mulf %convert_element_type3A_932, %add3A_995 : vector<32x64xf32>
    %add3A_997 = arith.addf %add3A_854, %mul3A_996 : vector<32x64xf32>
    %slice3A_998 = vector.extract_strided_slice %sub3A {offsets = [0, 6], sizes = [1, 1], strides = [1, 1]} : vector<1x8xf32> to vector<1x1xf32>
    %eq3A_999 = arith.constant 6 : i32
    %eq3A_1000 = vector.broadcast %eq3A_999 : i32 to vector<32x64xi32>
    %eq3A_1001 = arith.cmpi eq, %get3A_1, %eq3A_1000 : vector<32x64xi32>
    %convert_element_type3A_1002 = arith.extui %eq3A_1001 : vector<32x64xi1> to vector<32x64xi32>
    %convert_element_type3A_1003 = arith.sitofp %convert_element_type3A_1002 : vector<32x64xi32> to vector<32x64xf32>
    %broadcast_in_dim3A_1004 = arith.constant 0.000000e+00 : f32
    %broadcast_in_dim3A_1005 = vector.broadcast %broadcast_in_dim3A_1004 : f32 to vector<32x1xf32>
    %slice3A_1006 = vector.extract_strided_slice %convert_element_type3A_1003 {offsets = [0, 0], sizes = [32, 63], strides = [1, 1]} : vector<32x64xf32> to vector<32x63xf32>
    %concatenate3A_1007 = tpu.concatenate %broadcast_in_dim3A_1005, %slice3A_1006 in 1 : vector<32x1xf32>, vector<32x63xf32> -> vector<32x64xf32>
    %add3A_1008 = arith.addf %convert_element_type3A_1003, %concatenate3A_1007 : vector<32x64xf32>
    %broadcast_in_dim3A_1009 = arith.constant 0.000000e+00 : f32
    %broadcast_in_dim3A_1010 = vector.broadcast %broadcast_in_dim3A_1009 : f32 to vector<32x2xf32>
    %slice3A_1011 = vector.extract_strided_slice %add3A_1008 {offsets = [0, 0], sizes = [32, 62], strides = [1, 1]} : vector<32x64xf32> to vector<32x62xf32>
    %concatenate3A_1012 = tpu.concatenate %broadcast_in_dim3A_1010, %slice3A_1011 in 1 : vector<32x2xf32>, vector<32x62xf32> -> vector<32x64xf32>
    %add3A_1013 = arith.addf %add3A_1008, %concatenate3A_1012 : vector<32x64xf32>
    %broadcast_in_dim3A_1014 = arith.constant 0.000000e+00 : f32
    %broadcast_in_dim3A_1015 = vector.broadcast %broadcast_in_dim3A_1014 : f32 to vector<32x4xf32>
    %slice3A_1016 = vector.extract_strided_slice %add3A_1013 {offsets = [0, 0], sizes = [32, 60], strides = [1, 1]} : vector<32x64xf32> to vector<32x60xf32>
    %concatenate3A_1017 = tpu.concatenate %broadcast_in_dim3A_1015, %slice3A_1016 in 1 : vector<32x4xf32>, vector<32x60xf32> -> vector<32x64xf32>
    %add3A_1018 = arith.addf %add3A_1013, %concatenate3A_1017 : vector<32x64xf32>
    %broadcast_in_dim3A_1019 = arith.constant 0.000000e+00 : f32
    %broadcast_in_dim3A_1020 = vector.broadcast %broadcast_in_dim3A_1019 : f32 to vector<32x8xf32>
    %slice3A_1021 = vector.extract_strided_slice %add3A_1018 {offsets = [0, 0], sizes = [32, 56], strides = [1, 1]} : vector<32x64xf32> to vector<32x56xf32>
    %concatenate3A_1022 = tpu.concatenate %broadcast_in_dim3A_1020, %slice3A_1021 in 1 : vector<32x8xf32>, vector<32x56xf32> -> vector<32x64xf32>
    %add3A_1023 = arith.addf %add3A_1018, %concatenate3A_1022 : vector<32x64xf32>
    %broadcast_in_dim3A_1024 = arith.constant 0.000000e+00 : f32
    %broadcast_in_dim3A_1025 = vector.broadcast %broadcast_in_dim3A_1024 : f32 to vector<32x16xf32>
    %slice3A_1026 = vector.extract_strided_slice %add3A_1023 {offsets = [0, 0], sizes = [32, 48], strides = [1, 1]} : vector<32x64xf32> to vector<32x48xf32>
    %concatenate3A_1027 = tpu.concatenate %broadcast_in_dim3A_1025, %slice3A_1026 in 1 : vector<32x16xf32>, vector<32x48xf32> -> vector<32x64xf32>
    %add3A_1028 = arith.addf %add3A_1023, %concatenate3A_1027 : vector<32x64xf32>
    %broadcast_in_dim3A_1029 = arith.constant 0.000000e+00 : f32
    %broadcast_in_dim3A_1030 = vector.broadcast %broadcast_in_dim3A_1029 : f32 to vector<32x32xf32>
    %slice3A_1031 = vector.extract_strided_slice %add3A_1028 {offsets = [0, 0], sizes = [32, 32], strides = [1, 1]} : vector<32x64xf32> to vector<32x32xf32>
    %concatenate3A_1032 = tpu.concatenate %broadcast_in_dim3A_1030, %slice3A_1031 in 1 : vector<32x32xf32>, vector<32x32xf32> -> vector<32x64xf32>
    %add3A_1033 = arith.addf %add3A_1028, %concatenate3A_1032 : vector<32x64xf32>
    %slice3A_1034 = vector.extract_strided_slice %add3A_1033 {offsets = [0, 63], sizes = [32, 1], strides = [1, 1]} : vector<32x64xf32> to vector<32x1xf32>
    %sub3A_1035 = arith.subf %add3A_1033, %convert_element_type3A_1003 : vector<32x64xf32>
    %broadcast_in_dim3A_1036 = arith.constant 0.000000e+00 : f32
    %broadcast_in_dim3A_1037 = vector.broadcast %broadcast_in_dim3A_1036 : f32 to vector<1x1xf32>
    %slice3A_1038 = vector.extract_strided_slice %slice3A_1034 {offsets = [0, 0], sizes = [31, 1], strides = [1, 1]} : vector<32x1xf32> to vector<31x1xf32>
    %concatenate3A_1039 = tpu.concatenate %broadcast_in_dim3A_1037, %slice3A_1038 in 0 : vector<1x1xf32>, vector<31x1xf32> -> vector<32x1xf32>
    %add3A_1040 = arith.addf %slice3A_1034, %concatenate3A_1039 : vector<32x1xf32>
    %broadcast_in_dim3A_1041 = arith.constant 0.000000e+00 : f32
    %broadcast_in_dim3A_1042 = vector.broadcast %broadcast_in_dim3A_1041 : f32 to vector<2x1xf32>
    %slice3A_1043 = vector.extract_strided_slice %add3A_1040 {offsets = [0, 0], sizes = [30, 1], strides = [1, 1]} : vector<32x1xf32> to vector<30x1xf32>
    %concatenate3A_1044 = tpu.concatenate %broadcast_in_dim3A_1042, %slice3A_1043 in 0 : vector<2x1xf32>, vector<30x1xf32> -> vector<32x1xf32>
    %add3A_1045 = arith.addf %add3A_1040, %concatenate3A_1044 : vector<32x1xf32>
    %broadcast_in_dim3A_1046 = arith.constant 0.000000e+00 : f32
    %broadcast_in_dim3A_1047 = vector.broadcast %broadcast_in_dim3A_1046 : f32 to vector<4x1xf32>
    %slice3A_1048 = vector.extract_strided_slice %add3A_1045 {offsets = [0, 0], sizes = [28, 1], strides = [1, 1]} : vector<32x1xf32> to vector<28x1xf32>
    %concatenate3A_1049 = tpu.concatenate %broadcast_in_dim3A_1047, %slice3A_1048 in 0 : vector<4x1xf32>, vector<28x1xf32> -> vector<32x1xf32>
    %add3A_1050 = arith.addf %add3A_1045, %concatenate3A_1049 : vector<32x1xf32>
    %broadcast_in_dim3A_1051 = arith.constant 0.000000e+00 : f32
    %broadcast_in_dim3A_1052 = vector.broadcast %broadcast_in_dim3A_1051 : f32 to vector<8x1xf32>
    %slice3A_1053 = vector.extract_strided_slice %add3A_1050 {offsets = [0, 0], sizes = [24, 1], strides = [1, 1]} : vector<32x1xf32> to vector<24x1xf32>
    %concatenate3A_1054 = tpu.concatenate %broadcast_in_dim3A_1052, %slice3A_1053 in 0 : vector<8x1xf32>, vector<24x1xf32> -> vector<32x1xf32>
    %add3A_1055 = arith.addf %add3A_1050, %concatenate3A_1054 : vector<32x1xf32>
    %broadcast_in_dim3A_1056 = arith.constant 0.000000e+00 : f32
    %broadcast_in_dim3A_1057 = vector.broadcast %broadcast_in_dim3A_1056 : f32 to vector<16x1xf32>
    %slice3A_1058 = vector.extract_strided_slice %add3A_1055 {offsets = [0, 0], sizes = [16, 1], strides = [1, 1]} : vector<32x1xf32> to vector<16x1xf32>
    %concatenate3A_1059 = tpu.concatenate %broadcast_in_dim3A_1057, %slice3A_1058 in 0 : vector<16x1xf32>, vector<16x1xf32> -> vector<32x1xf32>
    %add3A_1060 = arith.addf %add3A_1055, %concatenate3A_1059 : vector<32x1xf32>
    %sub3A_1061 = arith.subf %add3A_1060, %slice3A_1034 : vector<32x1xf32>
    %add3A_1062 = vector.broadcast %sub3A_1061 : vector<32x1xf32> to vector<32x64xf32>
    %add3A_1063 = arith.addf %sub3A_1035, %add3A_1062 : vector<32x64xf32>
    %reduce_sum3A_1064 = arith.constant dense<0.000000e+00> : vector<1xf32>
    %reduce_sum3A_1065 = vector.multi_reduction <add>, %slice3A_1034, %reduce_sum3A_1064 [0] : vector<32x1xf32> to vector<1xf32>
    %broadcast_in_dim3A_1066 = vector.shape_cast %reduce_sum3A_1065 : vector<1xf32> to vector<1x1xf32>
    %add3A_1067 = vector.broadcast %slice3A_998 : vector<1x1xf32> to vector<32x64xf32>
    %add3A_1068 = arith.addf %add3A_1067, %add3A_1063 : vector<32x64xf32>
    %mul3A_1069 = arith.mulf %convert_element_type3A_1003, %add3A_1068 : vector<32x64xf32>
    %add3A_1070 = arith.addf %add3A_927, %mul3A_1069 : vector<32x64xf32>
    %eq3A_1071 = arith.constant 6 : i32
    %eq3A_1072 = vector.broadcast %eq3A_1071 : i32 to vector<32x64xi32>
    %eq3A_1073 = arith.cmpi eq, %get3A_4, %eq3A_1072 : vector<32x64xi32>
    %convert_element_type3A_1074 = arith.extui %eq3A_1073 : vector<32x64xi1> to vector<32x64xi32>
    %convert_element_type3A_1075 = arith.sitofp %convert_element_type3A_1074 : vector<32x64xi32> to vector<32x64xf32>
    %broadcast_in_dim3A_1076 = arith.constant 0.000000e+00 : f32
    %broadcast_in_dim3A_1077 = vector.broadcast %broadcast_in_dim3A_1076 : f32 to vector<32x1xf32>
    %slice3A_1078 = vector.extract_strided_slice %convert_element_type3A_1075 {offsets = [0, 0], sizes = [32, 63], strides = [1, 1]} : vector<32x64xf32> to vector<32x63xf32>
    %concatenate3A_1079 = tpu.concatenate %broadcast_in_dim3A_1077, %slice3A_1078 in 1 : vector<32x1xf32>, vector<32x63xf32> -> vector<32x64xf32>
    %add3A_1080 = arith.addf %convert_element_type3A_1075, %concatenate3A_1079 : vector<32x64xf32>
    %broadcast_in_dim3A_1081 = arith.constant 0.000000e+00 : f32
    %broadcast_in_dim3A_1082 = vector.broadcast %broadcast_in_dim3A_1081 : f32 to vector<32x2xf32>
    %slice3A_1083 = vector.extract_strided_slice %add3A_1080 {offsets = [0, 0], sizes = [32, 62], strides = [1, 1]} : vector<32x64xf32> to vector<32x62xf32>
    %concatenate3A_1084 = tpu.concatenate %broadcast_in_dim3A_1082, %slice3A_1083 in 1 : vector<32x2xf32>, vector<32x62xf32> -> vector<32x64xf32>
    %add3A_1085 = arith.addf %add3A_1080, %concatenate3A_1084 : vector<32x64xf32>
    %broadcast_in_dim3A_1086 = arith.constant 0.000000e+00 : f32
    %broadcast_in_dim3A_1087 = vector.broadcast %broadcast_in_dim3A_1086 : f32 to vector<32x4xf32>
    %slice3A_1088 = vector.extract_strided_slice %add3A_1085 {offsets = [0, 0], sizes = [32, 60], strides = [1, 1]} : vector<32x64xf32> to vector<32x60xf32>
    %concatenate3A_1089 = tpu.concatenate %broadcast_in_dim3A_1087, %slice3A_1088 in 1 : vector<32x4xf32>, vector<32x60xf32> -> vector<32x64xf32>
    %add3A_1090 = arith.addf %add3A_1085, %concatenate3A_1089 : vector<32x64xf32>
    %broadcast_in_dim3A_1091 = arith.constant 0.000000e+00 : f32
    %broadcast_in_dim3A_1092 = vector.broadcast %broadcast_in_dim3A_1091 : f32 to vector<32x8xf32>
    %slice3A_1093 = vector.extract_strided_slice %add3A_1090 {offsets = [0, 0], sizes = [32, 56], strides = [1, 1]} : vector<32x64xf32> to vector<32x56xf32>
    %concatenate3A_1094 = tpu.concatenate %broadcast_in_dim3A_1092, %slice3A_1093 in 1 : vector<32x8xf32>, vector<32x56xf32> -> vector<32x64xf32>
    %add3A_1095 = arith.addf %add3A_1090, %concatenate3A_1094 : vector<32x64xf32>
    %broadcast_in_dim3A_1096 = arith.constant 0.000000e+00 : f32
    %broadcast_in_dim3A_1097 = vector.broadcast %broadcast_in_dim3A_1096 : f32 to vector<32x16xf32>
    %slice3A_1098 = vector.extract_strided_slice %add3A_1095 {offsets = [0, 0], sizes = [32, 48], strides = [1, 1]} : vector<32x64xf32> to vector<32x48xf32>
    %concatenate3A_1099 = tpu.concatenate %broadcast_in_dim3A_1097, %slice3A_1098 in 1 : vector<32x16xf32>, vector<32x48xf32> -> vector<32x64xf32>
    %add3A_1100 = arith.addf %add3A_1095, %concatenate3A_1099 : vector<32x64xf32>
    %broadcast_in_dim3A_1101 = arith.constant 0.000000e+00 : f32
    %broadcast_in_dim3A_1102 = vector.broadcast %broadcast_in_dim3A_1101 : f32 to vector<32x32xf32>
    %slice3A_1103 = vector.extract_strided_slice %add3A_1100 {offsets = [0, 0], sizes = [32, 32], strides = [1, 1]} : vector<32x64xf32> to vector<32x32xf32>
    %concatenate3A_1104 = tpu.concatenate %broadcast_in_dim3A_1102, %slice3A_1103 in 1 : vector<32x32xf32>, vector<32x32xf32> -> vector<32x64xf32>
    %add3A_1105 = arith.addf %add3A_1100, %concatenate3A_1104 : vector<32x64xf32>
    %sub3A_1106 = arith.subf %add3A_1105, %convert_element_type3A_1075 : vector<32x64xf32>
    %slice3A_1107 = vector.extract_strided_slice %add3A_1105 {offsets = [0, 63], sizes = [32, 1], strides = [1, 1]} : vector<32x64xf32> to vector<32x1xf32>
    %broadcast_in_dim3A_1108 = arith.constant 0.000000e+00 : f32
    %broadcast_in_dim3A_1109 = vector.broadcast %broadcast_in_dim3A_1108 : f32 to vector<1x1xf32>
    %slice3A_1110 = vector.extract_strided_slice %slice3A_1107 {offsets = [0, 0], sizes = [31, 1], strides = [1, 1]} : vector<32x1xf32> to vector<31x1xf32>
    %concatenate3A_1111 = tpu.concatenate %broadcast_in_dim3A_1109, %slice3A_1110 in 0 : vector<1x1xf32>, vector<31x1xf32> -> vector<32x1xf32>
    %add3A_1112 = arith.addf %slice3A_1107, %concatenate3A_1111 : vector<32x1xf32>
    %broadcast_in_dim3A_1113 = arith.constant 0.000000e+00 : f32
    %broadcast_in_dim3A_1114 = vector.broadcast %broadcast_in_dim3A_1113 : f32 to vector<2x1xf32>
    %slice3A_1115 = vector.extract_strided_slice %add3A_1112 {offsets = [0, 0], sizes = [30, 1], strides = [1, 1]} : vector<32x1xf32> to vector<30x1xf32>
    %concatenate3A_1116 = tpu.concatenate %broadcast_in_dim3A_1114, %slice3A_1115 in 0 : vector<2x1xf32>, vector<30x1xf32> -> vector<32x1xf32>
    %add3A_1117 = arith.addf %add3A_1112, %concatenate3A_1116 : vector<32x1xf32>
    %broadcast_in_dim3A_1118 = arith.constant 0.000000e+00 : f32
    %broadcast_in_dim3A_1119 = vector.broadcast %broadcast_in_dim3A_1118 : f32 to vector<4x1xf32>
    %slice3A_1120 = vector.extract_strided_slice %add3A_1117 {offsets = [0, 0], sizes = [28, 1], strides = [1, 1]} : vector<32x1xf32> to vector<28x1xf32>
    %concatenate3A_1121 = tpu.concatenate %broadcast_in_dim3A_1119, %slice3A_1120 in 0 : vector<4x1xf32>, vector<28x1xf32> -> vector<32x1xf32>
    %add3A_1122 = arith.addf %add3A_1117, %concatenate3A_1121 : vector<32x1xf32>
    %broadcast_in_dim3A_1123 = arith.constant 0.000000e+00 : f32
    %broadcast_in_dim3A_1124 = vector.broadcast %broadcast_in_dim3A_1123 : f32 to vector<8x1xf32>
    %slice3A_1125 = vector.extract_strided_slice %add3A_1122 {offsets = [0, 0], sizes = [24, 1], strides = [1, 1]} : vector<32x1xf32> to vector<24x1xf32>
    %concatenate3A_1126 = tpu.concatenate %broadcast_in_dim3A_1124, %slice3A_1125 in 0 : vector<8x1xf32>, vector<24x1xf32> -> vector<32x1xf32>
    %add3A_1127 = arith.addf %add3A_1122, %concatenate3A_1126 : vector<32x1xf32>
    %broadcast_in_dim3A_1128 = arith.constant 0.000000e+00 : f32
    %broadcast_in_dim3A_1129 = vector.broadcast %broadcast_in_dim3A_1128 : f32 to vector<16x1xf32>
    %slice3A_1130 = vector.extract_strided_slice %add3A_1127 {offsets = [0, 0], sizes = [16, 1], strides = [1, 1]} : vector<32x1xf32> to vector<16x1xf32>
    %concatenate3A_1131 = tpu.concatenate %broadcast_in_dim3A_1129, %slice3A_1130 in 0 : vector<16x1xf32>, vector<16x1xf32> -> vector<32x1xf32>
    %add3A_1132 = arith.addf %add3A_1127, %concatenate3A_1131 : vector<32x1xf32>
    %sub3A_1133 = arith.subf %add3A_1132, %slice3A_1107 : vector<32x1xf32>
    %add3A_1134 = vector.broadcast %sub3A_1133 : vector<32x1xf32> to vector<32x64xf32>
    %add3A_1135 = arith.addf %sub3A_1106, %add3A_1134 : vector<32x64xf32>
    %add3A_1136 = arith.addf %slice3A_998, %broadcast_in_dim3A_1066 : vector<1x1xf32>
    %add3A_1137 = vector.broadcast %add3A_1136 : vector<1x1xf32> to vector<32x64xf32>
    %add3A_1138 = arith.addf %add3A_1137, %add3A_1135 : vector<32x64xf32>
    %mul3A_1139 = arith.mulf %convert_element_type3A_1075, %add3A_1138 : vector<32x64xf32>
    %add3A_1140 = arith.addf %add3A_997, %mul3A_1139 : vector<32x64xf32>
    %slice3A_1141 = vector.extract_strided_slice %sub3A {offsets = [0, 7], sizes = [1, 1], strides = [1, 1]} : vector<1x8xf32> to vector<1x1xf32>
    %eq3A_1142 = arith.constant 7 : i32
    %eq3A_1143 = vector.broadcast %eq3A_1142 : i32 to vector<32x64xi32>
    %eq3A_1144 = arith.cmpi eq, %get3A_1, %eq3A_1143 : vector<32x64xi32>
    %convert_element_type3A_1145 = arith.extui %eq3A_1144 : vector<32x64xi1> to vector<32x64xi32>
    %convert_element_type3A_1146 = arith.sitofp %convert_element_type3A_1145 : vector<32x64xi32> to vector<32x64xf32>
    %broadcast_in_dim3A_1147 = arith.constant 0.000000e+00 : f32
    %broadcast_in_dim3A_1148 = vector.broadcast %broadcast_in_dim3A_1147 : f32 to vector<32x1xf32>
    %slice3A_1149 = vector.extract_strided_slice %convert_element_type3A_1146 {offsets = [0, 0], sizes = [32, 63], strides = [1, 1]} : vector<32x64xf32> to vector<32x63xf32>
    %concatenate3A_1150 = tpu.concatenate %broadcast_in_dim3A_1148, %slice3A_1149 in 1 : vector<32x1xf32>, vector<32x63xf32> -> vector<32x64xf32>
    %add3A_1151 = arith.addf %convert_element_type3A_1146, %concatenate3A_1150 : vector<32x64xf32>
    %broadcast_in_dim3A_1152 = arith.constant 0.000000e+00 : f32
    %broadcast_in_dim3A_1153 = vector.broadcast %broadcast_in_dim3A_1152 : f32 to vector<32x2xf32>
    %slice3A_1154 = vector.extract_strided_slice %add3A_1151 {offsets = [0, 0], sizes = [32, 62], strides = [1, 1]} : vector<32x64xf32> to vector<32x62xf32>
    %concatenate3A_1155 = tpu.concatenate %broadcast_in_dim3A_1153, %slice3A_1154 in 1 : vector<32x2xf32>, vector<32x62xf32> -> vector<32x64xf32>
    %add3A_1156 = arith.addf %add3A_1151, %concatenate3A_1155 : vector<32x64xf32>
    %broadcast_in_dim3A_1157 = arith.constant 0.000000e+00 : f32
    %broadcast_in_dim3A_1158 = vector.broadcast %broadcast_in_dim3A_1157 : f32 to vector<32x4xf32>
    %slice3A_1159 = vector.extract_strided_slice %add3A_1156 {offsets = [0, 0], sizes = [32, 60], strides = [1, 1]} : vector<32x64xf32> to vector<32x60xf32>
    %concatenate3A_1160 = tpu.concatenate %broadcast_in_dim3A_1158, %slice3A_1159 in 1 : vector<32x4xf32>, vector<32x60xf32> -> vector<32x64xf32>
    %add3A_1161 = arith.addf %add3A_1156, %concatenate3A_1160 : vector<32x64xf32>
    %broadcast_in_dim3A_1162 = arith.constant 0.000000e+00 : f32
    %broadcast_in_dim3A_1163 = vector.broadcast %broadcast_in_dim3A_1162 : f32 to vector<32x8xf32>
    %slice3A_1164 = vector.extract_strided_slice %add3A_1161 {offsets = [0, 0], sizes = [32, 56], strides = [1, 1]} : vector<32x64xf32> to vector<32x56xf32>
    %concatenate3A_1165 = tpu.concatenate %broadcast_in_dim3A_1163, %slice3A_1164 in 1 : vector<32x8xf32>, vector<32x56xf32> -> vector<32x64xf32>
    %add3A_1166 = arith.addf %add3A_1161, %concatenate3A_1165 : vector<32x64xf32>
    %broadcast_in_dim3A_1167 = arith.constant 0.000000e+00 : f32
    %broadcast_in_dim3A_1168 = vector.broadcast %broadcast_in_dim3A_1167 : f32 to vector<32x16xf32>
    %slice3A_1169 = vector.extract_strided_slice %add3A_1166 {offsets = [0, 0], sizes = [32, 48], strides = [1, 1]} : vector<32x64xf32> to vector<32x48xf32>
    %concatenate3A_1170 = tpu.concatenate %broadcast_in_dim3A_1168, %slice3A_1169 in 1 : vector<32x16xf32>, vector<32x48xf32> -> vector<32x64xf32>
    %add3A_1171 = arith.addf %add3A_1166, %concatenate3A_1170 : vector<32x64xf32>
    %broadcast_in_dim3A_1172 = arith.constant 0.000000e+00 : f32
    %broadcast_in_dim3A_1173 = vector.broadcast %broadcast_in_dim3A_1172 : f32 to vector<32x32xf32>
    %slice3A_1174 = vector.extract_strided_slice %add3A_1171 {offsets = [0, 0], sizes = [32, 32], strides = [1, 1]} : vector<32x64xf32> to vector<32x32xf32>
    %concatenate3A_1175 = tpu.concatenate %broadcast_in_dim3A_1173, %slice3A_1174 in 1 : vector<32x32xf32>, vector<32x32xf32> -> vector<32x64xf32>
    %add3A_1176 = arith.addf %add3A_1171, %concatenate3A_1175 : vector<32x64xf32>
    %slice3A_1177 = vector.extract_strided_slice %add3A_1176 {offsets = [0, 63], sizes = [32, 1], strides = [1, 1]} : vector<32x64xf32> to vector<32x1xf32>
    %sub3A_1178 = arith.subf %add3A_1176, %convert_element_type3A_1146 : vector<32x64xf32>
    %broadcast_in_dim3A_1179 = arith.constant 0.000000e+00 : f32
    %broadcast_in_dim3A_1180 = vector.broadcast %broadcast_in_dim3A_1179 : f32 to vector<1x1xf32>
    %slice3A_1181 = vector.extract_strided_slice %slice3A_1177 {offsets = [0, 0], sizes = [31, 1], strides = [1, 1]} : vector<32x1xf32> to vector<31x1xf32>
    %concatenate3A_1182 = tpu.concatenate %broadcast_in_dim3A_1180, %slice3A_1181 in 0 : vector<1x1xf32>, vector<31x1xf32> -> vector<32x1xf32>
    %add3A_1183 = arith.addf %slice3A_1177, %concatenate3A_1182 : vector<32x1xf32>
    %broadcast_in_dim3A_1184 = arith.constant 0.000000e+00 : f32
    %broadcast_in_dim3A_1185 = vector.broadcast %broadcast_in_dim3A_1184 : f32 to vector<2x1xf32>
    %slice3A_1186 = vector.extract_strided_slice %add3A_1183 {offsets = [0, 0], sizes = [30, 1], strides = [1, 1]} : vector<32x1xf32> to vector<30x1xf32>
    %concatenate3A_1187 = tpu.concatenate %broadcast_in_dim3A_1185, %slice3A_1186 in 0 : vector<2x1xf32>, vector<30x1xf32> -> vector<32x1xf32>
    %add3A_1188 = arith.addf %add3A_1183, %concatenate3A_1187 : vector<32x1xf32>
    %broadcast_in_dim3A_1189 = arith.constant 0.000000e+00 : f32
    %broadcast_in_dim3A_1190 = vector.broadcast %broadcast_in_dim3A_1189 : f32 to vector<4x1xf32>
    %slice3A_1191 = vector.extract_strided_slice %add3A_1188 {offsets = [0, 0], sizes = [28, 1], strides = [1, 1]} : vector<32x1xf32> to vector<28x1xf32>
    %concatenate3A_1192 = tpu.concatenate %broadcast_in_dim3A_1190, %slice3A_1191 in 0 : vector<4x1xf32>, vector<28x1xf32> -> vector<32x1xf32>
    %add3A_1193 = arith.addf %add3A_1188, %concatenate3A_1192 : vector<32x1xf32>
    %broadcast_in_dim3A_1194 = arith.constant 0.000000e+00 : f32
    %broadcast_in_dim3A_1195 = vector.broadcast %broadcast_in_dim3A_1194 : f32 to vector<8x1xf32>
    %slice3A_1196 = vector.extract_strided_slice %add3A_1193 {offsets = [0, 0], sizes = [24, 1], strides = [1, 1]} : vector<32x1xf32> to vector<24x1xf32>
    %concatenate3A_1197 = tpu.concatenate %broadcast_in_dim3A_1195, %slice3A_1196 in 0 : vector<8x1xf32>, vector<24x1xf32> -> vector<32x1xf32>
    %add3A_1198 = arith.addf %add3A_1193, %concatenate3A_1197 : vector<32x1xf32>
    %broadcast_in_dim3A_1199 = arith.constant 0.000000e+00 : f32
    %broadcast_in_dim3A_1200 = vector.broadcast %broadcast_in_dim3A_1199 : f32 to vector<16x1xf32>
    %slice3A_1201 = vector.extract_strided_slice %add3A_1198 {offsets = [0, 0], sizes = [16, 1], strides = [1, 1]} : vector<32x1xf32> to vector<16x1xf32>
    %concatenate3A_1202 = tpu.concatenate %broadcast_in_dim3A_1200, %slice3A_1201 in 0 : vector<16x1xf32>, vector<16x1xf32> -> vector<32x1xf32>
    %add3A_1203 = arith.addf %add3A_1198, %concatenate3A_1202 : vector<32x1xf32>
    %sub3A_1204 = arith.subf %add3A_1203, %slice3A_1177 : vector<32x1xf32>
    %add3A_1205 = vector.broadcast %sub3A_1204 : vector<32x1xf32> to vector<32x64xf32>
    %add3A_1206 = arith.addf %sub3A_1178, %add3A_1205 : vector<32x64xf32>
    %reduce_sum3A_1207 = arith.constant dense<0.000000e+00> : vector<1xf32>
    %reduce_sum3A_1208 = vector.multi_reduction <add>, %slice3A_1177, %reduce_sum3A_1207 [0] : vector<32x1xf32> to vector<1xf32>
    %broadcast_in_dim3A_1209 = vector.shape_cast %reduce_sum3A_1208 : vector<1xf32> to vector<1x1xf32>
    %add3A_1210 = vector.broadcast %slice3A_1141 : vector<1x1xf32> to vector<32x64xf32>
    %add3A_1211 = arith.addf %add3A_1210, %add3A_1206 : vector<32x64xf32>
    %mul3A_1212 = arith.mulf %convert_element_type3A_1146, %add3A_1211 : vector<32x64xf32>
    %add3A_1213 = arith.addf %add3A_1070, %mul3A_1212 : vector<32x64xf32>
    %eq3A_1214 = arith.constant 7 : i32
    %eq3A_1215 = vector.broadcast %eq3A_1214 : i32 to vector<32x64xi32>
    %eq3A_1216 = arith.cmpi eq, %get3A_4, %eq3A_1215 : vector<32x64xi32>
    %convert_element_type3A_1217 = arith.extui %eq3A_1216 : vector<32x64xi1> to vector<32x64xi32>
    %convert_element_type3A_1218 = arith.sitofp %convert_element_type3A_1217 : vector<32x64xi32> to vector<32x64xf32>
    %broadcast_in_dim3A_1219 = arith.constant 0.000000e+00 : f32
    %broadcast_in_dim3A_1220 = vector.broadcast %broadcast_in_dim3A_1219 : f32 to vector<32x1xf32>
    %slice3A_1221 = vector.extract_strided_slice %convert_element_type3A_1218 {offsets = [0, 0], sizes = [32, 63], strides = [1, 1]} : vector<32x64xf32> to vector<32x63xf32>
    %concatenate3A_1222 = tpu.concatenate %broadcast_in_dim3A_1220, %slice3A_1221 in 1 : vector<32x1xf32>, vector<32x63xf32> -> vector<32x64xf32>
    %add3A_1223 = arith.addf %convert_element_type3A_1218, %concatenate3A_1222 : vector<32x64xf32>
    %broadcast_in_dim3A_1224 = arith.constant 0.000000e+00 : f32
    %broadcast_in_dim3A_1225 = vector.broadcast %broadcast_in_dim3A_1224 : f32 to vector<32x2xf32>
    %slice3A_1226 = vector.extract_strided_slice %add3A_1223 {offsets = [0, 0], sizes = [32, 62], strides = [1, 1]} : vector<32x64xf32> to vector<32x62xf32>
    %concatenate3A_1227 = tpu.concatenate %broadcast_in_dim3A_1225, %slice3A_1226 in 1 : vector<32x2xf32>, vector<32x62xf32> -> vector<32x64xf32>
    %add3A_1228 = arith.addf %add3A_1223, %concatenate3A_1227 : vector<32x64xf32>
    %broadcast_in_dim3A_1229 = arith.constant 0.000000e+00 : f32
    %broadcast_in_dim3A_1230 = vector.broadcast %broadcast_in_dim3A_1229 : f32 to vector<32x4xf32>
    %slice3A_1231 = vector.extract_strided_slice %add3A_1228 {offsets = [0, 0], sizes = [32, 60], strides = [1, 1]} : vector<32x64xf32> to vector<32x60xf32>
    %concatenate3A_1232 = tpu.concatenate %broadcast_in_dim3A_1230, %slice3A_1231 in 1 : vector<32x4xf32>, vector<32x60xf32> -> vector<32x64xf32>
    %add3A_1233 = arith.addf %add3A_1228, %concatenate3A_1232 : vector<32x64xf32>
    %broadcast_in_dim3A_1234 = arith.constant 0.000000e+00 : f32
    %broadcast_in_dim3A_1235 = vector.broadcast %broadcast_in_dim3A_1234 : f32 to vector<32x8xf32>
    %slice3A_1236 = vector.extract_strided_slice %add3A_1233 {offsets = [0, 0], sizes = [32, 56], strides = [1, 1]} : vector<32x64xf32> to vector<32x56xf32>
    %concatenate3A_1237 = tpu.concatenate %broadcast_in_dim3A_1235, %slice3A_1236 in 1 : vector<32x8xf32>, vector<32x56xf32> -> vector<32x64xf32>
    %add3A_1238 = arith.addf %add3A_1233, %concatenate3A_1237 : vector<32x64xf32>
    %broadcast_in_dim3A_1239 = arith.constant 0.000000e+00 : f32
    %broadcast_in_dim3A_1240 = vector.broadcast %broadcast_in_dim3A_1239 : f32 to vector<32x16xf32>
    %slice3A_1241 = vector.extract_strided_slice %add3A_1238 {offsets = [0, 0], sizes = [32, 48], strides = [1, 1]} : vector<32x64xf32> to vector<32x48xf32>
    %concatenate3A_1242 = tpu.concatenate %broadcast_in_dim3A_1240, %slice3A_1241 in 1 : vector<32x16xf32>, vector<32x48xf32> -> vector<32x64xf32>
    %add3A_1243 = arith.addf %add3A_1238, %concatenate3A_1242 : vector<32x64xf32>
    %broadcast_in_dim3A_1244 = arith.constant 0.000000e+00 : f32
    %broadcast_in_dim3A_1245 = vector.broadcast %broadcast_in_dim3A_1244 : f32 to vector<32x32xf32>
    %slice3A_1246 = vector.extract_strided_slice %add3A_1243 {offsets = [0, 0], sizes = [32, 32], strides = [1, 1]} : vector<32x64xf32> to vector<32x32xf32>
    %concatenate3A_1247 = tpu.concatenate %broadcast_in_dim3A_1245, %slice3A_1246 in 1 : vector<32x32xf32>, vector<32x32xf32> -> vector<32x64xf32>
    %add3A_1248 = arith.addf %add3A_1243, %concatenate3A_1247 : vector<32x64xf32>
    %sub3A_1249 = arith.subf %add3A_1248, %convert_element_type3A_1218 : vector<32x64xf32>
    %slice3A_1250 = vector.extract_strided_slice %add3A_1248 {offsets = [0, 63], sizes = [32, 1], strides = [1, 1]} : vector<32x64xf32> to vector<32x1xf32>
    %broadcast_in_dim3A_1251 = arith.constant 0.000000e+00 : f32
    %broadcast_in_dim3A_1252 = vector.broadcast %broadcast_in_dim3A_1251 : f32 to vector<1x1xf32>
    %slice3A_1253 = vector.extract_strided_slice %slice3A_1250 {offsets = [0, 0], sizes = [31, 1], strides = [1, 1]} : vector<32x1xf32> to vector<31x1xf32>
    %concatenate3A_1254 = tpu.concatenate %broadcast_in_dim3A_1252, %slice3A_1253 in 0 : vector<1x1xf32>, vector<31x1xf32> -> vector<32x1xf32>
    %add3A_1255 = arith.addf %slice3A_1250, %concatenate3A_1254 : vector<32x1xf32>
    %broadcast_in_dim3A_1256 = arith.constant 0.000000e+00 : f32
    %broadcast_in_dim3A_1257 = vector.broadcast %broadcast_in_dim3A_1256 : f32 to vector<2x1xf32>
    %slice3A_1258 = vector.extract_strided_slice %add3A_1255 {offsets = [0, 0], sizes = [30, 1], strides = [1, 1]} : vector<32x1xf32> to vector<30x1xf32>
    %concatenate3A_1259 = tpu.concatenate %broadcast_in_dim3A_1257, %slice3A_1258 in 0 : vector<2x1xf32>, vector<30x1xf32> -> vector<32x1xf32>
    %add3A_1260 = arith.addf %add3A_1255, %concatenate3A_1259 : vector<32x1xf32>
    %broadcast_in_dim3A_1261 = arith.constant 0.000000e+00 : f32
    %broadcast_in_dim3A_1262 = vector.broadcast %broadcast_in_dim3A_1261 : f32 to vector<4x1xf32>
    %slice3A_1263 = vector.extract_strided_slice %add3A_1260 {offsets = [0, 0], sizes = [28, 1], strides = [1, 1]} : vector<32x1xf32> to vector<28x1xf32>
    %concatenate3A_1264 = tpu.concatenate %broadcast_in_dim3A_1262, %slice3A_1263 in 0 : vector<4x1xf32>, vector<28x1xf32> -> vector<32x1xf32>
    %add3A_1265 = arith.addf %add3A_1260, %concatenate3A_1264 : vector<32x1xf32>
    %broadcast_in_dim3A_1266 = arith.constant 0.000000e+00 : f32
    %broadcast_in_dim3A_1267 = vector.broadcast %broadcast_in_dim3A_1266 : f32 to vector<8x1xf32>
    %slice3A_1268 = vector.extract_strided_slice %add3A_1265 {offsets = [0, 0], sizes = [24, 1], strides = [1, 1]} : vector<32x1xf32> to vector<24x1xf32>
    %concatenate3A_1269 = tpu.concatenate %broadcast_in_dim3A_1267, %slice3A_1268 in 0 : vector<8x1xf32>, vector<24x1xf32> -> vector<32x1xf32>
    %add3A_1270 = arith.addf %add3A_1265, %concatenate3A_1269 : vector<32x1xf32>
    %broadcast_in_dim3A_1271 = arith.constant 0.000000e+00 : f32
    %broadcast_in_dim3A_1272 = vector.broadcast %broadcast_in_dim3A_1271 : f32 to vector<16x1xf32>
    %slice3A_1273 = vector.extract_strided_slice %add3A_1270 {offsets = [0, 0], sizes = [16, 1], strides = [1, 1]} : vector<32x1xf32> to vector<16x1xf32>
    %concatenate3A_1274 = tpu.concatenate %broadcast_in_dim3A_1272, %slice3A_1273 in 0 : vector<16x1xf32>, vector<16x1xf32> -> vector<32x1xf32>
    %add3A_1275 = arith.addf %add3A_1270, %concatenate3A_1274 : vector<32x1xf32>
    %sub3A_1276 = arith.subf %add3A_1275, %slice3A_1250 : vector<32x1xf32>
    %add3A_1277 = vector.broadcast %sub3A_1276 : vector<32x1xf32> to vector<32x64xf32>
    %add3A_1278 = arith.addf %sub3A_1249, %add3A_1277 : vector<32x64xf32>
    %add3A_1279 = arith.addf %slice3A_1141, %broadcast_in_dim3A_1209 : vector<1x1xf32>
    %add3A_1280 = vector.broadcast %add3A_1279 : vector<1x1xf32> to vector<32x64xf32>
    %add3A_1281 = arith.addf %add3A_1280, %add3A_1278 : vector<32x64xf32>
    %mul3A_1282 = arith.mulf %convert_element_type3A_1218, %add3A_1281 : vector<32x64xf32>
    %add3A_1283 = arith.addf %add3A_1140, %mul3A_1282 : vector<32x64xf32>
    %convert_element_type3A_1284 = arith.fptosi %add3A_1213 : vector<32x64xf32> to vector<32x64xi32>
    %swap3A = arith.constant 0 : index
    %swap3A_1285 = arith.constant 0 : index
    %swap3A_1286 = vector.load %arg3[%swap3A, %swap3A_1285] : memref<32x64xi32, #tpu.memory_space<vmem>>, vector<32x64xi32>
    tpu.vector_store %arg3[%swap3A, %swap3A_1285], %convert_element_type3A_1284 {strides = array<i32>} : memref<32x64xi32, #tpu.memory_space<vmem>>, vector<32x64xi32>,
    %convert_element_type3A_1287 = arith.fptosi %add3A_1283 : vector<32x64xf32> to vector<32x64xi32>
    %swap3A_1288 = arith.constant 0 : index
    %swap3A_1289 = arith.constant 0 : index
    %swap3A_1290 = vector.load %arg4[%swap3A_1288, %swap3A_1289] : memref<32x64xi32, #tpu.memory_space<vmem>>, vector<32x64xi32>
    tpu.vector_store %arg4[%swap3A_1288, %swap3A_1289], %convert_element_type3A_1287 {strides = array<i32>} : memref<32x64xi32, #tpu.memory_space<vmem>>, vector<32x64xi32>,
    %broadcast_in_dim3A_1291 = arith.constant 0.000000e+00 : f32
    %broadcast_in_dim3A_1292 = vector.broadcast %broadcast_in_dim3A_1291 : f32 to vector<1x1xf32>
    %slice3A_1293 = vector.extract_strided_slice %floor3A {offsets = [0, 0], sizes = [1, 7], strides = [1, 1]} : vector<1x8xf32> to vector<1x7xf32>
    %concatenate3A_1294 = tpu.concatenate %broadcast_in_dim3A_1292, %slice3A_1293 in 1 : vector<1x1xf32>, vector<1x7xf32> -> vector<1x8xf32>
    %add3A_1295 = arith.addf %floor3A, %concatenate3A_1294 : vector<1x8xf32>
    %broadcast_in_dim3A_1296 = arith.constant 0.000000e+00 : f32
    %broadcast_in_dim3A_1297 = vector.broadcast %broadcast_in_dim3A_1296 : f32 to vector<1x2xf32>
    %slice3A_1298 = vector.extract_strided_slice %add3A_1295 {offsets = [0, 0], sizes = [1, 6], strides = [1, 1]} : vector<1x8xf32> to vector<1x6xf32>
    %concatenate3A_1299 = tpu.concatenate %broadcast_in_dim3A_1297, %slice3A_1298 in 1 : vector<1x2xf32>, vector<1x6xf32> -> vector<1x8xf32>
    %add3A_1300 = arith.addf %add3A_1295, %concatenate3A_1299 : vector<1x8xf32>
    %broadcast_in_dim3A_1301 = arith.constant 0.000000e+00 : f32
    %broadcast_in_dim3A_1302 = vector.broadcast %broadcast_in_dim3A_1301 : f32 to vector<1x4xf32>
    %slice3A_1303 = vector.extract_strided_slice %add3A_1300 {offsets = [0, 0], sizes = [1, 4], strides = [1, 1]} : vector<1x8xf32> to vector<1x4xf32>
    %concatenate3A_1304 = tpu.concatenate %broadcast_in_dim3A_1302, %slice3A_1303 in 1 : vector<1x4xf32>, vector<1x4xf32> -> vector<1x8xf32>
    %add3A_1305 = arith.addf %add3A_1300, %concatenate3A_1304 : vector<1x8xf32>
    %sub3A_1306 = arith.subf %add3A_1305, %floor3A : vector<1x8xf32>
    %add3A_1307 = arith.addf %sub3A_1306, %floor3A : vector<1x8xf32>
    %sub3A_1308 = arith.subf %add3A_1307, %floor3A : vector<1x8xf32>
    %iota3A = tpu.iota {dimensions = array<i32: 1>} : vector<1x24xi32>
    %convert_element_type3A_1309 = arith.sitofp %iota3A : vector<1x24xi32> to vector<1x24xf32>
    %broadcast_in_dim3A_1310 = arith.constant 0.000000e+00 : f32
    %broadcast_in_dim3A_1311 = vector.broadcast %broadcast_in_dim3A_1310 : f32 to vector<1x24xf32>
    %broadcast_in_dim3A_1312 = arith.constant 0.000000e+00 : f32
    %broadcast_in_dim3A_1313 = vector.broadcast %broadcast_in_dim3A_1312 : f32 to vector<1x24xf32>
    %slice3A_1314 = vector.extract_strided_slice %add3A_1307 {offsets = [0, 0], sizes = [1, 1], strides = [1, 1]} : vector<1x8xf32> to vector<1x1xf32>
    %ge3A = vector.broadcast %slice3A_1314 : vector<1x1xf32> to vector<1x24xf32>
    %ge3A_1315 = arith.cmpf oge, %convert_element_type3A_1309, %ge3A : vector<1x24xf32>
    %convert_element_type3A_1316 = arith.extui %ge3A_1315 : vector<1x24xi1> to vector<1x24xi32>
    %convert_element_type3A_1317 = arith.sitofp %convert_element_type3A_1316 : vector<1x24xi32> to vector<1x24xf32>
    %add3A_1318 = arith.addf %broadcast_in_dim3A_1311, %convert_element_type3A_1317 : vector<1x24xf32>
    %slice3A_1319 = vector.extract_strided_slice %sub3A_1308 {offsets = [0, 0], sizes = [1, 1], strides = [1, 1]} : vector<1x8xf32> to vector<1x1xf32>
    %ge3A_1320 = vector.broadcast %slice3A_1319 : vector<1x1xf32> to vector<1x24xf32>
    %ge3A_1321 = arith.cmpf oge, %convert_element_type3A_1309, %ge3A_1320 : vector<1x24xf32>
    %lt3A = vector.broadcast %slice3A_1314 : vector<1x1xf32> to vector<1x24xf32>
    %lt3A_1322 = arith.cmpf olt, %convert_element_type3A_1309, %lt3A : vector<1x24xf32>
    %and3A = arith.andi %ge3A_1321, %lt3A_1322 : vector<1x24xi1>
    %slice3A_1323 = vector.extract_strided_slice %sub3A {offsets = [0, 0], sizes = [1, 1], strides = [1, 1]} : vector<1x8xf32> to vector<1x1xf32>
    %div3A_1324 = arith.constant 2.560000e+02 : f32
    %div3A_1325 = vector.broadcast %div3A_1324 : f32 to vector<1x1xf32>
    %div3A_1326 = arith.divf %slice3A_1323, %div3A_1325 : vector<1x1xf32>
    %add3A_1327 = vector.broadcast %div3A_1326 : vector<1x1xf32> to vector<1x24xf32>
    %add3A_1328 = arith.addf %add3A_1327, %convert_element_type3A_1309 : vector<1x24xf32>
    %slice3A_1329 = vector.extract_strided_slice %sub3A_1308 {offsets = [0, 0], sizes = [1, 1], strides = [1, 1]} : vector<1x8xf32> to vector<1x1xf32>
    %sub3A_1330 = vector.broadcast %slice3A_1329 : vector<1x1xf32> to vector<1x24xf32>
    %sub3A_1331 = arith.subf %add3A_1328, %sub3A_1330 : vector<1x24xf32>
    %jit3A = arith.constant 0.000000e+00 : f32
    %broadcast_in_dim3A_1332 = vector.broadcast %jit3A : f32 to vector<1x24xf32>
    %select_n3A = arith.select %and3A, %sub3A_1331, %broadcast_in_dim3A_1332 : vector<1x24xi1>, vector<1x24xf32>
    %add3A_1333 = arith.addf %broadcast_in_dim3A_1313, %select_n3A : vector<1x24xf32>
    %slice3A_1334 = vector.extract_strided_slice %add3A_1307 {offsets = [0, 1], sizes = [1, 1], strides = [1, 1]} : vector<1x8xf32> to vector<1x1xf32>
    %ge3A_1335 = vector.broadcast %slice3A_1334 : vector<1x1xf32> to vector<1x24xf32>
    %ge3A_1336 = arith.cmpf oge, %convert_element_type3A_1309, %ge3A_1335 : vector<1x24xf32>
    %convert_element_type3A_1337 = arith.extui %ge3A_1336 : vector<1x24xi1> to vector<1x24xi32>
    %convert_element_type3A_1338 = arith.sitofp %convert_element_type3A_1337 : vector<1x24xi32> to vector<1x24xf32>
    %add3A_1339 = arith.addf %add3A_1318, %convert_element_type3A_1338 : vector<1x24xf32>
    %slice3A_1340 = vector.extract_strided_slice %sub3A_1308 {offsets = [0, 1], sizes = [1, 1], strides = [1, 1]} : vector<1x8xf32> to vector<1x1xf32>
    %ge3A_1341 = vector.broadcast %slice3A_1340 : vector<1x1xf32> to vector<1x24xf32>
    %ge3A_1342 = arith.cmpf oge, %convert_element_type3A_1309, %ge3A_1341 : vector<1x24xf32>
    %lt3A_1343 = vector.broadcast %slice3A_1334 : vector<1x1xf32> to vector<1x24xf32>
    %lt3A_1344 = arith.cmpf olt, %convert_element_type3A_1309, %lt3A_1343 : vector<1x24xf32>
    %and3A_1345 = arith.andi %ge3A_1342, %lt3A_1344 : vector<1x24xi1>
    %slice3A_1346 = vector.extract_strided_slice %sub3A {offsets = [0, 1], sizes = [1, 1], strides = [1, 1]} : vector<1x8xf32> to vector<1x1xf32>
    %div3A_1347 = arith.constant 2.560000e+02 : f32
    %div3A_1348 = vector.broadcast %div3A_1347 : f32 to vector<1x1xf32>
    %div3A_1349 = arith.divf %slice3A_1346, %div3A_1348 : vector<1x1xf32>
    %add3A_1350 = vector.broadcast %div3A_1349 : vector<1x1xf32> to vector<1x24xf32>
    %add3A_1351 = arith.addf %add3A_1350, %convert_element_type3A_1309 : vector<1x24xf32>
    %slice3A_1352 = vector.extract_strided_slice %sub3A_1308 {offsets = [0, 1], sizes = [1, 1], strides = [1, 1]} : vector<1x8xf32> to vector<1x1xf32>
    %sub3A_1353 = vector.broadcast %slice3A_1352 : vector<1x1xf32> to vector<1x24xf32>
    %sub3A_1354 = arith.subf %add3A_1351, %sub3A_1353 : vector<1x24xf32>
    %jit3A_1355 = arith.constant 0.000000e+00 : f32
    %broadcast_in_dim3A_1356 = vector.broadcast %jit3A_1355 : f32 to vector<1x24xf32>
    %select_n3A_1357 = arith.select %and3A_1345, %sub3A_1354, %broadcast_in_dim3A_1356 : vector<1x24xi1>, vector<1x24xf32>
    %add3A_1358 = arith.addf %add3A_1333, %select_n3A_1357 : vector<1x24xf32>
    %slice3A_1359 = vector.extract_strided_slice %add3A_1307 {offsets = [0, 2], sizes = [1, 1], strides = [1, 1]} : vector<1x8xf32> to vector<1x1xf32>
    %ge3A_1360 = vector.broadcast %slice3A_1359 : vector<1x1xf32> to vector<1x24xf32>
    %ge3A_1361 = arith.cmpf oge, %convert_element_type3A_1309, %ge3A_1360 : vector<1x24xf32>
    %convert_element_type3A_1362 = arith.extui %ge3A_1361 : vector<1x24xi1> to vector<1x24xi32>
    %convert_element_type3A_1363 = arith.sitofp %convert_element_type3A_1362 : vector<1x24xi32> to vector<1x24xf32>
    %add3A_1364 = arith.addf %add3A_1339, %convert_element_type3A_1363 : vector<1x24xf32>
    %slice3A_1365 = vector.extract_strided_slice %sub3A_1308 {offsets = [0, 2], sizes = [1, 1], strides = [1, 1]} : vector<1x8xf32> to vector<1x1xf32>
    %ge3A_1366 = vector.broadcast %slice3A_1365 : vector<1x1xf32> to vector<1x24xf32>
    %ge3A_1367 = arith.cmpf oge, %convert_element_type3A_1309, %ge3A_1366 : vector<1x24xf32>
    %lt3A_1368 = vector.broadcast %slice3A_1359 : vector<1x1xf32> to vector<1x24xf32>
    %lt3A_1369 = arith.cmpf olt, %convert_element_type3A_1309, %lt3A_1368 : vector<1x24xf32>
    %and3A_1370 = arith.andi %ge3A_1367, %lt3A_1369 : vector<1x24xi1>
    %slice3A_1371 = vector.extract_strided_slice %sub3A {offsets = [0, 2], sizes = [1, 1], strides = [1, 1]} : vector<1x8xf32> to vector<1x1xf32>
    %div3A_1372 = arith.constant 2.560000e+02 : f32
    %div3A_1373 = vector.broadcast %div3A_1372 : f32 to vector<1x1xf32>
    %div3A_1374 = arith.divf %slice3A_1371, %div3A_1373 : vector<1x1xf32>
    %add3A_1375 = vector.broadcast %div3A_1374 : vector<1x1xf32> to vector<1x24xf32>
    %add3A_1376 = arith.addf %add3A_1375, %convert_element_type3A_1309 : vector<1x24xf32>
    %slice3A_1377 = vector.extract_strided_slice %sub3A_1308 {offsets = [0, 2], sizes = [1, 1], strides = [1, 1]} : vector<1x8xf32> to vector<1x1xf32>
    %sub3A_1378 = vector.broadcast %slice3A_1377 : vector<1x1xf32> to vector<1x24xf32>
    %sub3A_1379 = arith.subf %add3A_1376, %sub3A_1378 : vector<1x24xf32>
    %jit3A_1380 = arith.constant 0.000000e+00 : f32
    %broadcast_in_dim3A_1381 = vector.broadcast %jit3A_1380 : f32 to vector<1x24xf32>
    %select_n3A_1382 = arith.select %and3A_1370, %sub3A_1379, %broadcast_in_dim3A_1381 : vector<1x24xi1>, vector<1x24xf32>
    %add3A_1383 = arith.addf %add3A_1358, %select_n3A_1382 : vector<1x24xf32>
    %slice3A_1384 = vector.extract_strided_slice %add3A_1307 {offsets = [0, 3], sizes = [1, 1], strides = [1, 1]} : vector<1x8xf32> to vector<1x1xf32>
    %ge3A_1385 = vector.broadcast %slice3A_1384 : vector<1x1xf32> to vector<1x24xf32>
    %ge3A_1386 = arith.cmpf oge, %convert_element_type3A_1309, %ge3A_1385 : vector<1x24xf32>
    %convert_element_type3A_1387 = arith.extui %ge3A_1386 : vector<1x24xi1> to vector<1x24xi32>
    %convert_element_type3A_1388 = arith.sitofp %convert_element_type3A_1387 : vector<1x24xi32> to vector<1x24xf32>
    %add3A_1389 = arith.addf %add3A_1364, %convert_element_type3A_1388 : vector<1x24xf32>
    %slice3A_1390 = vector.extract_strided_slice %sub3A_1308 {offsets = [0, 3], sizes = [1, 1], strides = [1, 1]} : vector<1x8xf32> to vector<1x1xf32>
    %ge3A_1391 = vector.broadcast %slice3A_1390 : vector<1x1xf32> to vector<1x24xf32>
    %ge3A_1392 = arith.cmpf oge, %convert_element_type3A_1309, %ge3A_1391 : vector<1x24xf32>
    %lt3A_1393 = vector.broadcast %slice3A_1384 : vector<1x1xf32> to vector<1x24xf32>
    %lt3A_1394 = arith.cmpf olt, %convert_element_type3A_1309, %lt3A_1393 : vector<1x24xf32>
    %and3A_1395 = arith.andi %ge3A_1392, %lt3A_1394 : vector<1x24xi1>
    %slice3A_1396 = vector.extract_strided_slice %sub3A {offsets = [0, 3], sizes = [1, 1], strides = [1, 1]} : vector<1x8xf32> to vector<1x1xf32>
    %div3A_1397 = arith.constant 2.560000e+02 : f32
    %div3A_1398 = vector.broadcast %div3A_1397 : f32 to vector<1x1xf32>
    %div3A_1399 = arith.divf %slice3A_1396, %div3A_1398 : vector<1x1xf32>
    %add3A_1400 = vector.broadcast %div3A_1399 : vector<1x1xf32> to vector<1x24xf32>
    %add3A_1401 = arith.addf %add3A_1400, %convert_element_type3A_1309 : vector<1x24xf32>
    %slice3A_1402 = vector.extract_strided_slice %sub3A_1308 {offsets = [0, 3], sizes = [1, 1], strides = [1, 1]} : vector<1x8xf32> to vector<1x1xf32>
    %sub3A_1403 = vector.broadcast %slice3A_1402 : vector<1x1xf32> to vector<1x24xf32>
    %sub3A_1404 = arith.subf %add3A_1401, %sub3A_1403 : vector<1x24xf32>
    %jit3A_1405 = arith.constant 0.000000e+00 : f32
    %broadcast_in_dim3A_1406 = vector.broadcast %jit3A_1405 : f32 to vector<1x24xf32>
    %select_n3A_1407 = arith.select %and3A_1395, %sub3A_1404, %broadcast_in_dim3A_1406 : vector<1x24xi1>, vector<1x24xf32>
    %add3A_1408 = arith.addf %add3A_1383, %select_n3A_1407 : vector<1x24xf32>
    %slice3A_1409 = vector.extract_strided_slice %add3A_1307 {offsets = [0, 4], sizes = [1, 1], strides = [1, 1]} : vector<1x8xf32> to vector<1x1xf32>
    %ge3A_1410 = vector.broadcast %slice3A_1409 : vector<1x1xf32> to vector<1x24xf32>
    %ge3A_1411 = arith.cmpf oge, %convert_element_type3A_1309, %ge3A_1410 : vector<1x24xf32>
    %convert_element_type3A_1412 = arith.extui %ge3A_1411 : vector<1x24xi1> to vector<1x24xi32>
    %convert_element_type3A_1413 = arith.sitofp %convert_element_type3A_1412 : vector<1x24xi32> to vector<1x24xf32>
    %add3A_1414 = arith.addf %add3A_1389, %convert_element_type3A_1413 : vector<1x24xf32>
    %slice3A_1415 = vector.extract_strided_slice %sub3A_1308 {offsets = [0, 4], sizes = [1, 1], strides = [1, 1]} : vector<1x8xf32> to vector<1x1xf32>
    %ge3A_1416 = vector.broadcast %slice3A_1415 : vector<1x1xf32> to vector<1x24xf32>
    %ge3A_1417 = arith.cmpf oge, %convert_element_type3A_1309, %ge3A_1416 : vector<1x24xf32>
    %lt3A_1418 = vector.broadcast %slice3A_1409 : vector<1x1xf32> to vector<1x24xf32>
    %lt3A_1419 = arith.cmpf olt, %convert_element_type3A_1309, %lt3A_1418 : vector<1x24xf32>
    %and3A_1420 = arith.andi %ge3A_1417, %lt3A_1419 : vector<1x24xi1>
    %slice3A_1421 = vector.extract_strided_slice %sub3A {offsets = [0, 4], sizes = [1, 1], strides = [1, 1]} : vector<1x8xf32> to vector<1x1xf32>
    %div3A_1422 = arith.constant 2.560000e+02 : f32
    %div3A_1423 = vector.broadcast %div3A_1422 : f32 to vector<1x1xf32>
    %div3A_1424 = arith.divf %slice3A_1421, %div3A_1423 : vector<1x1xf32>
    %add3A_1425 = vector.broadcast %div3A_1424 : vector<1x1xf32> to vector<1x24xf32>
    %add3A_1426 = arith.addf %add3A_1425, %convert_element_type3A_1309 : vector<1x24xf32>
    %slice3A_1427 = vector.extract_strided_slice %sub3A_1308 {offsets = [0, 4], sizes = [1, 1], strides = [1, 1]} : vector<1x8xf32> to vector<1x1xf32>
    %sub3A_1428 = vector.broadcast %slice3A_1427 : vector<1x1xf32> to vector<1x24xf32>
    %sub3A_1429 = arith.subf %add3A_1426, %sub3A_1428 : vector<1x24xf32>
    %jit3A_1430 = arith.constant 0.000000e+00 : f32
    %broadcast_in_dim3A_1431 = vector.broadcast %jit3A_1430 : f32 to vector<1x24xf32>
    %select_n3A_1432 = arith.select %and3A_1420, %sub3A_1429, %broadcast_in_dim3A_1431 : vector<1x24xi1>, vector<1x24xf32>
    %add3A_1433 = arith.addf %add3A_1408, %select_n3A_1432 : vector<1x24xf32>
    %slice3A_1434 = vector.extract_strided_slice %add3A_1307 {offsets = [0, 5], sizes = [1, 1], strides = [1, 1]} : vector<1x8xf32> to vector<1x1xf32>
    %ge3A_1435 = vector.broadcast %slice3A_1434 : vector<1x1xf32> to vector<1x24xf32>
    %ge3A_1436 = arith.cmpf oge, %convert_element_type3A_1309, %ge3A_1435 : vector<1x24xf32>
    %convert_element_type3A_1437 = arith.extui %ge3A_1436 : vector<1x24xi1> to vector<1x24xi32>
    %convert_element_type3A_1438 = arith.sitofp %convert_element_type3A_1437 : vector<1x24xi32> to vector<1x24xf32>
    %add3A_1439 = arith.addf %add3A_1414, %convert_element_type3A_1438 : vector<1x24xf32>
    %slice3A_1440 = vector.extract_strided_slice %sub3A_1308 {offsets = [0, 5], sizes = [1, 1], strides = [1, 1]} : vector<1x8xf32> to vector<1x1xf32>
    %ge3A_1441 = vector.broadcast %slice3A_1440 : vector<1x1xf32> to vector<1x24xf32>
    %ge3A_1442 = arith.cmpf oge, %convert_element_type3A_1309, %ge3A_1441 : vector<1x24xf32>
    %lt3A_1443 = vector.broadcast %slice3A_1434 : vector<1x1xf32> to vector<1x24xf32>
    %lt3A_1444 = arith.cmpf olt, %convert_element_type3A_1309, %lt3A_1443 : vector<1x24xf32>
    %and3A_1445 = arith.andi %ge3A_1442, %lt3A_1444 : vector<1x24xi1>
    %slice3A_1446 = vector.extract_strided_slice %sub3A {offsets = [0, 5], sizes = [1, 1], strides = [1, 1]} : vector<1x8xf32> to vector<1x1xf32>
    %div3A_1447 = arith.constant 2.560000e+02 : f32
    %div3A_1448 = vector.broadcast %div3A_1447 : f32 to vector<1x1xf32>
    %div3A_1449 = arith.divf %slice3A_1446, %div3A_1448 : vector<1x1xf32>
    %add3A_1450 = vector.broadcast %div3A_1449 : vector<1x1xf32> to vector<1x24xf32>
    %add3A_1451 = arith.addf %add3A_1450, %convert_element_type3A_1309 : vector<1x24xf32>
    %slice3A_1452 = vector.extract_strided_slice %sub3A_1308 {offsets = [0, 5], sizes = [1, 1], strides = [1, 1]} : vector<1x8xf32> to vector<1x1xf32>
    %sub3A_1453 = vector.broadcast %slice3A_1452 : vector<1x1xf32> to vector<1x24xf32>
    %sub3A_1454 = arith.subf %add3A_1451, %sub3A_1453 : vector<1x24xf32>
    %jit3A_1455 = arith.constant 0.000000e+00 : f32
    %broadcast_in_dim3A_1456 = vector.broadcast %jit3A_1455 : f32 to vector<1x24xf32>
    %select_n3A_1457 = arith.select %and3A_1445, %sub3A_1454, %broadcast_in_dim3A_1456 : vector<1x24xi1>, vector<1x24xf32>
    %add3A_1458 = arith.addf %add3A_1433, %select_n3A_1457 : vector<1x24xf32>
    %slice3A_1459 = vector.extract_strided_slice %add3A_1307 {offsets = [0, 6], sizes = [1, 1], strides = [1, 1]} : vector<1x8xf32> to vector<1x1xf32>
    %ge3A_1460 = vector.broadcast %slice3A_1459 : vector<1x1xf32> to vector<1x24xf32>
    %ge3A_1461 = arith.cmpf oge, %convert_element_type3A_1309, %ge3A_1460 : vector<1x24xf32>
    %convert_element_type3A_1462 = arith.extui %ge3A_1461 : vector<1x24xi1> to vector<1x24xi32>
    %convert_element_type3A_1463 = arith.sitofp %convert_element_type3A_1462 : vector<1x24xi32> to vector<1x24xf32>
    %add3A_1464 = arith.addf %add3A_1439, %convert_element_type3A_1463 : vector<1x24xf32>
    %slice3A_1465 = vector.extract_strided_slice %sub3A_1308 {offsets = [0, 6], sizes = [1, 1], strides = [1, 1]} : vector<1x8xf32> to vector<1x1xf32>
    %ge3A_1466 = vector.broadcast %slice3A_1465 : vector<1x1xf32> to vector<1x24xf32>
    %ge3A_1467 = arith.cmpf oge, %convert_element_type3A_1309, %ge3A_1466 : vector<1x24xf32>
    %lt3A_1468 = vector.broadcast %slice3A_1459 : vector<1x1xf32> to vector<1x24xf32>
    %lt3A_1469 = arith.cmpf olt, %convert_element_type3A_1309, %lt3A_1468 : vector<1x24xf32>
    %and3A_1470 = arith.andi %ge3A_1467, %lt3A_1469 : vector<1x24xi1>
    %slice3A_1471 = vector.extract_strided_slice %sub3A {offsets = [0, 6], sizes = [1, 1], strides = [1, 1]} : vector<1x8xf32> to vector<1x1xf32>
    %div3A_1472 = arith.constant 2.560000e+02 : f32
    %div3A_1473 = vector.broadcast %div3A_1472 : f32 to vector<1x1xf32>
    %div3A_1474 = arith.divf %slice3A_1471, %div3A_1473 : vector<1x1xf32>
    %add3A_1475 = vector.broadcast %div3A_1474 : vector<1x1xf32> to vector<1x24xf32>
    %add3A_1476 = arith.addf %add3A_1475, %convert_element_type3A_1309 : vector<1x24xf32>
    %slice3A_1477 = vector.extract_strided_slice %sub3A_1308 {offsets = [0, 6], sizes = [1, 1], strides = [1, 1]} : vector<1x8xf32> to vector<1x1xf32>
    %sub3A_1478 = vector.broadcast %slice3A_1477 : vector<1x1xf32> to vector<1x24xf32>
    %sub3A_1479 = arith.subf %add3A_1476, %sub3A_1478 : vector<1x24xf32>
    %jit3A_1480 = arith.constant 0.000000e+00 : f32
    %broadcast_in_dim3A_1481 = vector.broadcast %jit3A_1480 : f32 to vector<1x24xf32>
    %select_n3A_1482 = arith.select %and3A_1470, %sub3A_1479, %broadcast_in_dim3A_1481 : vector<1x24xi1>, vector<1x24xf32>
    %add3A_1483 = arith.addf %add3A_1458, %select_n3A_1482 : vector<1x24xf32>
    %slice3A_1484 = vector.extract_strided_slice %add3A_1307 {offsets = [0, 7], sizes = [1, 1], strides = [1, 1]} : vector<1x8xf32> to vector<1x1xf32>
    %ge3A_1485 = vector.broadcast %slice3A_1484 : vector<1x1xf32> to vector<1x24xf32>
    %ge3A_1486 = arith.cmpf oge, %convert_element_type3A_1309, %ge3A_1485 : vector<1x24xf32>
    %convert_element_type3A_1487 = arith.extui %ge3A_1486 : vector<1x24xi1> to vector<1x24xi32>
    %convert_element_type3A_1488 = arith.sitofp %convert_element_type3A_1487 : vector<1x24xi32> to vector<1x24xf32>
    %add3A_1489 = arith.addf %add3A_1464, %convert_element_type3A_1488 : vector<1x24xf32>
    %slice3A_1490 = vector.extract_strided_slice %sub3A_1308 {offsets = [0, 7], sizes = [1, 1], strides = [1, 1]} : vector<1x8xf32> to vector<1x1xf32>
    %ge3A_1491 = vector.broadcast %slice3A_1490 : vector<1x1xf32> to vector<1x24xf32>
    %ge3A_1492 = arith.cmpf oge, %convert_element_type3A_1309, %ge3A_1491 : vector<1x24xf32>
    %lt3A_1493 = vector.broadcast %slice3A_1484 : vector<1x1xf32> to vector<1x24xf32>
    %lt3A_1494 = arith.cmpf olt, %convert_element_type3A_1309, %lt3A_1493 : vector<1x24xf32>
    %and3A_1495 = arith.andi %ge3A_1492, %lt3A_1494 : vector<1x24xi1>
    %slice3A_1496 = vector.extract_strided_slice %sub3A {offsets = [0, 7], sizes = [1, 1], strides = [1, 1]} : vector<1x8xf32> to vector<1x1xf32>
    %div3A_1497 = arith.constant 2.560000e+02 : f32
    %div3A_1498 = vector.broadcast %div3A_1497 : f32 to vector<1x1xf32>
    %div3A_1499 = arith.divf %slice3A_1496, %div3A_1498 : vector<1x1xf32>
    %add3A_1500 = vector.broadcast %div3A_1499 : vector<1x1xf32> to vector<1x24xf32>
    %add3A_1501 = arith.addf %add3A_1500, %convert_element_type3A_1309 : vector<1x24xf32>
    %slice3A_1502 = vector.extract_strided_slice %sub3A_1308 {offsets = [0, 7], sizes = [1, 1], strides = [1, 1]} : vector<1x8xf32> to vector<1x1xf32>
    %sub3A_1503 = vector.broadcast %slice3A_1502 : vector<1x1xf32> to vector<1x24xf32>
    %sub3A_1504 = arith.subf %add3A_1501, %sub3A_1503 : vector<1x24xf32>
    %jit3A_1505 = arith.constant 0.000000e+00 : f32
    %broadcast_in_dim3A_1506 = vector.broadcast %jit3A_1505 : f32 to vector<1x24xf32>
    %select_n3A_1507 = arith.select %and3A_1495, %sub3A_1504, %broadcast_in_dim3A_1506 : vector<1x24xi1>, vector<1x24xf32>
    %add3A_1508 = arith.addf %add3A_1483, %select_n3A_1507 : vector<1x24xf32>
    %slice3A_1509 = vector.extract_strided_slice %add3A_1307 {offsets = [0, 7], sizes = [1, 1], strides = [1, 1]} : vector<1x8xf32> to vector<1x1xf32>
    %ge3A_1510 = vector.broadcast %slice3A_1509 : vector<1x1xf32> to vector<1x24xf32>
    %ge3A_1511 = arith.cmpf oge, %convert_element_type3A_1309, %ge3A_1510 : vector<1x24xf32>
    %jit3A_1512 = arith.constant 0.000000e+00 : f32
    %broadcast_in_dim3A_1513 = vector.broadcast %jit3A_1512 : f32 to vector<1x24xf32>
    %select_n3A_1514 = arith.select %ge3A_1511, %broadcast_in_dim3A_1513, %add3A_1489 : vector<1x24xi1>, vector<1x24xf32>
    %convert_element_type3A_1515 = arith.fptosi %select_n3A_1514 : vector<1x24xf32> to vector<1x24xi32>
    %swap3A_1516 = arith.constant 0 : index
    %swap3A_1517 = arith.constant 0 : index
    %swap3A_1518 = vector.load %arg5[%swap3A_1516, %swap3A_1517] : memref<1x24xi32, #tpu.memory_space<vmem>>, vector<1x24xi32>
    tpu.vector_store %arg5[%swap3A_1516, %swap3A_1517], %convert_element_type3A_1515 {strides = array<i32>} : memref<1x24xi32, #tpu.memory_space<vmem>>, vector<1x24xi32>,
    %jit3A_1519 = arith.constant 2.400000e+01 : f32
    %broadcast_in_dim3A_1520 = vector.broadcast %jit3A_1519 : f32 to vector<1x24xf32>
    %select_n3A_1521 = arith.select %ge3A_1511, %broadcast_in_dim3A_1520, %add3A_1508 : vector<1x24xi1>, vector<1x24xf32>
    %convert_element_type3A_1522 = arith.fptosi %select_n3A_1521 : vector<1x24xf32> to vector<1x24xi32>
    %swap3A_1523 = arith.constant 0 : index
    %swap3A_1524 = arith.constant 0 : index
    %swap3A_1525 = vector.load %arg6[%swap3A_1523, %swap3A_1524] : memref<1x24xi32, #tpu.memory_space<vmem>>, vector<1x24xi32>
    tpu.vector_store %arg6[%swap3A_1523, %swap3A_1524], %convert_element_type3A_1522 {strides = array<i32>} : memref<1x24xi32, #tpu.memory_space<vmem>>, vector<1x24xi32>,
    return
  }
  func.func @transform_0(%arg0: i32) -> (i32, i32) {
    %c0_i32 = arith.constant 0 : i32
    %c0_i32_0 = arith.constant 0 : i32
    %c0_i32_1 = arith.constant 0 : i32
    return %c0_i32, %c0_i32_0 : i32, i32
  }
  func.func @transform_1(%arg0: i32) -> (i32, i32) {
    %c0_i32 = arith.constant 0 : i32
    %c0_i32_0 = arith.constant 0 : i32
    %c0_i32_1 = arith.constant 0 : i32
    return %c0_i32, %c0_i32_0 : i32, i32
  }
  func.func @transform_2(%arg0: i32) -> (i32, i32) {
    %c0_i32 = arith.constant 0 : i32
    %c0_i32_0 = arith.constant 0 : i32
    %c0_i32_1 = arith.constant 0 : i32
    return %c0_i32, %c0_i32_0 : i32, i32
  }
  func.func @transform_3(%arg0: i32) -> (i32, i32) {
    %c0_i32 = arith.constant 0 : i32
    %c0_i32_0 = arith.constant 0 : i32
    %c0_i32_1 = arith.constant 0 : i32
    return %c0_i32, %c0_i32_0 : i32, i32
  }
  func.func @transform_4(%arg0: i32) -> (i32, i32) {
    %c0_i32 = arith.constant 0 : i32
    %c0_i32_0 = arith.constant 0 : i32
    %c0_i32_1 = arith.constant 0 : i32
    return %c0_i32, %c0_i32_0 : i32, i32
  }
  func.func @transform_5(%arg0: i32) -> (i32, i32) {
    %c0_i32 = arith.constant 0 : i32
    %c0_i32_0 = arith.constant 0 : i32
    %c0_i32_1 = arith.constant 0 : i32
    return %c0_i32, %c0_i32_0 : i32, i32
  }
}

module attributes {stable_mosaic.version = 14 : i64} {
  func.func @_gemm_body(%arg0: i32, %arg1: memref<24xi32, #tpu.memory_space<smem>>, %arg2: memref<24xi32, #tpu.memory_space<smem>>, %arg3: memref<256x8x128xf32, #tpu.memory_space<vmem>>, %arg4: memref<1x1024x512xbf16, #tpu.memory_space<vmem>>, %arg5: memref<1x1024x512xbf16, #tpu.memory_space<vmem>>, %arg6: memref<1x512x1024xbf16, #tpu.memory_space<vmem>>, %arg7: memref<256x8x128xf32, #tpu.memory_space<vmem>>) attributes {dimension_semantics = [#tpu.dimension_semantics<arbitrary>], iteration_bounds = array<i64: 24>, scalar_prefetch = 2 : i64, scratch_operands = 0 : i64, tpu.core_type = #tpu.core_type<tc>, window_params = [{transform_indices = @transform_0, window_bounds = array<i64: 256, 8, 128>}, {transform_indices = @transform_1, window_bounds = array<i64: 1, 1024, 512>}, {transform_indices = @transform_2, window_bounds = array<i64: 1, 1024, 512>}, {transform_indices = @transform_3, window_bounds = array<i64: 1, 512, 1024>}, {transform_indices = @transform_4, window_bounds = array<i64: 256, 8, 128>}]} {
    %get3A = arith.constant 0 : index
    %get3A_0 = arith.constant 0 : index
    %get3A_1 = arith.constant 0 : index
    %get3A_2 = vector.load %arg3[%get3A, %get3A_0, %get3A_1] : memref<256x8x128xf32, #tpu.memory_space<vmem>>, vector<256x8x128xf32>
    %slice3A = vector.extract_strided_slice %get3A_2 {offsets = [0, 0, 0], sizes = [256, 1, 128], strides = [1, 1, 1]} : vector<256x8x128xf32> to vector<256x1x128xf32>
    %squeeze3A = vector.shape_cast %slice3A : vector<256x1x128xf32> to vector<256x128xf32>
    %slice3A_3 = vector.extract_strided_slice %get3A_2 {offsets = [0, 1, 0], sizes = [256, 1, 128], strides = [1, 1, 1]} : vector<256x8x128xf32> to vector<256x1x128xf32>
    %squeeze3A_4 = vector.shape_cast %slice3A_3 : vector<256x1x128xf32> to vector<256x128xf32>
    %slice3A_5 = vector.extract_strided_slice %get3A_2 {offsets = [0, 2, 0], sizes = [256, 1, 128], strides = [1, 1, 1]} : vector<256x8x128xf32> to vector<256x1x128xf32>
    %squeeze3A_6 = vector.shape_cast %slice3A_5 : vector<256x1x128xf32> to vector<256x128xf32>
    %slice3A_7 = vector.extract_strided_slice %get3A_2 {offsets = [0, 3, 0], sizes = [256, 1, 128], strides = [1, 1, 1]} : vector<256x8x128xf32> to vector<256x1x128xf32>
    %squeeze3A_8 = vector.shape_cast %slice3A_7 : vector<256x1x128xf32> to vector<256x128xf32>
    %slice3A_9 = vector.extract_strided_slice %get3A_2 {offsets = [0, 4, 0], sizes = [256, 1, 128], strides = [1, 1, 1]} : vector<256x8x128xf32> to vector<256x1x128xf32>
    %squeeze3A_10 = vector.shape_cast %slice3A_9 : vector<256x1x128xf32> to vector<256x128xf32>
    %slice3A_11 = vector.extract_strided_slice %get3A_2 {offsets = [0, 5, 0], sizes = [256, 1, 128], strides = [1, 1, 1]} : vector<256x8x128xf32> to vector<256x1x128xf32>
    %squeeze3A_12 = vector.shape_cast %slice3A_11 : vector<256x1x128xf32> to vector<256x128xf32>
    %slice3A_13 = vector.extract_strided_slice %get3A_2 {offsets = [0, 6, 0], sizes = [256, 1, 128], strides = [1, 1, 1]} : vector<256x8x128xf32> to vector<256x1x128xf32>
    %squeeze3A_14 = vector.shape_cast %slice3A_13 : vector<256x1x128xf32> to vector<256x128xf32>
    %slice3A_15 = vector.extract_strided_slice %get3A_2 {offsets = [0, 7, 0], sizes = [256, 1, 128], strides = [1, 1, 1]} : vector<256x8x128xf32> to vector<256x1x128xf32>
    %squeeze3A_16 = vector.shape_cast %slice3A_15 : vector<256x1x128xf32> to vector<256x128xf32>
    %concatenate3A = tpu.concatenate %squeeze3A, %squeeze3A_4, %squeeze3A_6, %squeeze3A_8, %squeeze3A_10, %squeeze3A_12, %squeeze3A_14, %squeeze3A_16 in 1 : vector<256x128xf32>, vector<256x128xf32>, vector<256x128xf32>, vector<256x128xf32>, vector<256x128xf32>, vector<256x128xf32>, vector<256x128xf32>, vector<256x128xf32> -> vector<256x1024xf32>
    %convert_element_type3A = arith.truncf %concatenate3A : vector<256x1024xf32> to vector<256x1024xbf16>
    %get3A_17 = arith.constant 0 : index
    %get3A_18 = arith.constant 0 : index
    %get3A_19 = arith.constant 0 : index
    %get3A_20 = vector.load %arg4[%get3A_17, %get3A_18, %get3A_19] : memref<1x1024x512xbf16, #tpu.memory_space<vmem>>, vector<1x1024x512xbf16>
    %get3A_21 = vector.shape_cast %get3A_20 : vector<1x1024x512xbf16> to vector<1024x512xbf16>
    %dot_general3A = arith.constant dense<0.000000e+00> : vector<256x512xf32>
    %dot_general3A_22 = tpu.matmul %convert_element_type3A, %get3A_21, %dot_general3A {dimension_numbers = #tpu.dot_dimension_numbers<[1], [0], [0], [1], [0, 0, 1, 1], [], []>, transpose_lhs_hint = false} : vector<256x1024xbf16>, vector<1024x512xbf16>, vector<256x512xf32> -> vector<256x512xf32>
    %get3A_23 = arith.constant 0 : index
    %get3A_24 = arith.constant 0 : index
    %get3A_25 = arith.constant 0 : index
    %get3A_26 = vector.load %arg5[%get3A_23, %get3A_24, %get3A_25] : memref<1x1024x512xbf16, #tpu.memory_space<vmem>>, vector<1x1024x512xbf16>
    %get3A_27 = vector.shape_cast %get3A_26 : vector<1x1024x512xbf16> to vector<1024x512xbf16>
    %dot_general3A_28 = arith.constant dense<0.000000e+00> : vector<256x512xf32>
    %dot_general3A_29 = tpu.matmul %convert_element_type3A, %get3A_27, %dot_general3A_28 {dimension_numbers = #tpu.dot_dimension_numbers<[1], [0], [0], [1], [0, 0, 1, 1], [], []>, transpose_lhs_hint = false} : vector<256x1024xbf16>, vector<1024x512xbf16>, vector<256x512xf32> -> vector<256x512xf32>
    %logistic3A = arith.negf %dot_general3A_22 : vector<256x512xf32>
    %logistic3A_30 = math.exp %logistic3A : vector<256x512xf32>
    %logistic3A_31 = arith.constant 1.000000e+00 : f32
    %logistic3A_32 = vector.broadcast %logistic3A_31 : f32 to vector<256x512xf32>
    %logistic3A_33 = arith.addf %logistic3A_32, %logistic3A_30 : vector<256x512xf32>
    %logistic3A_34 = arith.divf %logistic3A_32, %logistic3A_33 : vector<256x512xf32>
    %mul3A = arith.mulf %dot_general3A_22, %logistic3A_34 : vector<256x512xf32>
    %mul3A_35 = arith.mulf %mul3A, %dot_general3A_29 : vector<256x512xf32>
    %convert_element_type3A_36 = arith.truncf %mul3A_35 : vector<256x512xf32> to vector<256x512xbf16>
    %get3A_37 = arith.constant 0 : index
    %get3A_38 = arith.constant 0 : index
    %get3A_39 = arith.constant 0 : index
    %get3A_40 = vector.load %arg6[%get3A_37, %get3A_38, %get3A_39] : memref<1x512x1024xbf16, #tpu.memory_space<vmem>>, vector<1x512x1024xbf16>
    %get3A_41 = vector.shape_cast %get3A_40 : vector<1x512x1024xbf16> to vector<512x1024xbf16>
    %dot_general3A_42 = arith.constant dense<0.000000e+00> : vector<256x1024xf32>
    %dot_general3A_43 = tpu.matmul %convert_element_type3A_36, %get3A_41, %dot_general3A_42 {dimension_numbers = #tpu.dot_dimension_numbers<[1], [0], [0], [1], [0, 0, 1, 1], [], []>, transpose_lhs_hint = false} : vector<256x512xbf16>, vector<512x1024xbf16>, vector<256x1024xf32> -> vector<256x1024xf32>
    %slice3A_44 = vector.extract_strided_slice %dot_general3A_43 {offsets = [0, 0], sizes = [256, 128], strides = [1, 1]} : vector<256x1024xf32> to vector<256x128xf32>
    %swap3A = arith.constant 0 : index
    %swap3A_45 = arith.constant 0 : index
    %swap3A_46 = arith.constant 0 : index
    %swap3A_47 = vector.load %arg7[%swap3A, %swap3A_45, %swap3A_46] : memref<256x8x128xf32, #tpu.memory_space<vmem>>, vector<256x1x128xf32>
    %swap3A_48 = vector.shape_cast %swap3A_47 : vector<256x1x128xf32> to vector<256x128xf32>
    %swap3A_49 = vector.shape_cast %slice3A_44 : vector<256x128xf32> to vector<256x1x128xf32>
    tpu.vector_store %arg7[%swap3A, %swap3A_45, %swap3A_46], %swap3A_49 {strides = array<i32>} : memref<256x8x128xf32, #tpu.memory_space<vmem>>, vector<256x1x128xf32>,
    %slice3A_50 = vector.extract_strided_slice %dot_general3A_43 {offsets = [0, 128], sizes = [256, 128], strides = [1, 1]} : vector<256x1024xf32> to vector<256x128xf32>
    %swap3A_51 = arith.constant 0 : index
    %swap3A_52 = arith.constant 1 : index
    %swap3A_53 = arith.constant 0 : index
    %swap3A_54 = vector.load %arg7[%swap3A_51, %swap3A_52, %swap3A_53] : memref<256x8x128xf32, #tpu.memory_space<vmem>>, vector<256x1x128xf32>
    %swap3A_55 = vector.shape_cast %swap3A_54 : vector<256x1x128xf32> to vector<256x128xf32>
    %swap3A_56 = vector.shape_cast %slice3A_50 : vector<256x128xf32> to vector<256x1x128xf32>
    tpu.vector_store %arg7[%swap3A_51, %swap3A_52, %swap3A_53], %swap3A_56 {strides = array<i32>} : memref<256x8x128xf32, #tpu.memory_space<vmem>>, vector<256x1x128xf32>,
    %slice3A_57 = vector.extract_strided_slice %dot_general3A_43 {offsets = [0, 256], sizes = [256, 128], strides = [1, 1]} : vector<256x1024xf32> to vector<256x128xf32>
    %swap3A_58 = arith.constant 0 : index
    %swap3A_59 = arith.constant 2 : index
    %swap3A_60 = arith.constant 0 : index
    %swap3A_61 = vector.load %arg7[%swap3A_58, %swap3A_59, %swap3A_60] : memref<256x8x128xf32, #tpu.memory_space<vmem>>, vector<256x1x128xf32>
    %swap3A_62 = vector.shape_cast %swap3A_61 : vector<256x1x128xf32> to vector<256x128xf32>
    %swap3A_63 = vector.shape_cast %slice3A_57 : vector<256x128xf32> to vector<256x1x128xf32>
    tpu.vector_store %arg7[%swap3A_58, %swap3A_59, %swap3A_60], %swap3A_63 {strides = array<i32>} : memref<256x8x128xf32, #tpu.memory_space<vmem>>, vector<256x1x128xf32>,
    %slice3A_64 = vector.extract_strided_slice %dot_general3A_43 {offsets = [0, 384], sizes = [256, 128], strides = [1, 1]} : vector<256x1024xf32> to vector<256x128xf32>
    %swap3A_65 = arith.constant 0 : index
    %swap3A_66 = arith.constant 3 : index
    %swap3A_67 = arith.constant 0 : index
    %swap3A_68 = vector.load %arg7[%swap3A_65, %swap3A_66, %swap3A_67] : memref<256x8x128xf32, #tpu.memory_space<vmem>>, vector<256x1x128xf32>
    %swap3A_69 = vector.shape_cast %swap3A_68 : vector<256x1x128xf32> to vector<256x128xf32>
    %swap3A_70 = vector.shape_cast %slice3A_64 : vector<256x128xf32> to vector<256x1x128xf32>
    tpu.vector_store %arg7[%swap3A_65, %swap3A_66, %swap3A_67], %swap3A_70 {strides = array<i32>} : memref<256x8x128xf32, #tpu.memory_space<vmem>>, vector<256x1x128xf32>,
    %slice3A_71 = vector.extract_strided_slice %dot_general3A_43 {offsets = [0, 512], sizes = [256, 128], strides = [1, 1]} : vector<256x1024xf32> to vector<256x128xf32>
    %swap3A_72 = arith.constant 0 : index
    %swap3A_73 = arith.constant 4 : index
    %swap3A_74 = arith.constant 0 : index
    %swap3A_75 = vector.load %arg7[%swap3A_72, %swap3A_73, %swap3A_74] : memref<256x8x128xf32, #tpu.memory_space<vmem>>, vector<256x1x128xf32>
    %swap3A_76 = vector.shape_cast %swap3A_75 : vector<256x1x128xf32> to vector<256x128xf32>
    %swap3A_77 = vector.shape_cast %slice3A_71 : vector<256x128xf32> to vector<256x1x128xf32>
    tpu.vector_store %arg7[%swap3A_72, %swap3A_73, %swap3A_74], %swap3A_77 {strides = array<i32>} : memref<256x8x128xf32, #tpu.memory_space<vmem>>, vector<256x1x128xf32>,
    %slice3A_78 = vector.extract_strided_slice %dot_general3A_43 {offsets = [0, 640], sizes = [256, 128], strides = [1, 1]} : vector<256x1024xf32> to vector<256x128xf32>
    %swap3A_79 = arith.constant 0 : index
    %swap3A_80 = arith.constant 5 : index
    %swap3A_81 = arith.constant 0 : index
    %swap3A_82 = vector.load %arg7[%swap3A_79, %swap3A_80, %swap3A_81] : memref<256x8x128xf32, #tpu.memory_space<vmem>>, vector<256x1x128xf32>
    %swap3A_83 = vector.shape_cast %swap3A_82 : vector<256x1x128xf32> to vector<256x128xf32>
    %swap3A_84 = vector.shape_cast %slice3A_78 : vector<256x128xf32> to vector<256x1x128xf32>
    tpu.vector_store %arg7[%swap3A_79, %swap3A_80, %swap3A_81], %swap3A_84 {strides = array<i32>} : memref<256x8x128xf32, #tpu.memory_space<vmem>>, vector<256x1x128xf32>,
    %slice3A_85 = vector.extract_strided_slice %dot_general3A_43 {offsets = [0, 768], sizes = [256, 128], strides = [1, 1]} : vector<256x1024xf32> to vector<256x128xf32>
    %swap3A_86 = arith.constant 0 : index
    %swap3A_87 = arith.constant 6 : index
    %swap3A_88 = arith.constant 0 : index
    %swap3A_89 = vector.load %arg7[%swap3A_86, %swap3A_87, %swap3A_88] : memref<256x8x128xf32, #tpu.memory_space<vmem>>, vector<256x1x128xf32>
    %swap3A_90 = vector.shape_cast %swap3A_89 : vector<256x1x128xf32> to vector<256x128xf32>
    %swap3A_91 = vector.shape_cast %slice3A_85 : vector<256x128xf32> to vector<256x1x128xf32>
    tpu.vector_store %arg7[%swap3A_86, %swap3A_87, %swap3A_88], %swap3A_91 {strides = array<i32>} : memref<256x8x128xf32, #tpu.memory_space<vmem>>, vector<256x1x128xf32>,
    %slice3A_92 = vector.extract_strided_slice %dot_general3A_43 {offsets = [0, 896], sizes = [256, 128], strides = [1, 1]} : vector<256x1024xf32> to vector<256x128xf32>
    %swap3A_93 = arith.constant 0 : index
    %swap3A_94 = arith.constant 7 : index
    %swap3A_95 = arith.constant 0 : index
    %swap3A_96 = vector.load %arg7[%swap3A_93, %swap3A_94, %swap3A_95] : memref<256x8x128xf32, #tpu.memory_space<vmem>>, vector<256x1x128xf32>
    %swap3A_97 = vector.shape_cast %swap3A_96 : vector<256x1x128xf32> to vector<256x128xf32>
    %swap3A_98 = vector.shape_cast %slice3A_92 : vector<256x128xf32> to vector<256x1x128xf32>
    tpu.vector_store %arg7[%swap3A_93, %swap3A_94, %swap3A_95], %swap3A_98 {strides = array<i32>} : memref<256x8x128xf32, #tpu.memory_space<vmem>>, vector<256x1x128xf32>,
    return
  }
  func.func @transform_0(%arg0: i32, %arg1: memref<24xi32, #tpu.memory_space<smem>>, %arg2: memref<24xi32, #tpu.memory_space<smem>>) -> (i32, i32, i32) {
    %get3A = arith.index_cast %arg0 : i32 to index
    %get3A_0 = memref.load %arg2[%get3A] : memref<24xi32, #tpu.memory_space<smem>>
    %c0_i32 = arith.constant 0 : i32
    %c0_i32_1 = arith.constant 0 : i32
    %c0_i32_2 = arith.constant 0 : i32
    return %get3A_0, %c0_i32, %c0_i32_1 : i32, i32, i32
  }
  func.func @transform_1(%arg0: i32, %arg1: memref<24xi32, #tpu.memory_space<smem>>, %arg2: memref<24xi32, #tpu.memory_space<smem>>) -> (i32, i32, i32) {
    %get3A = arith.index_cast %arg0 : i32 to index
    %get3A_0 = memref.load %arg1[%get3A] : memref<24xi32, #tpu.memory_space<smem>>
    %c0_i32 = arith.constant 0 : i32
    %c0_i32_1 = arith.constant 0 : i32
    %c0_i32_2 = arith.constant 0 : i32
    return %get3A_0, %c0_i32, %c0_i32_1 : i32, i32, i32
  }
  func.func @transform_2(%arg0: i32, %arg1: memref<24xi32, #tpu.memory_space<smem>>, %arg2: memref<24xi32, #tpu.memory_space<smem>>) -> (i32, i32, i32) {
    %get3A = arith.index_cast %arg0 : i32 to index
    %get3A_0 = memref.load %arg1[%get3A] : memref<24xi32, #tpu.memory_space<smem>>
    %c0_i32 = arith.constant 0 : i32
    %c0_i32_1 = arith.constant 0 : i32
    %c0_i32_2 = arith.constant 0 : i32
    return %get3A_0, %c0_i32, %c0_i32_1 : i32, i32, i32
  }
  func.func @transform_3(%arg0: i32, %arg1: memref<24xi32, #tpu.memory_space<smem>>, %arg2: memref<24xi32, #tpu.memory_space<smem>>) -> (i32, i32, i32) {
    %get3A = arith.index_cast %arg0 : i32 to index
    %get3A_0 = memref.load %arg1[%get3A] : memref<24xi32, #tpu.memory_space<smem>>
    %c0_i32 = arith.constant 0 : i32
    %c0_i32_1 = arith.constant 0 : i32
    %c0_i32_2 = arith.constant 0 : i32
    return %get3A_0, %c0_i32, %c0_i32_1 : i32, i32, i32
  }
  func.func @transform_4(%arg0: i32, %arg1: memref<24xi32, #tpu.memory_space<smem>>, %arg2: memref<24xi32, #tpu.memory_space<smem>>) -> (i32, i32, i32) {
    %get3A = arith.index_cast %arg0 : i32 to index
    %get3A_0 = memref.load %arg2[%get3A] : memref<24xi32, #tpu.memory_space<smem>>
    %c0_i32 = arith.constant 0 : i32
    %c0_i32_1 = arith.constant 0 : i32
    %c0_i32_2 = arith.constant 0 : i32
    return %get3A_0, %c0_i32, %c0_i32_1 : i32, i32, i32
  }
}

module attributes {stable_mosaic.version = 14 : i64} {
  func.func @_combine_body(%arg0: i32, %arg1: memref<512x1024xf32, #tpu.memory_space<vmem>>, %arg2: memref<512x8x128xf32, #tpu.memory_space<vmem>>, %arg3: memref<512x8x128xf32, #tpu.memory_space<vmem>>, %arg4: memref<512x1xf32, #tpu.memory_space<vmem>>, %arg5: memref<512x1xf32, #tpu.memory_space<vmem>>, %arg6: memref<512x1024xf32, #tpu.memory_space<vmem>>) attributes {dimension_semantics = [#tpu.dimension_semantics<arbitrary>], iteration_bounds = array<i64: 4>, scalar_prefetch = 0 : i64, scratch_operands = 0 : i64, tpu.core_type = #tpu.core_type<tc>, window_params = [{transform_indices = @transform_0, window_bounds = array<i64: 512, 1024>}, {transform_indices = @transform_1, window_bounds = array<i64: 512, 8, 128>}, {transform_indices = @transform_2, window_bounds = array<i64: 512, 8, 128>}, {transform_indices = @transform_3, window_bounds = array<i64: 512, 1>}, {transform_indices = @transform_4, window_bounds = array<i64: 512, 1>}, {transform_indices = @transform_5, window_bounds = array<i64: 512, 1024>}]} {
    %get3A = arith.constant 0 : index
    %get3A_0 = arith.constant 0 : index
    %get3A_1 = arith.constant 0 : index
    %get3A_2 = vector.load %arg2[%get3A, %get3A_0, %get3A_1] : memref<512x8x128xf32, #tpu.memory_space<vmem>>, vector<512x8x128xf32>
    %get3A_3 = arith.constant 0 : index
    %get3A_4 = arith.constant 0 : index
    %get3A_5 = arith.constant 0 : index
    %get3A_6 = vector.load %arg3[%get3A_3, %get3A_4, %get3A_5] : memref<512x8x128xf32, #tpu.memory_space<vmem>>, vector<512x8x128xf32>
    %slice3A = vector.extract_strided_slice %get3A_2 {offsets = [0, 0, 0], sizes = [512, 1, 128], strides = [1, 1, 1]} : vector<512x8x128xf32> to vector<512x1x128xf32>
    %squeeze3A = vector.shape_cast %slice3A : vector<512x1x128xf32> to vector<512x128xf32>
    %slice3A_7 = vector.extract_strided_slice %get3A_2 {offsets = [0, 1, 0], sizes = [512, 1, 128], strides = [1, 1, 1]} : vector<512x8x128xf32> to vector<512x1x128xf32>
    %squeeze3A_8 = vector.shape_cast %slice3A_7 : vector<512x1x128xf32> to vector<512x128xf32>
    %slice3A_9 = vector.extract_strided_slice %get3A_2 {offsets = [0, 2, 0], sizes = [512, 1, 128], strides = [1, 1, 1]} : vector<512x8x128xf32> to vector<512x1x128xf32>
    %squeeze3A_10 = vector.shape_cast %slice3A_9 : vector<512x1x128xf32> to vector<512x128xf32>
    %slice3A_11 = vector.extract_strided_slice %get3A_2 {offsets = [0, 3, 0], sizes = [512, 1, 128], strides = [1, 1, 1]} : vector<512x8x128xf32> to vector<512x1x128xf32>
    %squeeze3A_12 = vector.shape_cast %slice3A_11 : vector<512x1x128xf32> to vector<512x128xf32>
    %slice3A_13 = vector.extract_strided_slice %get3A_2 {offsets = [0, 4, 0], sizes = [512, 1, 128], strides = [1, 1, 1]} : vector<512x8x128xf32> to vector<512x1x128xf32>
    %squeeze3A_14 = vector.shape_cast %slice3A_13 : vector<512x1x128xf32> to vector<512x128xf32>
    %slice3A_15 = vector.extract_strided_slice %get3A_2 {offsets = [0, 5, 0], sizes = [512, 1, 128], strides = [1, 1, 1]} : vector<512x8x128xf32> to vector<512x1x128xf32>
    %squeeze3A_16 = vector.shape_cast %slice3A_15 : vector<512x1x128xf32> to vector<512x128xf32>
    %slice3A_17 = vector.extract_strided_slice %get3A_2 {offsets = [0, 6, 0], sizes = [512, 1, 128], strides = [1, 1, 1]} : vector<512x8x128xf32> to vector<512x1x128xf32>
    %squeeze3A_18 = vector.shape_cast %slice3A_17 : vector<512x1x128xf32> to vector<512x128xf32>
    %slice3A_19 = vector.extract_strided_slice %get3A_2 {offsets = [0, 7, 0], sizes = [512, 1, 128], strides = [1, 1, 1]} : vector<512x8x128xf32> to vector<512x1x128xf32>
    %squeeze3A_20 = vector.shape_cast %slice3A_19 : vector<512x1x128xf32> to vector<512x128xf32>
    %concatenate3A = tpu.concatenate %squeeze3A, %squeeze3A_8, %squeeze3A_10, %squeeze3A_12, %squeeze3A_14, %squeeze3A_16, %squeeze3A_18, %squeeze3A_20 in 1 : vector<512x128xf32>, vector<512x128xf32>, vector<512x128xf32>, vector<512x128xf32>, vector<512x128xf32>, vector<512x128xf32>, vector<512x128xf32>, vector<512x128xf32> -> vector<512x1024xf32>
    %slice3A_21 = vector.extract_strided_slice %get3A_6 {offsets = [0, 0, 0], sizes = [512, 1, 128], strides = [1, 1, 1]} : vector<512x8x128xf32> to vector<512x1x128xf32>
    %squeeze3A_22 = vector.shape_cast %slice3A_21 : vector<512x1x128xf32> to vector<512x128xf32>
    %slice3A_23 = vector.extract_strided_slice %get3A_6 {offsets = [0, 1, 0], sizes = [512, 1, 128], strides = [1, 1, 1]} : vector<512x8x128xf32> to vector<512x1x128xf32>
    %squeeze3A_24 = vector.shape_cast %slice3A_23 : vector<512x1x128xf32> to vector<512x128xf32>
    %slice3A_25 = vector.extract_strided_slice %get3A_6 {offsets = [0, 2, 0], sizes = [512, 1, 128], strides = [1, 1, 1]} : vector<512x8x128xf32> to vector<512x1x128xf32>
    %squeeze3A_26 = vector.shape_cast %slice3A_25 : vector<512x1x128xf32> to vector<512x128xf32>
    %slice3A_27 = vector.extract_strided_slice %get3A_6 {offsets = [0, 3, 0], sizes = [512, 1, 128], strides = [1, 1, 1]} : vector<512x8x128xf32> to vector<512x1x128xf32>
    %squeeze3A_28 = vector.shape_cast %slice3A_27 : vector<512x1x128xf32> to vector<512x128xf32>
    %slice3A_29 = vector.extract_strided_slice %get3A_6 {offsets = [0, 4, 0], sizes = [512, 1, 128], strides = [1, 1, 1]} : vector<512x8x128xf32> to vector<512x1x128xf32>
    %squeeze3A_30 = vector.shape_cast %slice3A_29 : vector<512x1x128xf32> to vector<512x128xf32>
    %slice3A_31 = vector.extract_strided_slice %get3A_6 {offsets = [0, 5, 0], sizes = [512, 1, 128], strides = [1, 1, 1]} : vector<512x8x128xf32> to vector<512x1x128xf32>
    %squeeze3A_32 = vector.shape_cast %slice3A_31 : vector<512x1x128xf32> to vector<512x128xf32>
    %slice3A_33 = vector.extract_strided_slice %get3A_6 {offsets = [0, 6, 0], sizes = [512, 1, 128], strides = [1, 1, 1]} : vector<512x8x128xf32> to vector<512x1x128xf32>
    %squeeze3A_34 = vector.shape_cast %slice3A_33 : vector<512x1x128xf32> to vector<512x128xf32>
    %slice3A_35 = vector.extract_strided_slice %get3A_6 {offsets = [0, 7, 0], sizes = [512, 1, 128], strides = [1, 1, 1]} : vector<512x8x128xf32> to vector<512x1x128xf32>
    %squeeze3A_36 = vector.shape_cast %slice3A_35 : vector<512x1x128xf32> to vector<512x128xf32>
    %concatenate3A_37 = tpu.concatenate %squeeze3A_22, %squeeze3A_24, %squeeze3A_26, %squeeze3A_28, %squeeze3A_30, %squeeze3A_32, %squeeze3A_34, %squeeze3A_36 in 1 : vector<512x128xf32>, vector<512x128xf32>, vector<512x128xf32>, vector<512x128xf32>, vector<512x128xf32>, vector<512x128xf32>, vector<512x128xf32>, vector<512x128xf32> -> vector<512x1024xf32>
    %get3A_38 = arith.constant 0 : index
    %get3A_39 = arith.constant 0 : index
    %get3A_40 = vector.load %arg1[%get3A_38, %get3A_39] : memref<512x1024xf32, #tpu.memory_space<vmem>>, vector<512x1024xf32>
    %get3A_41 = arith.constant 0 : index
    %get3A_42 = arith.constant 0 : index
    %get3A_43 = vector.load %arg4[%get3A_41, %get3A_42] : memref<512x1xf32, #tpu.memory_space<vmem>>, vector<512x1xf32>
    %mul3A = vector.broadcast %get3A_43 : vector<512x1xf32> to vector<512x1024xf32>
    %mul3A_44 = arith.mulf %mul3A, %concatenate3A : vector<512x1024xf32>
    %add3A = arith.addf %get3A_40, %mul3A_44 : vector<512x1024xf32>
    %get3A_45 = arith.constant 0 : index
    %get3A_46 = arith.constant 0 : index
    %get3A_47 = vector.load %arg5[%get3A_45, %get3A_46] : memref<512x1xf32, #tpu.memory_space<vmem>>, vector<512x1xf32>
    %mul3A_48 = vector.broadcast %get3A_47 : vector<512x1xf32> to vector<512x1024xf32>
    %mul3A_49 = arith.mulf %mul3A_48, %concatenate3A_37 : vector<512x1024xf32>
    %add3A_50 = arith.addf %add3A, %mul3A_49 : vector<512x1024xf32>
    %swap3A = arith.constant 0 : index
    %swap3A_51 = arith.constant 0 : index
    %swap3A_52 = vector.load %arg6[%swap3A, %swap3A_51] : memref<512x1024xf32, #tpu.memory_space<vmem>>, vector<512x1024xf32>
    tpu.vector_store %arg6[%swap3A, %swap3A_51], %add3A_50 {strides = array<i32>} : memref<512x1024xf32, #tpu.memory_space<vmem>>, vector<512x1024xf32>,
    return
  }
  func.func @transform_0(%arg0: i32) -> (i32, i32) {
    %c0_i32 = arith.constant 0 : i32
    %c0_i32_0 = arith.constant 0 : i32
    return %arg0, %c0_i32 : i32, i32
  }
  func.func @transform_1(%arg0: i32) -> (i32, i32, i32) {
    %c0_i32 = arith.constant 0 : i32
    %c0_i32_0 = arith.constant 0 : i32
    %c0_i32_1 = arith.constant 0 : i32
    return %arg0, %c0_i32, %c0_i32_0 : i32, i32, i32
  }
  func.func @transform_2(%arg0: i32) -> (i32, i32, i32) {
    %c0_i32 = arith.constant 0 : i32
    %c0_i32_0 = arith.constant 0 : i32
    %c0_i32_1 = arith.constant 0 : i32
    return %arg0, %c0_i32, %c0_i32_0 : i32, i32, i32
  }
  func.func @transform_3(%arg0: i32) -> (i32, i32) {
    %c0_i32 = arith.constant 0 : i32
    %c0_i32_0 = arith.constant 0 : i32
    return %arg0, %c0_i32 : i32, i32
  }
  func.func @transform_4(%arg0: i32) -> (i32, i32) {
    %c0_i32 = arith.constant 0 : i32
    %c0_i32_0 = arith.constant 0 : i32
    return %arg0, %c0_i32 : i32, i32
  }
  func.func @transform_5(%arg0: i32) -> (i32, i32) {
    %c0_i32 = arith.constant 0 : i32
    %c0_i32_0 = arith.constant 0 : i32
    return %arg0, %c0_i32 : i32, i32
  }
}

</mosaic_0001>

<sc_bundles>
// kernel: kernel.10.cloned.1.call-start
scs
__scs_entry_jumppad:
0x0: {  	(pc) =	sbr.rel $0x88, $3  }
0x1: {  	(tag) =	ssettag $0x0;
	lr =	simm.s32 $0x1  }
0x2: {  	[smem:$0x3F94] =	sst lr;
	_ =	strace $0xD0000000  }
0x3: {  	_ = 	snop  }
0x4: {  	_ = 	snop  }
0x5: {  	_ = 	snop  }
0x6: {  	_ = 	snop  }
0x7: {  	_ = 	snop  }
__scs_overlays_trampoline_lowered:
0x8: {  	[smem:$0x3FA3] =	sst s0  }
0x9: {  	[smem:$0x3FA4] =	sst s1  }
0xa: {  	[smem:$0x3FA5] =	sst s2  }
0xb: {  	[smem:$0x3FA6] =	sst s3  }
0xc: {  	[smem:$0x3FA7] =	sst s4  }
0xd: {  	[smem:$0x3FA8] =	sst s5  }
0xe: {  	[smem:$0x3FA9] =	sst s6  }
0xf: {  	[smem:$0x3FAA] =	sst s7  }
0x10: {  	[smem:$0x3FAB] =	sst s8  }
0x11: {  	[smem:$0x3FAC] =	sst s9;
	s0 =	simm.s32 @!p0 $0x0  }
0x12: {  	s1 =	sld [smem:$0x3F92];
	s0 =	simm.s32 @p0 $0x1  }
0x13: {  	[smem:$0x3FAD] =	sst s0;
	s0 =	simm.s32 @!p1 $0x0  }
0x14: {  	s2 =	sld [smem:$0x3F91];
	s0 =	simm.s32 @p1 $0x1  }
0x15: {  	[smem:$0x3FAE] =	sst s0;
	s0 =	simm.s32 @!p2 $0x0  }
0x16: {  	s3 =	sld [smem:$0x3FDB];
	s0 =	simm.s32 @p2 $0x1  }
0x17: {  	s4 =	simm.s32 $0x1BF5;
	[smem:$0x3FB0] =	sst s0  }
0x18: {  	s0 =	sld [smem:$0x3F93];
	_ =	swait.ge [sflag:s4], $0x0  }
0x19: {  	s7 =	sld [smem:$0x3F94]  }
0x1a: {  	s8 =	sadd.s32 $0xFFFFE003, lr  }
0x1b: {  	s9 =	sadd.s32 $0xFFFFFEF7, lr;
	s5 =	simm.s32 $0xFFFFFFFF;
	p2 =	slt.u32 s8, $0xFFFFF086  }
0x1c: {  	p1 =	slt.u32 s9, $0xF7A;
	s5 =	simm.s32 @!p2 $0x0  }
0x1d: {  	s5 =	simm.s32 @p1 $0x1;
	p0 =	seq.s32 s7, s2  }
0x1e: {  	s7 =	smul.u32 @!p0 $0xF7A, s2;
	p2 =	seq.s32 @!p0 s5, $0x0  }
0x1f: {  	s9 =	smul.u32 $0xF7A, s1;
	s8 =	simm.s32 @!p0 $0x1BF5;
	p2 =	por !p2, p0  }
0x20: {  	[sflag:s8] =	ssyncset.s32 @!p0 $0xFFFFF086;
	s6 =	sadd.s32 @!p0 s3, s7;
	s7 =	simm.s32 @!p0 $0x108  }
0x21: {  	s3 =	sadd.s32 s3, s9;
	s6 =	sadd.s32 @!p0 $0x88, s6;
	s7 =	simm.s32 @p2 $0x1082  }
0x22: {  	[simem:s7], [sflag:s8] =	dma.local @!p0 [hbm:s6], $0xF7A  }
0x23: {  	s9 =	sor.u32 $0xD0000000, s2;
	s6 =	simm.s32 $0x108;
	_ =	swait.ge @!p0 [sflag:s8], $0x0  }
0x24: {  	s3 =	sadd.s32 $0x88, s3;
	s6 =	simm.s32 @!p1 $0x1082;
	[sflag:s4] =	ssyncset.s32 $0xFFFFF086  }
0x25: {  	[simem:s6], [sflag:s4] =	dma.local [hbm:s3], $0xF7A  }
0x26: {  	[smem:$0x3F94] =	sst s1;
	(tag) =	ssettag s2;
	_ =	strace s9  }
0x27: {  	s1 =	sld [smem:$0x3FA4]  }
0x28: {  	s2 =	sld [smem:$0x3FA5]  }
0x29: {  	s4 =	sld [smem:$0x3FA7]  }
0x2a: {  	p0 =	seq.s32 s5, $0x0;
	s5 =	sld [smem:$0x3FA8]  }
0x2b: {  	s6 =	sld [smem:$0x3FA9]  }
0x2c: {  	s7 =	sld [smem:$0x3FAA]  }
0x2d: {  	s3 =	simm.s32 $0x108;
	s8 =	sld [smem:$0x3FAB]  }
0x2e: {  	s3 =	simm.s32 @!p0 $0x1082;
	s9 =	sld [smem:$0x3FAC]  }
0x2f: {  	lr =	sadd.s32 s0, s3;
	s0 =	sld [smem:$0x3FA3]  }
0x30: {  	s3 =	sld [smem:$0x3FA6]  }
0x31: {  	[smem:$0x3FAF] =	sst s10  }
0x32: {  	s10 =	sld [smem:$0x3FAD];
	_ =	sdelay $0x3  }
0x33: {  	p0 =	seq.s32 s10, $0x1;
	s10 =	sld [smem:$0x3FAF];
	_ =	sdelay $0x3  }
0x34: {  	[smem:$0x3FAF] =	sst s10  }
0x35: {  	s10 =	sld [smem:$0x3FAE];
	_ =	sdelay $0x3  }
0x36: {  	p1 =	seq.s32 s10, $0x1;
	s10 =	sld [smem:$0x3FAF];
	_ =	sdelay $0x3  }
0x37: {  	[smem:$0x3FAF] =	sst s10  }
0x38: {  	s10 =	sld [smem:$0x3FB0]  }
0x39: {  	_ = 	snop;
	(pc) =	sbr.ind lr, $3  }
0x3a: {  	_ = 	snop  }
0x3b: {  	_ = 	snop  }
0x3c: {  	p2 =	seq.s32 s10, $0x1;
	s10 =	sld [smem:$0x3FAF]  }
0x3d: {  	_ =	shalt  }
0x3e: {  	_ =	shalt  }
0x3f: {  	_ =	shalt  }
0x40: {  	_ =	shalt  }
0x41: {  	_ =	shalt  }
0x42: {  	_ =	shalt  }
0x43: {  	_ =	shalt  }
0x44: {  	_ =	shalt  }
0x45: {  	_ =	shalt  }
0x46: {  	_ =	shalt  }
0x47: {  	_ =	shalt  }
0x48: {  	_ =	shalt  }
0x49: {  	_ =	shalt  }
0x4a: {  	_ =	shalt  }
0x4b: {  	_ =	shalt  }
0x4c: {  	_ =	shalt  }
0x4d: {  	_ =	shalt  }
0x4e: {  	_ =	shalt  }
0x4f: {  	_ =	shalt  }
0x50: {  	_ =	shalt  }
0x51: {  	_ =	shalt  }
0x52: {  	_ =	shalt  }
0x53: {  	_ =	shalt  }
0x54: {  	_ =	shalt  }
0x55: {  	_ =	shalt  }
0x56: {  	_ =	shalt  }
0x57: {  	_ =	shalt  }
0x58: {  	_ =	shalt  }
0x59: {  	_ =	shalt  }
0x5a: {  	_ =	shalt  }
0x5b: {  	_ =	shalt  }
0x5c: {  	_ =	shalt  }
0x5d: {  	_ =	shalt  }
0x5e: {  	_ =	shalt  }
0x5f: {  	_ =	shalt  }
0x60: {  	_ =	shalt  }
0x61: {  	_ =	shalt  }
0x62: {  	_ =	shalt  }
0x63: {  	_ =	shalt  }
0x64: {  	_ =	shalt  }
0x65: {  	_ =	shalt  }
0x66: {  	_ =	shalt  }
0x67: {  	_ =	shalt  }
0x68: {  	_ =	shalt  }
0x69: {  	_ =	shalt  }
0x6a: {  	_ =	shalt  }
0x6b: {  	_ =	shalt  }
0x6c: {  	_ =	shalt  }
0x6d: {  	_ =	shalt  }
0x6e: {  	_ =	shalt  }
0x6f: {  	_ =	shalt  }
0x70: {  	_ =	shalt  }
0x71: {  	_ =	shalt  }
0x72: {  	_ =	shalt  }
0x73: {  	_ =	shalt  }
0x74: {  	_ =	shalt  }
0x75: {  	_ =	shalt  }
0x76: {  	_ =	shalt  }
0x77: {  	_ =	shalt  }
0x78: {  	_ =	shalt  }
0x79: {  	_ =	shalt  }
0x7a: {  	_ =	shalt  }
0x7b: {  	_ =	shalt  }
0x7c: {  	_ =	shalt  }
0x7d: {  	_ =	shalt  }
0x7e: {  	_ =	shalt  }
0x7f: {  	_ =	shalt  }
0x80: {  	_ =	shalt  }
0x81: {  	_ =	shalt  }
0x82: {  	_ =	shalt  }
0x83: {  	_ =	shalt  }
0x84: {  	_ =	shalt  }
0x85: {  	_ =	shalt  }
0x86: {  	_ =	shalt  }
0x87: {  	_ =	shalt  }
.Lfunc_end0:
.L_simem_size_0:
called_computation_lowered:
.L_overlay_start_0:
0x88: {  	s2 =	sld [smem:$0x3FD9]  }
0x89: {  	s3 =	sld [smem:$0x3FFE];
	_ =	sdelay $0x1  }
0x8a: {  	s1 =	srdreg.scid  }
0x8b: {  	s0 =	sand.u32 $0x1, s1  }
0x8c: {  	s17 =	sshll.u32 s0, $0xA;
	s2 =	sadd.s32 s3, s2  }
0x8d: {  	s2 =	sadd.s32 s2, s17  }
0x8e: {  	[smem:$0x3FBB] =	sst s2  }
0x8f: {  	_ = 	snop  }
0x90: {  	s2 =	sld [smem:$0x3FD0];
	(tm) =	ssettm $0x1  }
0x91: {  	s18 =	sld [smem:$0x3FFB];
	_ =	sdelay $0x3  }
0x92: {  	_ =	strace s18  }
0x93: {  	s3 =	sld [smem:$0x3FFC];
	_ =	sdelay $0x3  }
0x94: {  	_ =	strace s3  }
0x95: {  	s3 =	sld [smem:$0x3FFD];
	_ =	sdelay $0x3  }
0x96: {  	_ =	strace s3  }
0x97: {  	_ =	strace $0x8FFFFFFF  }
0x98: {  	s19 =	sld [smem:$0x3FDB];
	_ =	sdelay $0x1  }
0x99: {  	s4 =	simm.s32 $_scs_section_size  }
0x9a: {  	s5 =	simm.s32 $_size__tile_overlayer_lowered;
	s6 =	simm.s32 $_tile_overlayer_lowered  }
0x9b: {  	s22 =	simm.s32 $0x1BFF;
	s21 =	sshll.u32 s6, $0x1;
	s3 =	sadd.s32 s4, s19  }
0x9c: {  	s7 =	simm.s32 $0x0;
	s20 =	sshll.u32 s5, $0x1;
	s5 =	sadd.s32 s21, s3  }
0x9d: {  	[timem:s7], [sflag:s22] =	dma.local [hbm:s5], s20  }
0x9e: {  	_ =	swait.ge [sflag:s22], s20  }
0x9f: {  	s4 =	ssub.s32 $0x0, s20;
	[sflag:s22] =	ssyncset.done $0x0  }
0xa0: {  	[sflag:s22] =	ssyncadd.s32 s4;
	_ =	sdelay $0x1  }
0xa1: {  	s23 =	simm.s32 $0x1B8B  }
0xa2: {  	_ =	swait.ge [sflag:s23], $0x1  }
0xa3: {  	[sflag:s23] =	ssyncset.done $0x0  }
0xa4: {  	s25 =	simm.s32 $0x1B8E;
	s24 =	sld [smem:$0x3FFE];
	[sflag:s23] =	ssyncadd.s32 $0xFFFFFFFF  }
0xa5: {  	s26 =	simm.s32 $execute0_lowered;
	[smem:$0x3FD2] =	sst s25  }
0xa6: {  	s5 =	sshll.u32 s26, $0x1;
	_ =	strace $0x80000046;
	[dreg:$0x1] =	wrdreg $0xFFFFFFFF  }
0xa7: {  	s28 =	simm.s32 $_size_execute0_lowered;
	s3 =	sadd.s32 s3, s5;
	[dreg:$0x0] =	wrdreg $0x0  }
0xa8: {  	s5 =	sshll.u32 s28, $0x1;
	[dreg:$0x2] =	wrdreg s3  }
0xa9: {  	[dreg:$0x3] =	wrdreg s5  }
0xaa: {  	[dreg:$0x4] =	wrdreg $0xC0  }
0xab: {  	_ =	task [dreg:s7], $0x5FFFF  }
0xac: {  	[dreg:$0x1] =	wrdreg $0xFFFFFFFF  }
0xad: {  	[dreg:$0x0] =	wrdreg $0x60  }
0xae: {  	[dreg:$0x2] =	wrdreg s2  }
0xaf: {  	[dreg:$0x3] =	wrdreg s24  }
0xb0: {  	[dreg:$0x4] =	wrdreg $0x9  }
0xb1: {  	_ =	task.clear_ibuf [dreg:s7], $0x5FFFF;
	_ =	strace $0x90000046  }
0xb2: {  	s29 =	simm.s32 $0x9;
	_ =	strace $0x80000048  }
0xb3: {  	_ =	swait.ge [sflag:s29], $0x1  }
0xb4: {  	[sflag:s29] =	ssyncadd.s32 $0xFFFFFFFF  }
0xb5: {  	_ =	strace $0x90000048  }
0xb6: {  	_ =	sfence  }
0xb7: {  	s30 =	sld [smem:$0x0];
	_ =	sdelay $0x2  }
0xb8: {  	s31 =	sshll.u32 s1, $0xD;
	s1 =	sshrl.u32 s1, $0x2  }
0xb9: {  	s3 =	sand.u32 $0x4000, s31;
	s1 =	sadd.s32 s1, s30  }
0xba: {  	s0 =	sor.u32 s3, s0;
	s1 =	sshll.u32 s1, $0x11  }
0xbb: {  	s0 =	sor.u32 s1, s0  }
0xbc: {  	s0 =	sadd.s32 $0x8F2B, s0  }
0xbd: {  	[sflag:s0] =	ssyncadd.remote.s32 $0x1  }
0xbe: {  	_ =	sfence.sel $0xFFFF  }
0xbf: {  	[dreg:$0x0] =	wrdreg $0xFFFFFFFF;
	(pc) =	sbr.abs _section_cstart, $3  }
0xc0: {  	[dreg:$0x1] =	wrdreg $0xFFFFFFFF  }
0xc1: {  	_ =	task.clear_ibuf [dreg:s7], $0x2FFFF;
	_ =	strace $0x9FFFFFFF  }
0xc2: {  	(tm) =	ssettm $0x7FFFFFFF  }
0xc3: {  	_ =	shalt  }
tec
execute0_lowered:
.L_overlay_start_1:
0x0: {  	(tag) =	ssettag $0x1  }
0x1: {  	s1 =	srdreg.scid  }
0x2: {  	s0 =	stileid.u32;
	s10 =	sand.u32 $0x1, s1  }
0x3: {  	s31 =	sshll.u32 s0, $0x7;
	s2 =	sshll.u32 s10, $0x6  }
0x4: {  	s7 =	rddreg [dreg:$0x0];
	s8 =	sor.u32 s2, s31  }
0x5: {  	s9 =	rddreg [dreg:$0x1];
	s2 =	simm.s32 $0x0;
	s3 =	sshrl.u32 s8, $0x3  }
0x6: {  	s4 =	simm.s32 $0x2;
	[smem:$0x7FF] =	sst s2;
	s5 =	sadd.s32 s3, s9  }
0x7: {  	s1 =	rddreg [dreg:$0x2];
	_ =	strace $0x80000047;
	s3 =	sadd.s32 $0x1800, s5  }
0x8: {  	[tilespmem:s2], [sflag:$0x2] =	stream.linear.gather [hbm4b:s3+s2], $0x40, $0x38;
	[tilespmem:$0x10100] =	vst v63  }
0x9: {  	_ =	swait.ge [sflag:s4], $0x40  }
0xa: {  	[sflag:s4] =	ssyncset.done $0x0  }
0xb: {  	s6 =	simm.s32 $0x80;
	s5 =	sadd.s32 $0x1A00, s5;
	[sflag:s4] =	ssyncadd.s32 $0xFFFFFFC0  }
0xc: {  	[tilespmem:s6], [sflag:$0x2] =	stream.linear.gather [hbm4b:s5+s2], $0x40, $0x38;
	[tilespmem:$0x10100] =	vst v63  }
0xd: {  	_ =	swait.ge [sflag:s4], $0x40  }
0xe: {  	s12 =	ssub.s32 $0x2, s10;
	s8 =	sshll.u32 s8, $0x7;
	[sflag:s4] =	ssyncset.done $0x0  }
0xf: {  	s7 =	sadd.s32 s7, s8;
	s8 =	simm.s32 $0x100;
	[sflag:s4] =	ssyncadd.s32 $0xFFFFFFC0  }
0x10: {  	[tilespmem:s8], [sflag:$0x2] =	stream.linear.gather [hbm4b:s7+s2], $0x10000, $0x38;
	[tilespmem:$0x10100] =	vst v63  }
0x11: {  	s11 =	simm.s32 $0x40;
	s13 =	sshrl.u32 s12, $0x1;
	_ =	swait.ge [sflag:s4], $0x10000  }
0x12: {  	s10 =	simm.s32 $0x1;
	s12 =	ssub.s32 s12, s13;
	[sflag:s4] =	ssyncset.done $0x0  }
0x13: {  	s9 =	sadd.s32 $0x1C00, s9;
	s12 =	smax.u32 s12, $0x1;
	[sflag:s4] =	ssyncadd.s32 $0xFFFF0000  }
0x14: {  	[hbm4b:s9+s11] =	stream.indirect.scatter [tilespmem:s8], [sflag:$0x1], $0x400, s2, s11, $0xb8;
	[tilespmem:$0x10100] =	vst v63  }
0x15: {  	p0 =	sne.s32 s12, $0x1;
	_ =	swait.ge [sflag:s10], $0x10000  }
.Ltmp0:
0x16: {  	[sflag:s10] =	ssyncset.done $0x0;
	(pc) =	sbr.rel @!p0 .LBB2_2-.Ltmp0, $4  }
0x17: {  	[sflag:s10] =	ssyncadd.s32 $0xFFFF0000  }
0x18: {  	[hbm4b:s9+s11] =	stream.indirect.scatter [tilespmem:s8], [sflag:$0x1], $0x400, s6, s11, $0xb8;
	[tilespmem:$0x10100] =	vst v63  }
0x19: {  	_ =	swait.ge [sflag:s10], $0x10000  }
0x1a: {  	s12 =	sadd.s32 $0xFFFFFFFF, s12;
	[sflag:s10] =	ssyncset.done $0x0  }
.LBB2_1:
0x1b: {  	p0 =	sne.s32 s12, $0x1;
	s12 =	sadd.s32 $0xFFFFFFFF, s12;
	[sflag:s10] =	ssyncadd.s32 $0xFFFF0000  }
0x1c: {  	[tilespmem:s2], [sflag:$0x2] =	stream.linear.gather [hbm4b:s3+s2], $0x40, $0x38;
	[tilespmem:$0x10100] =	vst v63  }
0x1d: {  	_ =	swait.ge [sflag:s4], $0x40  }
0x1e: {  	[sflag:s4] =	ssyncset.done $0x0  }
0x1f: {  	[sflag:s4] =	ssyncadd.s32 $0xFFFFFFC0  }
0x20: {  	[tilespmem:s6], [sflag:$0x2] =	stream.linear.gather [hbm4b:s5+s2], $0x40, $0x38;
	[tilespmem:$0x10100] =	vst v63  }
0x21: {  	_ =	swait.ge [sflag:s4], $0x40  }
0x22: {  	[sflag:s4] =	ssyncset.done $0x0  }
0x23: {  	[sflag:s4] =	ssyncadd.s32 $0xFFFFFFC0  }
0x24: {  	[tilespmem:s8], [sflag:$0x2] =	stream.linear.gather [hbm4b:s7+s2], $0x10000, $0x38;
	[tilespmem:$0x10100] =	vst v63  }
0x25: {  	_ =	swait.ge [sflag:s4], $0x10000  }
0x26: {  	[sflag:s4] =	ssyncset.done $0x0  }
0x27: {  	[sflag:s4] =	ssyncadd.s32 $0xFFFF0000  }
0x28: {  	[hbm4b:s9+s11] =	stream.indirect.scatter [tilespmem:s8], [sflag:$0x1], $0x400, s2, s11, $0xb8;
	[tilespmem:$0x10100] =	vst v63  }
0x29: {  	_ =	swait.ge [sflag:s10], $0x10000  }
.Ltmp1:
0x2a: {  	[sflag:s10] =	ssyncset.done $0x0;
	(pc) =	sbr.rel @p0 .LBB2_1-.Ltmp1, $4  }
0x2b: {  	[sflag:s10] =	ssyncadd.s32 $0xFFFF0000  }
0x2c: {  	[hbm4b:s9+s11] =	stream.indirect.scatter [tilespmem:s8], [sflag:$0x1], $0x400, s6, s11, $0xb8;
	[tilespmem:$0x10100] =	vst v63  }
0x2d: {  	_ =	swait.ge [sflag:s10], $0x10000  }
0x2e: {  	[sflag:s10] =	ssyncset.done $0x0  }
.LBB2_2:
0x2f: {  	[sflag:s10] =	ssyncadd.s32 $0xFFFF0000  }
0x30: {  	_ =	sfence.sel $0x180000  }
0x31: {  	[bflag:$0x0] =	sbarrier.arrive $0xFFFF  }
0x32: {  	p0 =	sne.s32 s0, $0x0;
	_ =	strace $0x90000047  }
0x33: {  	s0 =	sadd.s32 @!p0 $0x100000, s1;
	[bflag:$0x2] =	sbarrier.arrive $0xFFFF  }
0x34: {  	[sflag:s0] =	ssyncadd.tile.s32 @!p0 $0x1;
	_ =	shalt  }
.Lfunc_end2:
_tile_overlayer_lowered:
.L_overlay_start_2:
0x35: {  	(tag) =	ssettag $0x2  }
0x36: {  	s0 =	rddreg [dreg:$0x0];
	s2 =	stileid.u32  }
0x37: {  	s1 =	rddreg [dreg:$0x1];
	p0 =	sne.s32 s2, $0x0  }
0x38: {  	s3 =	rddreg [dreg:$0x2];
	[bflag:$0x3] =	sbarrier.arrive $0xFFFF;
	s2 =	simm.s32 @!p0 $0x1C02  }
0x39: {  	[timem:s3], [sflag:s2] =	dma.local @!p0 [hbm:s0], s1  }
0x3a: {  	s0 =	simm.s32 @!p0 $0x2  }
0x3b: {  	_ =	swait.ge @!p0 [sflag:s0], s1  }
0x3c: {  	s1 =	ssub.s32 @!p0 $0x0, s1;
	[sflag:s0] =	ssyncset.done @!p0 $0x0  }
0x3d: {  	[sflag:s0] =	ssyncadd.s32 @!p0 s1  }
0x3e: {  	[bflag:$0x3] =	sbarrier.arrive $0xFFFF  }
0x3f: {  	_ =	shalt  }

// kernel: kernel.13.cloned.1.call-start
scs
__scs_entry_jumppad:
0x0: {  	(pc) =	sbr.rel $0x88, $3  }
0x1: {  	(tag) =	ssettag $0x0;
	lr =	simm.s32 $0x1  }
0x2: {  	[smem:$0x3F94] =	sst lr;
	_ =	strace $0xD0000000  }
0x3: {  	_ = 	snop  }
0x4: {  	_ = 	snop  }
0x5: {  	_ = 	snop  }
0x6: {  	_ = 	snop  }
0x7: {  	_ = 	snop  }
__scs_overlays_trampoline_lowered:
0x8: {  	[smem:$0x3FA3] =	sst s0  }
0x9: {  	[smem:$0x3FA4] =	sst s1  }
0xa: {  	[smem:$0x3FA5] =	sst s2  }
0xb: {  	[smem:$0x3FA6] =	sst s3  }
0xc: {  	[smem:$0x3FA7] =	sst s4  }
0xd: {  	[smem:$0x3FA8] =	sst s5  }
0xe: {  	[smem:$0x3FA9] =	sst s6  }
0xf: {  	[smem:$0x3FAA] =	sst s7  }
0x10: {  	[smem:$0x3FAB] =	sst s8  }
0x11: {  	[smem:$0x3FAC] =	sst s9;
	s0 =	simm.s32 @!p0 $0x0  }
0x12: {  	s1 =	sld [smem:$0x3F92];
	s0 =	simm.s32 @p0 $0x1  }
0x13: {  	[smem:$0x3FAD] =	sst s0;
	s0 =	simm.s32 @!p1 $0x0  }
0x14: {  	s2 =	sld [smem:$0x3F91];
	s0 =	simm.s32 @p1 $0x1  }
0x15: {  	[smem:$0x3FAE] =	sst s0;
	s0 =	simm.s32 @!p2 $0x0  }
0x16: {  	s3 =	sld [smem:$0x3FDB];
	s0 =	simm.s32 @p2 $0x1  }
0x17: {  	s4 =	simm.s32 $0x1BF5;
	[smem:$0x3FB0] =	sst s0  }
0x18: {  	s0 =	sld [smem:$0x3F93];
	_ =	swait.ge [sflag:s4], $0x0  }
0x19: {  	s7 =	sld [smem:$0x3F94]  }
0x1a: {  	s8 =	sadd.s32 $0xFFFFE003, lr  }
0x1b: {  	s9 =	sadd.s32 $0xFFFFFEF7, lr;
	s5 =	simm.s32 $0xFFFFFFFF;
	p2 =	slt.u32 s8, $0xFFFFF086  }
0x1c: {  	p1 =	slt.u32 s9, $0xF7A;
	s5 =	simm.s32 @!p2 $0x0  }
0x1d: {  	s5 =	simm.s32 @p1 $0x1;
	p0 =	seq.s32 s7, s2  }
0x1e: {  	s7 =	smul.u32 @!p0 $0xF7A, s2;
	p2 =	seq.s32 @!p0 s5, $0x0  }
0x1f: {  	s9 =	smul.u32 $0xF7A, s1;
	s8 =	simm.s32 @!p0 $0x1BF5;
	p2 =	por !p2, p0  }
0x20: {  	[sflag:s8] =	ssyncset.s32 @!p0 $0xFFFFF086;
	s6 =	sadd.s32 @!p0 s3, s7;
	s7 =	simm.s32 @!p0 $0x108  }
0x21: {  	s3 =	sadd.s32 s3, s9;
	s6 =	sadd.s32 @!p0 $0x88, s6;
	s7 =	simm.s32 @p2 $0x1082  }
0x22: {  	[simem:s7], [sflag:s8] =	dma.local @!p0 [hbm:s6], $0xF7A  }
0x23: {  	s9 =	sor.u32 $0xD0000000, s2;
	s6 =	simm.s32 $0x108;
	_ =	swait.ge @!p0 [sflag:s8], $0x0  }
0x24: {  	s3 =	sadd.s32 $0x88, s3;
	s6 =	simm.s32 @!p1 $0x1082;
	[sflag:s4] =	ssyncset.s32 $0xFFFFF086  }
0x25: {  	[simem:s6], [sflag:s4] =	dma.local [hbm:s3], $0xF7A  }
0x26: {  	[smem:$0x3F94] =	sst s1;
	(tag) =	ssettag s2;
	_ =	strace s9  }
0x27: {  	s1 =	sld [smem:$0x3FA4]  }
0x28: {  	s2 =	sld [smem:$0x3FA5]  }
0x29: {  	s4 =	sld [smem:$0x3FA7]  }
0x2a: {  	p0 =	seq.s32 s5, $0x0;
	s5 =	sld [smem:$0x3FA8]  }
0x2b: {  	s6 =	sld [smem:$0x3FA9]  }
0x2c: {  	s7 =	sld [smem:$0x3FAA]  }
0x2d: {  	s3 =	simm.s32 $0x108;
	s8 =	sld [smem:$0x3FAB]  }
0x2e: {  	s3 =	simm.s32 @!p0 $0x1082;
	s9 =	sld [smem:$0x3FAC]  }
0x2f: {  	lr =	sadd.s32 s0, s3;
	s0 =	sld [smem:$0x3FA3]  }
0x30: {  	s3 =	sld [smem:$0x3FA6]  }
0x31: {  	[smem:$0x3FAF] =	sst s10  }
0x32: {  	s10 =	sld [smem:$0x3FAD];
	_ =	sdelay $0x3  }
0x33: {  	p0 =	seq.s32 s10, $0x1;
	s10 =	sld [smem:$0x3FAF];
	_ =	sdelay $0x3  }
0x34: {  	[smem:$0x3FAF] =	sst s10  }
0x35: {  	s10 =	sld [smem:$0x3FAE];
	_ =	sdelay $0x3  }
0x36: {  	p1 =	seq.s32 s10, $0x1;
	s10 =	sld [smem:$0x3FAF];
	_ =	sdelay $0x3  }
0x37: {  	[smem:$0x3FAF] =	sst s10  }
0x38: {  	s10 =	sld [smem:$0x3FB0]  }
0x39: {  	_ = 	snop;
	(pc) =	sbr.ind lr, $3  }
0x3a: {  	_ = 	snop  }
0x3b: {  	_ = 	snop  }
0x3c: {  	p2 =	seq.s32 s10, $0x1;
	s10 =	sld [smem:$0x3FAF]  }
0x3d: {  	_ =	shalt  }
0x3e: {  	_ =	shalt  }
0x3f: {  	_ =	shalt  }
0x40: {  	_ =	shalt  }
0x41: {  	_ =	shalt  }
0x42: {  	_ =	shalt  }
0x43: {  	_ =	shalt  }
0x44: {  	_ =	shalt  }
0x45: {  	_ =	shalt  }
0x46: {  	_ =	shalt  }
0x47: {  	_ =	shalt  }
0x48: {  	_ =	shalt  }
0x49: {  	_ =	shalt  }
0x4a: {  	_ =	shalt  }
0x4b: {  	_ =	shalt  }
0x4c: {  	_ =	shalt  }
0x4d: {  	_ =	shalt  }
0x4e: {  	_ =	shalt  }
0x4f: {  	_ =	shalt  }
0x50: {  	_ =	shalt  }
0x51: {  	_ =	shalt  }
0x52: {  	_ =	shalt  }
0x53: {  	_ =	shalt  }
0x54: {  	_ =	shalt  }
0x55: {  	_ =	shalt  }
0x56: {  	_ =	shalt  }
0x57: {  	_ =	shalt  }
0x58: {  	_ =	shalt  }
0x59: {  	_ =	shalt  }
0x5a: {  	_ =	shalt  }
0x5b: {  	_ =	shalt  }
0x5c: {  	_ =	shalt  }
0x5d: {  	_ =	shalt  }
0x5e: {  	_ =	shalt  }
0x5f: {  	_ =	shalt  }
0x60: {  	_ =	shalt  }
0x61: {  	_ =	shalt  }
0x62: {  	_ =	shalt  }
0x63: {  	_ =	shalt  }
0x64: {  	_ =	shalt  }
0x65: {  	_ =	shalt  }
0x66: {  	_ =	shalt  }
0x67: {  	_ =	shalt  }
0x68: {  	_ =	shalt  }
0x69: {  	_ =	shalt  }
0x6a: {  	_ =	shalt  }
0x6b: {  	_ =	shalt  }
0x6c: {  	_ =	shalt  }
0x6d: {  	_ =	shalt  }
0x6e: {  	_ =	shalt  }
0x6f: {  	_ =	shalt  }
0x70: {  	_ =	shalt  }
0x71: {  	_ =	shalt  }
0x72: {  	_ =	shalt  }
0x73: {  	_ =	shalt  }
0x74: {  	_ =	shalt  }
0x75: {  	_ =	shalt  }
0x76: {  	_ =	shalt  }
0x77: {  	_ =	shalt  }
0x78: {  	_ =	shalt  }
0x79: {  	_ =	shalt  }
0x7a: {  	_ =	shalt  }
0x7b: {  	_ =	shalt  }
0x7c: {  	_ =	shalt  }
0x7d: {  	_ =	shalt  }
0x7e: {  	_ =	shalt  }
0x7f: {  	_ =	shalt  }
0x80: {  	_ =	shalt  }
0x81: {  	_ =	shalt  }
0x82: {  	_ =	shalt  }
0x83: {  	_ =	shalt  }
0x84: {  	_ =	shalt  }
0x85: {  	_ =	shalt  }
0x86: {  	_ =	shalt  }
0x87: {  	_ =	shalt  }
.Lfunc_end0:
.L_simem_size_0:
called_computation.1_lowered:
.L_overlay_start_0:
0x88: {  	s2 =	sld [smem:$0x3FD9]  }
0x89: {  	s3 =	sld [smem:$0x3FFE];
	_ =	sdelay $0x1  }
0x8a: {  	s1 =	srdreg.scid  }
0x8b: {  	s0 =	sand.u32 $0x1, s1  }
0x8c: {  	s17 =	sshll.u32 s0, $0xA;
	s2 =	sadd.s32 s3, s2  }
0x8d: {  	s2 =	sadd.s32 s2, s17  }
0x8e: {  	[smem:$0x3FBB] =	sst s2  }
0x8f: {  	_ = 	snop  }
0x90: {  	s2 =	sld [smem:$0x3FD0];
	(tm) =	ssettm $0x1  }
0x91: {  	s18 =	sld [smem:$0x3FFB];
	_ =	sdelay $0x3  }
0x92: {  	_ =	strace s18  }
0x93: {  	s3 =	sld [smem:$0x3FFC];
	_ =	sdelay $0x3  }
0x94: {  	_ =	strace s3  }
0x95: {  	s3 =	sld [smem:$0x3FFD];
	_ =	sdelay $0x3  }
0x96: {  	_ =	strace s3  }
0x97: {  	_ =	strace $0x8FFFFFFF  }
0x98: {  	s19 =	sld [smem:$0x3FDB];
	_ =	sdelay $0x1  }
0x99: {  	s4 =	simm.s32 $_scs_section_size  }
0x9a: {  	s5 =	simm.s32 $_size__tile_overlayer_lowered;
	s6 =	simm.s32 $_tile_overlayer_lowered  }
0x9b: {  	s22 =	simm.s32 $0x1BFF;
	s21 =	sshll.u32 s6, $0x1;
	s3 =	sadd.s32 s4, s19  }
0x9c: {  	s7 =	simm.s32 $0x0;
	s20 =	sshll.u32 s5, $0x1;
	s5 =	sadd.s32 s21, s3  }
0x9d: {  	[timem:s7], [sflag:s22] =	dma.local [hbm:s5], s20  }
0x9e: {  	_ =	swait.ge [sflag:s22], s20  }
0x9f: {  	s4 =	ssub.s32 $0x0, s20;
	[sflag:s22] =	ssyncset.done $0x0  }
0xa0: {  	[sflag:s22] =	ssyncadd.s32 s4;
	_ =	sdelay $0x1  }
0xa1: {  	s23 =	simm.s32 $0x1B8B  }
0xa2: {  	_ =	swait.ge [sflag:s23], $0x1  }
0xa3: {  	[sflag:s23] =	ssyncset.done $0x0  }
0xa4: {  	s25 =	simm.s32 $0x1B8E;
	s24 =	sld [smem:$0x3FFE];
	[sflag:s23] =	ssyncadd.s32 $0xFFFFFFFF  }
0xa5: {  	s26 =	simm.s32 $execute0_lowered;
	[smem:$0x3FD2] =	sst s25  }
0xa6: {  	s5 =	sshll.u32 s26, $0x1;
	_ =	strace $0x80000049;
	[dreg:$0x1] =	wrdreg $0xFFFFFFFF  }
0xa7: {  	s28 =	simm.s32 $_size_execute0_lowered;
	s3 =	sadd.s32 s3, s5;
	[dreg:$0x0] =	wrdreg $0x0  }
0xa8: {  	s5 =	sshll.u32 s28, $0x1;
	[dreg:$0x2] =	wrdreg s3  }
0xa9: {  	[dreg:$0x3] =	wrdreg s5  }
0xaa: {  	[dreg:$0x4] =	wrdreg $0xC0  }
0xab: {  	_ =	task [dreg:s7], $0x5FFFF  }
0xac: {  	[dreg:$0x1] =	wrdreg $0xFFFFFFFF  }
0xad: {  	[dreg:$0x0] =	wrdreg $0x60  }
0xae: {  	[dreg:$0x2] =	wrdreg s24  }
0xaf: {  	[dreg:$0x3] =	wrdreg s2  }
0xb0: {  	[dreg:$0x4] =	wrdreg $0x9  }
0xb1: {  	_ =	task.clear_ibuf [dreg:s7], $0x5FFFF;
	_ =	strace $0x90000049  }
0xb2: {  	s29 =	simm.s32 $0x9;
	_ =	strace $0x8000004B  }
0xb3: {  	_ =	swait.ge [sflag:s29], $0x1  }
0xb4: {  	[sflag:s29] =	ssyncadd.s32 $0xFFFFFFFF  }
0xb5: {  	_ =	strace $0x9000004B  }
0xb6: {  	_ =	sfence  }
0xb7: {  	s30 =	sld [smem:$0x0];
	_ =	sdelay $0x2  }
0xb8: {  	s31 =	sshll.u32 s1, $0xD;
	s1 =	sshrl.u32 s1, $0x2  }
0xb9: {  	s3 =	sand.u32 $0x4000, s31;
	s1 =	sadd.s32 s1, s30  }
0xba: {  	s0 =	sor.u32 s3, s0;
	s1 =	sshll.u32 s1, $0x11  }
0xbb: {  	s0 =	sor.u32 s1, s0  }
0xbc: {  	s0 =	sadd.s32 $0x8F2B, s0  }
0xbd: {  	[sflag:s0] =	ssyncadd.remote.s32 $0x1  }
0xbe: {  	_ =	sfence.sel $0xFFFF  }
0xbf: {  	[dreg:$0x0] =	wrdreg $0xFFFFFFFF;
	(pc) =	sbr.abs _section_cstart, $3  }
0xc0: {  	[dreg:$0x1] =	wrdreg $0xFFFFFFFF  }
0xc1: {  	_ =	task.clear_ibuf [dreg:s7], $0x2FFFF;
	_ =	strace $0x9FFFFFFF  }
0xc2: {  	(tm) =	ssettm $0x7FFFFFFF  }
0xc3: {  	_ =	shalt  }
tec
execute0_lowered:
.L_overlay_start_1:
0x0: {  	(tag) =	ssettag $0x1  }
0x1: {  	s1 =	srdreg.scid  }
0x2: {  	s0 =	stileid.u32;
	s11 =	sand.u32 $0x1, s1  }
0x3: {  	s12 =	rddreg [dreg:$0x0];
	s29 =	sshll.u32 s0, $0x7;
	s2 =	sshll.u32 s11, $0x6  }
0x4: {  	s9 =	rddreg [dreg:$0x1];
	s10 =	sor.u32 s2, s29  }
0x5: {  	s1 =	rddreg [dreg:$0x2];
	s2 =	simm.s32 $0x0;
	s3 =	sshrl.u32 s10, $0x3  }
0x6: {  	[smem:$0x7FF] =	sst s2;
	s13 =	sadd.s32 s3, s12  }
0x7: {  	_ =	strace $0x8000004A;
	s3 =	simm.s32 $0x2;
	s4 =	sadd.s32 $0x1800, s13  }
0x8: {  	[tilespmem:s2], [sflag:$0x2] =	stream.linear.gather [hbm4b:s4+s2], $0x40, $0x38;
	[tilespmem:$0x10080] =	vst v63  }
0x9: {  	_ =	swait.ge [sflag:s3], $0x40  }
0xa: {  	s6 =	simm.s32 $0x40;
	s7 =	simm.s32 $0x80;
	[sflag:s3] =	ssyncset.done $0x0  }
0xb: {  	s8 =	simm.s32 $0x1;
	s5 =	sadd.s32 $0x109C00, s12;
	[sflag:s3] =	ssyncadd.s32 $0xFFFFFFC0  }
0xc: {  	[tilespmem:s7], [sflag:$0x1] =	stream.indirect.gather [hbm4b:s5+s6], $0x400, s2, s6, $0xb8;
	[tilespmem:$0x10080] =	vst v63  }
0xd: {  	_ =	swait.ge [sflag:s8], $0x10000  }
0xe: {  	s14 =	sshll.u32 s10, $0x7;
	[sflag:s8] =	ssyncset.done $0x0  }
0xf: {  	s9 =	sadd.s32 s9, s14;
	[sflag:s8] =	ssyncadd.s32 $0xFFFF0000  }
0x10: {  	[hbm4b:s9+s2] =	stream.linear.scatter [tilespmem:s7], [sflag:$0x2], $0x10000, $0x38;
	[tilespmem:$0x10080] =	vst v63  }
0x11: {  	_ =	swait.ge [sflag:s3], $0x10000  }
0x12: {  	[sflag:s3] =	ssyncset.done $0x0  }
0x13: {  	s11 =	ssub.s32 $0x2, s11;
	s10 =	sadd.s32 $0x1A00, s13;
	[sflag:s3] =	ssyncadd.s32 $0xFFFF0000  }
0x14: {  	[tilespmem:s2], [sflag:$0x2] =	stream.linear.gather [hbm4b:s10+s2], $0x40, $0x38;
	[tilespmem:$0x10080] =	vst v63  }
0x15: {  	s30 =	sshrl.u32 s11, $0x1;
	_ =	swait.ge [sflag:s3], $0x40  }
0x16: {  	s13 =	ssub.s32 s11, s30;
	[sflag:s3] =	ssyncset.done $0x0  }
0x17: {  	s31 =	smax.u32 s13, $0x1;
	[sflag:s3] =	ssyncadd.s32 $0xFFFFFFC0  }
0x18: {  	[tilespmem:s7], [sflag:$0x1] =	stream.indirect.gather [hbm4b:s5+s6], $0x400, s2, s6, $0xb8;
	[tilespmem:$0x10080] =	vst v63  }
0x19: {  	p0 =	sne.s32 s31, $0x1;
	_ =	swait.ge [sflag:s8], $0x10000  }
.Ltmp0:
0x1a: {  	s12 =	sadd.s32 s14, s12;
	[sflag:s8] =	ssyncset.done $0x0;
	(pc) =	sbr.rel @!p0 .LBB2_2-.Ltmp0, $4  }
0x1b: {  	s11 =	sadd.s32 $0x1C00, s12;
	[sflag:s8] =	ssyncadd.s32 $0xFFFF0000  }
0x1c: {  	[hbm4b:s11+s2] =	stream.linear.scatter [tilespmem:s7], [sflag:$0x2], $0x10000, $0x38;
	[tilespmem:$0x10080] =	vst v63  }
0x1d: {  	_ =	swait.ge [sflag:s3], $0x10000  }
0x1e: {  	s12 =	sadd.s32 $0xFFFFFFFF, s31;
	[sflag:s3] =	ssyncset.done $0x0  }
.LBB2_1:
0x1f: {  	p0 =	sne.s32 s12, $0x1;
	s12 =	sadd.s32 $0xFFFFFFFF, s12;
	[sflag:s3] =	ssyncadd.s32 $0xFFFF0000  }
0x20: {  	[tilespmem:s2], [sflag:$0x2] =	stream.linear.gather [hbm4b:s4+s2], $0x40, $0x38;
	[tilespmem:$0x10080] =	vst v63  }
0x21: {  	_ =	swait.ge [sflag:s3], $0x40  }
0x22: {  	[sflag:s3] =	ssyncset.done $0x0  }
0x23: {  	[sflag:s3] =	ssyncadd.s32 $0xFFFFFFC0  }
0x24: {  	[tilespmem:s7], [sflag:$0x1] =	stream.indirect.gather [hbm4b:s5+s6], $0x400, s2, s6, $0xb8;
	[tilespmem:$0x10080] =	vst v63  }
0x25: {  	_ =	swait.ge [sflag:s8], $0x10000  }
0x26: {  	[sflag:s8] =	ssyncset.done $0x0  }
0x27: {  	[sflag:s8] =	ssyncadd.s32 $0xFFFF0000  }
0x28: {  	[hbm4b:s9+s2] =	stream.linear.scatter [tilespmem:s7], [sflag:$0x2], $0x10000, $0x38;
	[tilespmem:$0x10080] =	vst v63  }
0x29: {  	_ =	swait.ge [sflag:s3], $0x10000  }
0x2a: {  	[sflag:s3] =	ssyncset.done $0x0  }
0x2b: {  	[sflag:s3] =	ssyncadd.s32 $0xFFFF0000  }
0x2c: {  	[tilespmem:s2], [sflag:$0x2] =	stream.linear.gather [hbm4b:s10+s2], $0x40, $0x38;
	[tilespmem:$0x10080] =	vst v63  }
0x2d: {  	_ =	swait.ge [sflag:s3], $0x40  }
0x2e: {  	[sflag:s3] =	ssyncset.done $0x0  }
0x2f: {  	[sflag:s3] =	ssyncadd.s32 $0xFFFFFFC0  }
0x30: {  	[tilespmem:s7], [sflag:$0x1] =	stream.indirect.gather [hbm4b:s5+s6], $0x400, s2, s6, $0xb8;
	[tilespmem:$0x10080] =	vst v63  }
0x31: {  	_ =	swait.ge [sflag:s8], $0x10000  }
.Ltmp1:
0x32: {  	[sflag:s8] =	ssyncset.done $0x0;
	(pc) =	sbr.rel @p0 .LBB2_1-.Ltmp1, $4  }
0x33: {  	[sflag:s8] =	ssyncadd.s32 $0xFFFF0000  }
0x34: {  	[hbm4b:s11+s2] =	stream.linear.scatter [tilespmem:s7], [sflag:$0x2], $0x10000, $0x38;
	[tilespmem:$0x10080] =	vst v63  }
0x35: {  	_ =	swait.ge [sflag:s3], $0x10000  }
0x36: {  	[sflag:s3] =	ssyncset.done $0x0  }
.LBB2_2:
0x37: {  	[sflag:s3] =	ssyncadd.s32 $0xFFFF0000  }
0x38: {  	_ =	sfence.sel $0x180000  }
0x39: {  	[bflag:$0x0] =	sbarrier.arrive $0xFFFF  }
0x3a: {  	p0 =	sne.s32 s0, $0x0;
	_ =	strace $0x9000004A  }
0x3b: {  	s0 =	sadd.s32 @!p0 $0x100000, s1;
	[bflag:$0x2] =	sbarrier.arrive $0xFFFF  }
0x3c: {  	[sflag:s0] =	ssyncadd.tile.s32 @!p0 $0x1;
	_ =	shalt  }
.Lfunc_end2:
_tile_overlayer_lowered:
.L_overlay_start_2:
0x3d: {  	(tag) =	ssettag $0x2  }
0x3e: {  	s0 =	rddreg [dreg:$0x0];
	s2 =	stileid.u32  }
0x3f: {  	s1 =	rddreg [dreg:$0x1];
	p0 =	sne.s32 s2, $0x0  }
0x40: {  	s3 =	rddreg [dreg:$0x2];
	[bflag:$0x3] =	sbarrier.arrive $0xFFFF;
	s2 =	simm.s32 @!p0 $0x1C02  }
0x41: {  	[timem:s3], [sflag:s2] =	dma.local @!p0 [hbm:s0], s1  }
0x42: {  	s0 =	simm.s32 @!p0 $0x2  }
0x43: {  	_ =	swait.ge @!p0 [sflag:s0], s1  }
0x44: {  	s1 =	ssub.s32 @!p0 $0x0, s1;
	[sflag:s0] =	ssyncset.done @!p0 $0x0  }
0x45: {  	[sflag:s0] =	ssyncadd.s32 @!p0 s1  }
0x46: {  	[bflag:$0x3] =	sbarrier.arrive $0xFFFF  }
0x47: {  	_ =	shalt  }

</sc_bundles>
